<compile_context>
chip_gen: v7x
topology: tpu7x:2x2x1
jax: 0.10.2.dev20260603
libtpu: 0.0.44.dev20260713+nightly
codegen_flags: <defaults>
</compile_context>

<pallas_src>
import jax
import jax.numpy as jnp
from jax import lax
from jax.experimental import pallas as pl
from jax.experimental.pallas import tpu as pltpu
from jax.experimental.pallas import tpu_sc as plsc

TOKEN_SEQ_LEN = 1024
W = 1536
N = 64 * 1024
NC, NS, L = 2, 16, 16
NW = NC * NS
TR = TOKEN_SEQ_LEN // NW
SEG = 2048
NSEG = N // SEG
DEPTH = 64


def _sc_push(pos_hbm, mask_hbm, table_hbm, out_hbm,
             tblbuf, zbuf, pseg, mseg, olist, zlist, cntbuf, wsem):
    wid = lax.axis_index("s") * NC + lax.axis_index("c")
    r0 = wid * TR

    pltpu.sync_copy(table_hbm.at[pl.ds(r0, TR)], tblbuf)

    def zero_body(r):
        def zcol(g):
            zbuf[r, pl.ds(g * L, L)] = jnp.zeros((L,), jnp.float32)

        pl.loop(0, W // L)(zcol)

    pl.loop(0, L)(zero_body)

    def fire(j):
        v = olist[pl.ds(j, L)][0]
        o = v & jnp.int32(0xFFFF)
        rl = lax.shift_right_logical(v, jnp.int32(16))
        pltpu.async_copy(tblbuf.at[pl.ds(rl, 1)],
                         out_hbm.at[pl.ds(o, 1)], wsem)

    def drain_one():
        pltpu.make_async_copy(table_hbm.at[pl.ds(0, 1)],
                              tblbuf.at[pl.ds(0, 1)], wsem).wait()

    def drain_16():
        pltpu.make_async_copy(table_hbm.at[pl.ds(0, L)],
                              zbuf, wsem).wait()

    def seg_body(s, inflight):
        pltpu.sync_copy(pos_hbm.at[pl.ds(s * SEG, SEG)], pseg)
        pltpu.sync_copy(mask_hbm.at[pl.ds(s * SEG, SEG)], mseg)

        lanes = lax.iota(jnp.int32, L)
        obase = s * SEG + lanes

        def scan_body(i, offv):
            sl = pl.ds(i * L, L)
            p = pseg[sl]
            m = mseg[sl]
            q = jnp.where(m != jnp.int32(0), p - r0, jnp.int32(-1))
            inr = plsc.bitcast(q, jnp.uint32) < jnp.uint32(TR)
            val = (obase + i * L) | lax.shift_left(p - r0, jnp.int32(16))
            key = jnp.where(inr, jnp.uint32(0), jnp.uint32(1))
            _, vs = plsc.sort_key_val(key, val)
            plsc.store_scatter(olist, [offv + lanes], vs)
            return offv + plsc.all_reduce_population_count(inr)

        offv = lax.fori_loop(0, SEG // L, scan_body,
                             jnp.zeros((L,), jnp.int32))
        cntbuf[pl.ds(0, L)] = offv
        cnt = cntbuf[pl.ds(0, L)][0]

        def fire_body(j, fly):
            fire(j)

            @pl.when(fly >= DEPTH)
            def _():
                drain_one()

            return jnp.minimum(fly + 1, DEPTH)

        fly = lax.fori_loop(0, cnt, fire_body, inflight)

        @pl.when(s == wid)
        def _():
            def zscan_body(i, offv):
                sl = pl.ds(i * L, L)
                m = mseg[sl]
                zm = m == jnp.int32(0)
                key = jnp.where(zm, jnp.uint32(0), jnp.uint32(1))
                _, vs = plsc.sort_key_val(key, obase + i * L)
                plsc.store_scatter(zlist, [offv + lanes], vs)
                return offv + plsc.all_reduce_population_count(zm)

            zoffv = lax.fori_loop(0, SEG // L, zscan_body,
                                  jnp.zeros((L,), jnp.int32))
            cntbuf[pl.ds(0, L)] = zoffv
            zcnt = cntbuf[pl.ds(0, L)][0]

            ngz = lax.shift_right_logical(zcnt, jnp.int32(4))
            remz = zcnt & jnp.int32(15)

            def zloop(g, z):
                zv = zlist[pl.ds(g * L, L)]
                pltpu.async_copy(zbuf, out_hbm.at[zv], wsem)

                @pl.when(g >= 1)
                def _():
                    drain_16()

                return z

            lax.fori_loop(0, ngz, zloop, jnp.int32(0))

            zvt = zlist[pl.ds(ngz * L, L)]
            for t in range(L):
                @pl.when(t < remz)
                def _(t=t):
                    pltpu.async_copy(zbuf.at[pl.ds(0, 1)],
                                     out_hbm.at[pl.ds(zvt[t], 1)], wsem)

            @pl.when(ngz >= 1)
            def _():
                drain_16()

            for t in range(L):
                @pl.when(t < remz)
                def _():
                    drain_one()

        return fly

    inflight = lax.fori_loop(0, NSEG, seg_body, jnp.int32(0))

    def tail_body(t):
        @pl.when(t < inflight)
        def _():
            drain_one()

    pl.loop(0, DEPTH)(tail_body)


@jax.jit
def kernel(obs_pos, obs_mask, table):
    B, S = obs_pos.shape
    pos = obs_pos.reshape(N)
    mask = obs_mask.reshape(N)

    mesh = plsc.VectorSubcoreMesh(
        core_axis_name="c", subcore_axis_name="s",
        num_cores=NC, num_subcores=NS)
    out = pl.kernel(
        _sc_push,
        out_type=jax.ShapeDtypeStruct((N, W), jnp.float32),
        mesh=mesh,
        compiler_params=pltpu.CompilerParams(needs_layout_passes=False),
        scratch_types=[
            pltpu.VMEM((TR, W), jnp.float32),
            pltpu.VMEM((L, W), jnp.float32),
            pltpu.VMEM((SEG,), jnp.int32),
            pltpu.VMEM((SEG,), jnp.int32),
            pltpu.VMEM((SEG + L,), jnp.int32),
            pltpu.VMEM((SEG + L,), jnp.int32),
            pltpu.VMEM((L,), jnp.int32),
            pltpu.SemaphoreType.DMA,
        ],
    )(pos, mask, table)
    return out.reshape(B, S, W)

# --- scband reference (transcript-rebuilt; emitter-appended) ---
"""Pipeline reference for scband-local-position-encoding-1279900254670 (READ-ONLY COPY).

The authoritative reference and input builder live on the scoring server;
editing this copy changes nothing except your own understanding.
"""

import jax, jax.numpy as jnp
import numpy as np

TOKEN_SEQ_LEN = 1024
LAYER_WIDTH = 1536
BATCH = 64
SEQ = 1024


def setup_inputs(seed: int = 0) -> dict:
    key = jax.random.key(seed)
    k1, k2, k3 = jax.random.split(key, 3)
    obs_pos = jax.random.randint(k1, (BATCH, SEQ), 0, TOKEN_SEQ_LEN, dtype=jnp.int32)
    obs_mask = jax.random.randint(k2, (BATCH, 1, SEQ), 0, 2, dtype=jnp.int32)
    table = jax.random.normal(k3, (TOKEN_SEQ_LEN, LAYER_WIDTH), dtype=jnp.float32) * 0.02
    return {"obs_pos": obs_pos, "obs_mask": obs_mask, "table": table}


def reference(obs_pos, obs_mask, table):
    # embed = nn.Embedding lookup
    embed = jnp.take(table, obs_pos, axis=0)  # [B, S, W]
    ones = jnp.ones((embed.shape[0], 1, table.shape[1]), dtype=embed.dtype)  # [B, 1, W]
    # obs_mask.float().transpose(-1, -2).matmul(ones): [B, S, 1] @ [B, 1, W] -> [B, S, W]
    mask = jnp.matmul(jnp.swapaxes(obs_mask.astype(jnp.float32), -1, -2), ones)
    return embed * mask

if __name__ == "__main__":
    import jax
    _d = setup_inputs()
    print(jax.jit(kernel)(*tuple(_d.values())))

</pallas_src>

<mosaic_0001>
#map = affine_map<(d0, d1) -> (0)>
#map1 = affine_map<(d0, d1) -> (0, 0)>
module attributes {stable_mosaic.version = 14 : i64} {
  func.func @_sc_push(%arg0: i32, %arg1: i32, %arg2: memref<65536xi32, #tpu.memory_space<hbm>>, %arg3: memref<65536xi32, #tpu.memory_space<hbm>>, %arg4: memref<1024x1536xf32, #tpu.memory_space<hbm>>, %arg5: memref<65536x1536xf32, #tpu.memory_space<hbm>>, %arg6: memref<32x1536xf32, #tpu.memory_space<vmem>>, %arg7: memref<16x1536xf32, #tpu.memory_space<vmem>>, %arg8: memref<2048xi32, #tpu.memory_space<vmem>>, %arg9: memref<2048xi32, #tpu.memory_space<vmem>>, %arg10: memref<2064xi32, #tpu.memory_space<vmem>>, %arg11: memref<2064xi32, #tpu.memory_space<vmem>>, %arg12: memref<16xi32, #tpu.memory_space<vmem>>, %arg13: memref<!tpu.dma_semaphore, #tpu.memory_space<semaphore_mem>>) attributes {dimension_semantics = [#tpu.dimension_semantics<core_parallel>, #tpu.dimension_semantics<subcore_parallel>], iteration_bounds = array<i64: 2, 16>, scalar_prefetch = 0 : i64, scratch_operands = 8 : i64, tpu.core_type = #tpu.core_type<sc_vector_subcore>, window_params = [{transform_indices = #map}, {transform_indices = #map}, {transform_indices = #map1}, {transform_indices = #map1}]} {
    %mul3A = arith.constant 2 : i32
    %mul3A_0 = arith.muli %arg1, %mul3A : i32
    %add3A = arith.addi %mul3A_0, %arg0 : i32
    %mul3A_1 = arith.constant 32 : i32
    %mul3A_2 = arith.muli %add3A, %mul3A_1 : i32
    "tpu.region"() ({
      %run_scoped3A = tpu.sem_alloc : memref<!tpu.dma_semaphore, #tpu.memory_space<semaphore_mem>>
      %dma_start3A = arith.constant 0 : i32
      %dma_start3A_19 = tpu.memref_slice %arg4[%mul3A_2, %dma_start3A] : memref<1024x1536xf32, #tpu.memory_space<hbm>> -> memref<32x1536xf32, #tpu.memory_space<hbm>>
      %dma_start3A_20 = arith.constant 0 : i32
      %dma_start3A_21 = tpu.memref_slice %arg4[%mul3A_2, %dma_start3A_20] : memref<1024x1536xf32, #tpu.memory_space<hbm>> -> memref<32x1536xf32, #tpu.memory_space<hbm>>
      tpu.enqueue_dma source(%dma_start3A_21 : memref<32x1536xf32, #tpu.memory_space<hbm>>) target(%arg6 : memref<32x1536xf32, #tpu.memory_space<vmem>>) target_semaphore(%run_scoped3A : memref<!tpu.dma_semaphore, #tpu.memory_space<semaphore_mem>>)
      %dma_wait3A = arith.constant 0 : i32
      %dma_wait3A_22 = tpu.memref_slice %arg4[%mul3A_2, %dma_wait3A] : memref<1024x1536xf32, #tpu.memory_space<hbm>> -> memref<32x1536xf32, #tpu.memory_space<hbm>>
      %dma_wait3A_23 = arith.constant 0 : i32
      %dma_wait3A_24 = tpu.memref_slice %arg4[%mul3A_2, %dma_wait3A_23] : memref<1024x1536xf32, #tpu.memory_space<hbm>> -> memref<32x1536xf32, #tpu.memory_space<hbm>>
      tpu.wait_dma2 semaphore(%run_scoped3A : memref<!tpu.dma_semaphore, #tpu.memory_space<semaphore_mem>>) src(%dma_wait3A_24 : memref<32x1536xf32, #tpu.memory_space<hbm>>) dst(%arg6 : memref<32x1536xf32, #tpu.memory_space<vmem>>)
      tpu.yield
    }) : () -> ()
    %scan3A = arith.constant 0 : i32
    %scan3A_3 = arith.constant 16 : i32
    %scan3A_4 = arith.addi %scan3A, %scan3A_3 : i32
    %scan3A_5 = arith.constant 1 : i32
    scf.for %scan3A_19 = %scan3A to %scan3A_4 step %scan3A_5  : i32 {
      %mul3A_20 = arith.constant 1 : i32
      %mul3A_21 = arith.muli %scan3A_19, %mul3A_20 : i32
      %add3A_22 = arith.constant 0 : i32
      %add3A_23 = arith.addi %add3A_22, %mul3A_21 : i32
      %scan3A_24 = arith.constant 0 : i32
      %scan3A_25 = arith.constant 96 : i32
      %scan3A_26 = arith.addi %scan3A_24, %scan3A_25 : i32
      %scan3A_27 = arith.constant 1 : i32
      scf.for %scan3A_29 = %scan3A_24 to %scan3A_26 step %scan3A_27  : i32 {
        %mul3A_30 = arith.constant 1 : i32
        %mul3A_31 = arith.muli %scan3A_29, %mul3A_30 : i32
        %add3A_32 = arith.constant 0 : i32
        %add3A_33 = arith.addi %add3A_32, %mul3A_31 : i32
        %broadcast_in_dim3A = arith.constant 0.000000e+00 : f32
        %broadcast_in_dim3A_34 = vector.broadcast %broadcast_in_dim3A : f32 to vector<16xf32>
        %mul3A_35 = arith.constant 16 : i32
        %mul3A_36 = arith.muli %add3A_33, %mul3A_35 : i32
        %swap3A = arith.index_cast %add3A_23 : i32 to index
        %swap3A_37 = arith.index_cast %mul3A_36 : i32 to index
        %swap3A_38 = tpu.vector_load %arg7[%swap3A, %swap3A_37] {strides = array<i32>} : memref<16x1536xf32, #tpu.memory_space<vmem>>, vector<16xf32>,
        tpu.vector_store %arg7[%swap3A, %swap3A_37], %broadcast_in_dim3A_34 {strides = array<i32>} : memref<16x1536xf32, #tpu.memory_space<vmem>>, vector<16xf32>,
      }
      %scan3A_28 = arith.constant 96 : i32
    }
    %scan3A_6 = arith.constant 16 : i32
    %scan3A_7 = arith.constant 0 : i32
    %scan3A_8 = arith.constant 0 : i32
    %scan3A_9 = arith.constant 32 : i32
    %scan3A_10 = arith.addi %scan3A_8, %scan3A_9 : i32
    %scan3A_11 = arith.constant 1 : i32
    %scan3A_12 = scf.for %scan3A_19 = %scan3A_8 to %scan3A_10 step %scan3A_11 iter_args(%scan3A_20 = %scan3A_7) -> (i32)  : i32 {
      %mul3A_21 = arith.constant 2048 : i32
      %mul3A_22 = arith.muli %scan3A_19, %mul3A_21 : i32
      "tpu.region"() ({
        %run_scoped3A = tpu.sem_alloc : memref<!tpu.dma_semaphore, #tpu.memory_space<semaphore_mem>>
        %dma_start3A = tpu.memref_slice %arg2[%mul3A_22] : memref<65536xi32, #tpu.memory_space<hbm>> -> memref<2048xi32, #tpu.memory_space<hbm>>
        %dma_start3A_49 = tpu.memref_slice %arg2[%mul3A_22] : memref<65536xi32, #tpu.memory_space<hbm>> -> memref<2048xi32, #tpu.memory_space<hbm>>
        tpu.enqueue_dma source(%dma_start3A_49 : memref<2048xi32, #tpu.memory_space<hbm>>) target(%arg8 : memref<2048xi32, #tpu.memory_space<vmem>>) target_semaphore(%run_scoped3A : memref<!tpu.dma_semaphore, #tpu.memory_space<semaphore_mem>>)
        %dma_wait3A = tpu.memref_slice %arg2[%mul3A_22] : memref<65536xi32, #tpu.memory_space<hbm>> -> memref<2048xi32, #tpu.memory_space<hbm>>
        %dma_wait3A_50 = tpu.memref_slice %arg2[%mul3A_22] : memref<65536xi32, #tpu.memory_space<hbm>> -> memref<2048xi32, #tpu.memory_space<hbm>>
        tpu.wait_dma2 semaphore(%run_scoped3A : memref<!tpu.dma_semaphore, #tpu.memory_space<semaphore_mem>>) src(%dma_wait3A_50 : memref<2048xi32, #tpu.memory_space<hbm>>) dst(%arg8 : memref<2048xi32, #tpu.memory_space<vmem>>)
        tpu.yield
      }) : () -> ()
      %mul3A_23 = arith.constant 2048 : i32
      %mul3A_24 = arith.muli %scan3A_19, %mul3A_23 : i32
      "tpu.region"() ({
        %run_scoped3A = tpu.sem_alloc : memref<!tpu.dma_semaphore, #tpu.memory_space<semaphore_mem>>
        %dma_start3A = tpu.memref_slice %arg3[%mul3A_24] : memref<65536xi32, #tpu.memory_space<hbm>> -> memref<2048xi32, #tpu.memory_space<hbm>>
        %dma_start3A_49 = tpu.memref_slice %arg3[%mul3A_24] : memref<65536xi32, #tpu.memory_space<hbm>> -> memref<2048xi32, #tpu.memory_space<hbm>>
        tpu.enqueue_dma source(%dma_start3A_49 : memref<2048xi32, #tpu.memory_space<hbm>>) target(%arg9 : memref<2048xi32, #tpu.memory_space<vmem>>) target_semaphore(%run_scoped3A : memref<!tpu.dma_semaphore, #tpu.memory_space<semaphore_mem>>)
        %dma_wait3A = tpu.memref_slice %arg3[%mul3A_24] : memref<65536xi32, #tpu.memory_space<hbm>> -> memref<2048xi32, #tpu.memory_space<hbm>>
        %dma_wait3A_50 = tpu.memref_slice %arg3[%mul3A_24] : memref<65536xi32, #tpu.memory_space<hbm>> -> memref<2048xi32, #tpu.memory_space<hbm>>
        tpu.wait_dma2 semaphore(%run_scoped3A : memref<!tpu.dma_semaphore, #tpu.memory_space<semaphore_mem>>) src(%dma_wait3A_50 : memref<2048xi32, #tpu.memory_space<hbm>>) dst(%arg9 : memref<2048xi32, #tpu.memory_space<vmem>>)
        tpu.yield
      }) : () -> ()
      %iota3A = tpu.iota {dimensions = array<i32: 0>} : vector<16xi32>
      %mul3A_25 = arith.constant 2048 : i32
      %mul3A_26 = arith.muli %scan3A_19, %mul3A_25 : i32
      %add3A_27 = vector.broadcast %mul3A_26 : i32 to vector<16xi32>
      %add3A_28 = arith.addi %add3A_27, %iota3A : vector<16xi32>
      %broadcast_in_dim3A = arith.constant 0 : i32
      %broadcast_in_dim3A_29 = vector.broadcast %broadcast_in_dim3A : i32 to vector<16xi32>
      %scan3A_30 = arith.constant 0 : i32
      %scan3A_31 = arith.constant 128 : i32
      %scan3A_32 = arith.addi %scan3A_30, %scan3A_31 : i32
      %scan3A_33 = arith.constant 1 : i32
      %scan3A_34 = scf.for %scan3A_49 = %scan3A_30 to %scan3A_32 step %scan3A_33 iter_args(%scan3A_50 = %broadcast_in_dim3A_29) -> (vector<16xi32>)  : i32 {
        %mul3A_51 = arith.constant 16 : i32
        %mul3A_52 = arith.muli %scan3A_49, %mul3A_51 : i32
        %get3A_53 = arith.index_cast %mul3A_52 : i32 to index
        %get3A_54 = tpu.vector_load %arg8[%get3A_53] {strides = array<i32>} : memref<2048xi32, #tpu.memory_space<vmem>>, vector<16xi32>,
        %get3A_55 = arith.index_cast %mul3A_52 : i32 to index
        %get3A_56 = tpu.vector_load %arg9[%get3A_55] {strides = array<i32>} : memref<2048xi32, #tpu.memory_space<vmem>>, vector<16xi32>,
        %ne3A = arith.constant 0 : i32
        %ne3A_57 = vector.broadcast %ne3A : i32 to vector<16xi32>
        %ne3A_58 = arith.cmpi ne, %get3A_56, %ne3A_57 : vector<16xi32>
        %sub3A = vector.broadcast %mul3A_2 : i32 to vector<16xi32>
        %sub3A_59 = arith.subi %get3A_54, %sub3A : vector<16xi32>
        %jit3A = arith.constant -1 : i32
        %broadcast_in_dim3A_60 = vector.broadcast %jit3A : i32 to vector<16xi32>
        %select_n3A = arith.select %ne3A_58, %sub3A_59, %broadcast_in_dim3A_60 : vector<16xi1>, vector<16xi32>
        %bitcast3A = vector.bitcast %select_n3A : vector<16xi32> to vector<16xi32>
        %lt3A = arith.constant 32 : i32
        %lt3A_61 = vector.broadcast %lt3A : i32 to vector<16xi32>
        %lt3A_62 = arith.cmpi ult, %bitcast3A, %lt3A_61 : vector<16xi32>
        %mul3A_63 = arith.constant 16 : i32
        %mul3A_64 = arith.muli %scan3A_49, %mul3A_63 : i32
        %add3A_65 = vector.broadcast %mul3A_64 : i32 to vector<16xi32>
        %add3A_66 = arith.addi %add3A_28, %add3A_65 : vector<16xi32>
        %sub3A_67 = vector.broadcast %mul3A_2 : i32 to vector<16xi32>
        %sub3A_68 = arith.subi %get3A_54, %sub3A_67 : vector<16xi32>
        %shift_left3A = arith.constant 16 : i32
        %shift_left3A_69 = vector.broadcast %shift_left3A : i32 to vector<16xi32>
        %shift_left3A_70 = arith.shli %sub3A_68, %shift_left3A_69 : vector<16xi32>
        %or3A = arith.ori %add3A_66, %shift_left3A_70 : vector<16xi32>
        %jit3A_71 = arith.constant 0 : i32
        %jit3A_72 = arith.constant 1 : i32
        %broadcast_in_dim3A_73 = vector.broadcast %jit3A_71 : i32 to vector<16xi32>
        %broadcast_in_dim3A_74 = vector.broadcast %jit3A_72 : i32 to vector<16xi32>
        %select_n3A_75 = arith.select %lt3A_62, %broadcast_in_dim3A_73, %broadcast_in_dim3A_74 : vector<16xi1>, vector<16xi32>
        %masked_sort3A = arith.constant dense<true> : vector<16xi1>
        %masked_sort3A_76, %masked_sort3A_77, %masked_sort3A_78 = tpu.sort %select_n3A_75, %or3A masked %masked_sort3A : (vector<16xi32>, vector<16xi32>, vector<16xi1>) -> (vector<16xi1>, vector<16xi32>, vector<16xi32>)
        %add3A_79 = arith.addi %scan3A_50, %iota3A : vector<16xi32>
        tpu.vector_store_idx %arg10[%add3A_79], %masked_sort3A_78 : memref<2064xi32, #tpu.memory_space<vmem>>[vector<16xi32>], vector<16xi32>,
        %all_reduce_population_count3A = tpu.all_reduce %lt3A_62 {dim = 0 : i64, kind = #tpu.reduction_kind<sum>} : vector<16xi1> -> vector<16xi32>
        %add3A_80 = arith.addi %scan3A_50, %all_reduce_population_count3A : vector<16xi32>
        scf.yield %add3A_80 : vector<16xi32>
      }
      %scan3A_35 = arith.constant 128 : i32
      %swap3A = arith.constant 0 : index
      %swap3A_36 = tpu.vector_load %arg12[%swap3A] {strides = array<i32>} : memref<16xi32, #tpu.memory_space<vmem>>, vector<16xi32>,
      tpu.vector_store %arg12[%swap3A], %scan3A_34 {strides = array<i32>} : memref<16xi32, #tpu.memory_space<vmem>>, vector<16xi32>,
      %get3A = arith.constant 0 : index
      %get3A_37 = tpu.vector_load %arg12[%get3A] {strides = array<i32>} : memref<16xi32, #tpu.memory_space<vmem>>, vector<16xi32>,
      %slice3A = vector.extract_strided_slice %get3A_37 {offsets = [0], sizes = [1], strides = [1]} : vector<16xi32> to vector<1xi32>
      %squeeze3A = vector.extract %slice3A[0] : i32 from vector<1xi32>
      %while3A = arith.constant 0 : i32
      %while3A_38 = arith.subi %squeeze3A, %while3A : i32
      %while3A_39 = arith.addi %while3A, %while3A_38 : i32
      %while3A_40 = arith.constant 1 : i32
      %while3A_41 = arith.divsi %while3A_38, %while3A_40 : i32
      %while3A_42 = arith.muli %while3A_41, %while3A_40 : i32
      %while3A_43 = arith.addi %while3A, %while3A_42 : i32
      %while3A_44 = arith.constant 1 : i32
      %while3A_45 = scf.for %while3A_49 = %while3A to %while3A_43 step %while3A_44 iter_args(%while3A_50 = %scan3A_20) -> (i32)  : i32 {
        %get3A_51 = arith.index_cast %while3A_49 : i32 to index
        %get3A_52 = tpu.vector_load %arg10[%get3A_51] {strides = array<i32>} : memref<2064xi32, #tpu.memory_space<vmem>>, vector<16xi32>,
        %slice3A_53 = vector.extract_strided_slice %get3A_52 {offsets = [0], sizes = [1], strides = [1]} : vector<16xi32> to vector<1xi32>
        %squeeze3A_54 = vector.extract %slice3A_53[0] : i32 from vector<1xi32>
        %and3A = arith.constant 65535 : i32
        %and3A_55 = arith.andi %squeeze3A_54, %and3A : i32
        %shift_right_logical3A = arith.constant 16 : i32
        %shift_right_logical3A_56 = arith.shrui %squeeze3A_54, %shift_right_logical3A : i32
        %dma_start3A = arith.constant 0 : i32
        %dma_start3A_57 = tpu.memref_slice %arg6[%shift_right_logical3A_56, %dma_start3A] : memref<32x1536xf32, #tpu.memory_space<vmem>> -> memref<1x1536xf32, #tpu.memory_space<vmem>>
        %dma_start3A_58 = arith.constant 0 : i32
        %dma_start3A_59 = tpu.memref_slice %arg5[%and3A_55, %dma_start3A_58] : memref<65536x1536xf32, #tpu.memory_space<hbm>> -> memref<1x1536xf32, #tpu.memory_space<hbm>>
        %dma_start3A_60 = arith.constant 0 : i32
        %dma_start3A_61 = tpu.memref_slice %arg5[%and3A_55, %dma_start3A_60] : memref<65536x1536xf32, #tpu.memory_space<hbm>> -> memref<1x1536xf32, #tpu.memory_space<hbm>>
        %dma_start3A_62 = arith.constant 0 : i32
        %dma_start3A_63 = tpu.memref_slice %arg6[%shift_right_logical3A_56, %dma_start3A_62] : memref<32x1536xf32, #tpu.memory_space<vmem>> -> memref<1x1536xf32, #tpu.memory_space<vmem>>
        tpu.enqueue_dma source(%dma_start3A_63 : memref<1x1536xf32, #tpu.memory_space<vmem>>) target(%dma_start3A_61 : memref<1x1536xf32, #tpu.memory_space<hbm>>) target_semaphore(%arg13 : memref<!tpu.dma_semaphore, #tpu.memory_space<semaphore_mem>>)
        %ge3A = arith.constant 64 : i32
        %ge3A_64 = arith.cmpi sge, %while3A_50, %ge3A : i32
        %convert_element_type3A_65 = arith.extui %ge3A_64 : i1 to i32
        %cond3A_66 = arith.constant 0 : i32
        %cond3A_67 = arith.cmpi ne, %convert_element_type3A_65, %cond3A_66 : i32
        scf.if %cond3A_67 {
          %dma_wait3A = arith.constant 0 : i32
          %dma_wait3A_71 = arith.constant 0 : i32
          %dma_wait3A_72 = tpu.memref_slice %arg6[%dma_wait3A, %dma_wait3A_71] : memref<32x1536xf32, #tpu.memory_space<vmem>> -> memref<1x1536xf32, #tpu.memory_space<vmem>>
          %dma_wait3A_73 = arith.constant 0 : i32
          %dma_wait3A_74 = arith.constant 0 : i32
          %dma_wait3A_75 = tpu.memref_slice %arg4[%dma_wait3A_73, %dma_wait3A_74] : memref<1024x1536xf32, #tpu.memory_space<hbm>> -> memref<1x1536xf32, #tpu.memory_space<hbm>>
          %dma_wait3A_76 = arith.constant 0 : i32
          %dma_wait3A_77 = arith.constant 0 : i32
          %dma_wait3A_78 = tpu.memref_slice %arg6[%dma_wait3A_76, %dma_wait3A_77] : memref<32x1536xf32, #tpu.memory_space<vmem>> -> memref<1x1536xf32, #tpu.memory_space<vmem>>
          %dma_wait3A_79 = arith.constant 0 : i32
          %dma_wait3A_80 = arith.constant 0 : i32
          %dma_wait3A_81 = tpu.memref_slice %arg4[%dma_wait3A_79, %dma_wait3A_80] : memref<1024x1536xf32, #tpu.memory_space<hbm>> -> memref<1x1536xf32, #tpu.memory_space<hbm>>
          tpu.wait_dma2 semaphore(%arg13 : memref<!tpu.dma_semaphore, #tpu.memory_space<semaphore_mem>>) src(%dma_wait3A_81 : memref<1x1536xf32, #tpu.memory_space<hbm>>) dst(%dma_wait3A_78 : memref<1x1536xf32, #tpu.memory_space<vmem>>)
        } else {
        }
        %add3A_68 = arith.constant 1 : i32
        %add3A_69 = arith.addi %while3A_50, %add3A_68 : i32
        %min3A = arith.constant 64 : i32
        %min3A_70 = arith.minsi %add3A_69, %min3A : i32
        scf.yield %min3A_70 : i32
      }
      %while3A_46 = arith.constant 1 : i32
      %while3A_47 = scf.for %while3A_49 = %while3A_43 to %while3A_39 step %while3A_46 iter_args(%while3A_50 = %while3A_45) -> (i32)  : i32 {
        %get3A_51 = arith.index_cast %while3A_49 : i32 to index
        %get3A_52 = tpu.vector_load %arg10[%get3A_51] {strides = array<i32>} : memref<2064xi32, #tpu.memory_space<vmem>>, vector<16xi32>,
        %slice3A_53 = vector.extract_strided_slice %get3A_52 {offsets = [0], sizes = [1], strides = [1]} : vector<16xi32> to vector<1xi32>
        %squeeze3A_54 = vector.extract %slice3A_53[0] : i32 from vector<1xi32>
        %and3A = arith.constant 65535 : i32
        %and3A_55 = arith.andi %squeeze3A_54, %and3A : i32
        %shift_right_logical3A = arith.constant 16 : i32
        %shift_right_logical3A_56 = arith.shrui %squeeze3A_54, %shift_right_logical3A : i32
        %dma_start3A = arith.constant 0 : i32
        %dma_start3A_57 = tpu.memref_slice %arg6[%shift_right_logical3A_56, %dma_start3A] : memref<32x1536xf32, #tpu.memory_space<vmem>> -> memref<1x1536xf32, #tpu.memory_space<vmem>>
        %dma_start3A_58 = arith.constant 0 : i32
        %dma_start3A_59 = tpu.memref_slice %arg5[%and3A_55, %dma_start3A_58] : memref<65536x1536xf32, #tpu.memory_space<hbm>> -> memref<1x1536xf32, #tpu.memory_space<hbm>>
        %dma_start3A_60 = arith.constant 0 : i32
        %dma_start3A_61 = tpu.memref_slice %arg5[%and3A_55, %dma_start3A_60] : memref<65536x1536xf32, #tpu.memory_space<hbm>> -> memref<1x1536xf32, #tpu.memory_space<hbm>>
        %dma_start3A_62 = arith.constant 0 : i32
        %dma_start3A_63 = tpu.memref_slice %arg6[%shift_right_logical3A_56, %dma_start3A_62] : memref<32x1536xf32, #tpu.memory_space<vmem>> -> memref<1x1536xf32, #tpu.memory_space<vmem>>
        tpu.enqueue_dma source(%dma_start3A_63 : memref<1x1536xf32, #tpu.memory_space<vmem>>) target(%dma_start3A_61 : memref<1x1536xf32, #tpu.memory_space<hbm>>) target_semaphore(%arg13 : memref<!tpu.dma_semaphore, #tpu.memory_space<semaphore_mem>>)
        %ge3A = arith.constant 64 : i32
        %ge3A_64 = arith.cmpi sge, %while3A_50, %ge3A : i32
        %convert_element_type3A_65 = arith.extui %ge3A_64 : i1 to i32
        %cond3A_66 = arith.constant 0 : i32
        %cond3A_67 = arith.cmpi ne, %convert_element_type3A_65, %cond3A_66 : i32
        scf.if %cond3A_67 {
          %dma_wait3A = arith.constant 0 : i32
          %dma_wait3A_71 = arith.constant 0 : i32
          %dma_wait3A_72 = tpu.memref_slice %arg6[%dma_wait3A, %dma_wait3A_71] : memref<32x1536xf32, #tpu.memory_space<vmem>> -> memref<1x1536xf32, #tpu.memory_space<vmem>>
          %dma_wait3A_73 = arith.constant 0 : i32
          %dma_wait3A_74 = arith.constant 0 : i32
          %dma_wait3A_75 = tpu.memref_slice %arg4[%dma_wait3A_73, %dma_wait3A_74] : memref<1024x1536xf32, #tpu.memory_space<hbm>> -> memref<1x1536xf32, #tpu.memory_space<hbm>>
          %dma_wait3A_76 = arith.constant 0 : i32
          %dma_wait3A_77 = arith.constant 0 : i32
          %dma_wait3A_78 = tpu.memref_slice %arg6[%dma_wait3A_76, %dma_wait3A_77] : memref<32x1536xf32, #tpu.memory_space<vmem>> -> memref<1x1536xf32, #tpu.memory_space<vmem>>
          %dma_wait3A_79 = arith.constant 0 : i32
          %dma_wait3A_80 = arith.constant 0 : i32
          %dma_wait3A_81 = tpu.memref_slice %arg4[%dma_wait3A_79, %dma_wait3A_80] : memref<1024x1536xf32, #tpu.memory_space<hbm>> -> memref<1x1536xf32, #tpu.memory_space<hbm>>
          tpu.wait_dma2 semaphore(%arg13 : memref<!tpu.dma_semaphore, #tpu.memory_space<semaphore_mem>>) src(%dma_wait3A_81 : memref<1x1536xf32, #tpu.memory_space<hbm>>) dst(%dma_wait3A_78 : memref<1x1536xf32, #tpu.memory_space<vmem>>)
        } else {
        }
        %add3A_68 = arith.constant 1 : i32
        %add3A_69 = arith.addi %while3A_50, %add3A_68 : i32
        %min3A = arith.constant 64 : i32
        %min3A_70 = arith.minsi %add3A_69, %min3A : i32
        scf.yield %min3A_70 : i32
      }
      %eq3A = arith.cmpi eq, %scan3A_19, %add3A : i32
      %convert_element_type3A = arith.extui %eq3A : i1 to i32
      %cond3A = arith.constant 0 : i32
      %cond3A_48 = arith.cmpi ne, %convert_element_type3A, %cond3A : i32
      scf.if %cond3A_48 {
        %broadcast_in_dim3A_49 = arith.constant 0 : i32
        %broadcast_in_dim3A_50 = vector.broadcast %broadcast_in_dim3A_49 : i32 to vector<16xi32>
        %scan3A_51 = arith.constant 0 : i32
        %scan3A_52 = arith.constant 128 : i32
        %scan3A_53 = arith.addi %scan3A_51, %scan3A_52 : i32
        %scan3A_54 = arith.constant 1 : i32
        %scan3A_55 = scf.for %scan3A_242 = %scan3A_51 to %scan3A_53 step %scan3A_54 iter_args(%scan3A_243 = %broadcast_in_dim3A_50) -> (vector<16xi32>)  : i32 {
          %mul3A_244 = arith.constant 16 : i32
          %mul3A_245 = arith.muli %scan3A_242, %mul3A_244 : i32
          %get3A_246 = arith.index_cast %mul3A_245 : i32 to index
          %get3A_247 = tpu.vector_load %arg9[%get3A_246] {strides = array<i32>} : memref<2048xi32, #tpu.memory_space<vmem>>, vector<16xi32>,
          %eq3A_248 = arith.constant 0 : i32
          %eq3A_249 = vector.broadcast %eq3A_248 : i32 to vector<16xi32>
          %eq3A_250 = arith.cmpi eq, %get3A_247, %eq3A_249 : vector<16xi32>
          %jit3A = arith.constant 0 : i32
          %jit3A_251 = arith.constant 1 : i32
          %broadcast_in_dim3A_252 = vector.broadcast %jit3A : i32 to vector<16xi32>
          %broadcast_in_dim3A_253 = vector.broadcast %jit3A_251 : i32 to vector<16xi32>
          %select_n3A = arith.select %eq3A_250, %broadcast_in_dim3A_252, %broadcast_in_dim3A_253 : vector<16xi1>, vector<16xi32>
          %mul3A_254 = arith.constant 16 : i32
          %mul3A_255 = arith.muli %scan3A_242, %mul3A_254 : i32
          %add3A_256 = vector.broadcast %mul3A_255 : i32 to vector<16xi32>
          %add3A_257 = arith.addi %add3A_28, %add3A_256 : vector<16xi32>
          %masked_sort3A = arith.constant dense<true> : vector<16xi1>
          %masked_sort3A_258, %masked_sort3A_259, %masked_sort3A_260 = tpu.sort %select_n3A, %add3A_257 masked %masked_sort3A : (vector<16xi32>, vector<16xi32>, vector<16xi1>) -> (vector<16xi1>, vector<16xi32>, vector<16xi32>)
          %add3A_261 = arith.addi %scan3A_243, %iota3A : vector<16xi32>
          tpu.vector_store_idx %arg11[%add3A_261], %masked_sort3A_260 : memref<2064xi32, #tpu.memory_space<vmem>>[vector<16xi32>], vector<16xi32>,
          %all_reduce_population_count3A = tpu.all_reduce %eq3A_250 {dim = 0 : i64, kind = #tpu.reduction_kind<sum>} : vector<16xi1> -> vector<16xi32>
          %add3A_262 = arith.addi %scan3A_243, %all_reduce_population_count3A : vector<16xi32>
          scf.yield %add3A_262 : vector<16xi32>
        }
        %scan3A_56 = arith.constant 128 : i32
        %swap3A_57 = arith.constant 0 : index
        %swap3A_58 = tpu.vector_load %arg12[%swap3A_57] {strides = array<i32>} : memref<16xi32, #tpu.memory_space<vmem>>, vector<16xi32>,
        tpu.vector_store %arg12[%swap3A_57], %scan3A_55 {strides = array<i32>} : memref<16xi32, #tpu.memory_space<vmem>>, vector<16xi32>,
        %get3A_59 = arith.constant 0 : index
        %get3A_60 = tpu.vector_load %arg12[%get3A_59] {strides = array<i32>} : memref<16xi32, #tpu.memory_space<vmem>>, vector<16xi32>,
        %slice3A_61 = vector.extract_strided_slice %get3A_60 {offsets = [0], sizes = [1], strides = [1]} : vector<16xi32> to vector<1xi32>
        %squeeze3A_62 = vector.extract %slice3A_61[0] : i32 from vector<1xi32>
        %shift_right_logical3A = arith.constant 4 : i32
        %shift_right_logical3A_63 = arith.shrui %squeeze3A_62, %shift_right_logical3A : i32
        %and3A = arith.constant 15 : i32
        %and3A_64 = arith.andi %squeeze3A_62, %and3A : i32
        %while3A_65 = arith.constant 0 : i32
        %while3A_66 = arith.constant 0 : i32
        %while3A_67 = arith.subi %shift_right_logical3A_63, %while3A_66 : i32
        %while3A_68 = arith.addi %while3A_66, %while3A_67 : i32
        %while3A_69 = arith.constant 1 : i32
        %while3A_70 = arith.divsi %while3A_67, %while3A_69 : i32
        %while3A_71 = arith.muli %while3A_70, %while3A_69 : i32
        %while3A_72 = arith.addi %while3A_66, %while3A_71 : i32
        %while3A_73 = arith.constant 1 : i32
        scf.for %while3A_242 = %while3A_66 to %while3A_72 step %while3A_73  : i32 {
          %mul3A_243 = arith.constant 16 : i32
          %mul3A_244 = arith.muli %while3A_242, %mul3A_243 : i32
          %get3A_245 = arith.index_cast %mul3A_244 : i32 to index
          %get3A_246 = tpu.vector_load %arg11[%get3A_245] {strides = array<i32>} : memref<2064xi32, #tpu.memory_space<vmem>>, vector<16xi32>,
          %dma_start3A = arith.constant 0 : i32
          %dma_start3A_247 = arith.constant 0 : i32
          %dma_start3A_248 = tpu.memref_slice %arg5[%dma_start3A, %dma_start3A_247] : memref<65536x1536xf32, #tpu.memory_space<hbm>> -> memref<65536x1536xf32, #tpu.memory_space<hbm>>
          tpu.enqueue_indirect_dma source(%arg7 : memref<16x1536xf32, #tpu.memory_space<vmem>>) target(%dma_start3A_248 : memref<65536x1536xf32, #tpu.memory_space<hbm>>) offsets(%get3A_246 : vector<16xi32>) semaphore(%arg13 : memref<!tpu.dma_semaphore, #tpu.memory_space<semaphore_mem>>)
          %ge3A_249 = arith.constant 1 : i32
          %ge3A_250 = arith.cmpi sge, %while3A_242, %ge3A_249 : i32
          %convert_element_type3A_251 = arith.extui %ge3A_250 : i1 to i32
          %cond3A_252 = arith.constant 0 : i32
          %cond3A_253 = arith.cmpi ne, %convert_element_type3A_251, %cond3A_252 : i32
          scf.if %cond3A_253 {
            %dma_wait3A = arith.constant 0 : i32
            %dma_wait3A_254 = arith.constant 0 : i32
            %dma_wait3A_255 = tpu.memref_slice %arg4[%dma_wait3A, %dma_wait3A_254] : memref<1024x1536xf32, #tpu.memory_space<hbm>> -> memref<16x1536xf32, #tpu.memory_space<hbm>>
            %dma_wait3A_256 = arith.constant 0 : i32
            %dma_wait3A_257 = arith.constant 0 : i32
            %dma_wait3A_258 = tpu.memref_slice %arg4[%dma_wait3A_256, %dma_wait3A_257] : memref<1024x1536xf32, #tpu.memory_space<hbm>> -> memref<16x1536xf32, #tpu.memory_space<hbm>>
            tpu.wait_dma2 semaphore(%arg13 : memref<!tpu.dma_semaphore, #tpu.memory_space<semaphore_mem>>) src(%dma_wait3A_258 : memref<16x1536xf32, #tpu.memory_space<hbm>>) dst(%arg7 : memref<16x1536xf32, #tpu.memory_space<vmem>>)
          } else {
          }
        }
        %while3A_74 = arith.constant 1 : i32
        scf.for %while3A_242 = %while3A_72 to %while3A_68 step %while3A_74  : i32 {
          %mul3A_243 = arith.constant 16 : i32
          %mul3A_244 = arith.muli %while3A_242, %mul3A_243 : i32
          %get3A_245 = arith.index_cast %mul3A_244 : i32 to index
          %get3A_246 = tpu.vector_load %arg11[%get3A_245] {strides = array<i32>} : memref<2064xi32, #tpu.memory_space<vmem>>, vector<16xi32>,
          %dma_start3A = arith.constant 0 : i32
          %dma_start3A_247 = arith.constant 0 : i32
          %dma_start3A_248 = tpu.memref_slice %arg5[%dma_start3A, %dma_start3A_247] : memref<65536x1536xf32, #tpu.memory_space<hbm>> -> memref<65536x1536xf32, #tpu.memory_space<hbm>>
          tpu.enqueue_indirect_dma source(%arg7 : memref<16x1536xf32, #tpu.memory_space<vmem>>) target(%dma_start3A_248 : memref<65536x1536xf32, #tpu.memory_space<hbm>>) offsets(%get3A_246 : vector<16xi32>) semaphore(%arg13 : memref<!tpu.dma_semaphore, #tpu.memory_space<semaphore_mem>>)
          %ge3A_249 = arith.constant 1 : i32
          %ge3A_250 = arith.cmpi sge, %while3A_242, %ge3A_249 : i32
          %convert_element_type3A_251 = arith.extui %ge3A_250 : i1 to i32
          %cond3A_252 = arith.constant 0 : i32
          %cond3A_253 = arith.cmpi ne, %convert_element_type3A_251, %cond3A_252 : i32
          scf.if %cond3A_253 {
            %dma_wait3A = arith.constant 0 : i32
            %dma_wait3A_254 = arith.constant 0 : i32
            %dma_wait3A_255 = tpu.memref_slice %arg4[%dma_wait3A, %dma_wait3A_254] : memref<1024x1536xf32, #tpu.memory_space<hbm>> -> memref<16x1536xf32, #tpu.memory_space<hbm>>
            %dma_wait3A_256 = arith.constant 0 : i32
            %dma_wait3A_257 = arith.constant 0 : i32
            %dma_wait3A_258 = tpu.memref_slice %arg4[%dma_wait3A_256, %dma_wait3A_257] : memref<1024x1536xf32, #tpu.memory_space<hbm>> -> memref<16x1536xf32, #tpu.memory_space<hbm>>
            tpu.wait_dma2 semaphore(%arg13 : memref<!tpu.dma_semaphore, #tpu.memory_space<semaphore_mem>>) src(%dma_wait3A_258 : memref<16x1536xf32, #tpu.memory_space<hbm>>) dst(%arg7 : memref<16x1536xf32, #tpu.memory_space<vmem>>)
          } else {
          }
        }
        %mul3A_75 = arith.constant 16 : i32
        %mul3A_76 = arith.muli %shift_right_logical3A_63, %mul3A_75 : i32
        %get3A_77 = arith.index_cast %mul3A_76 : i32 to index
        %get3A_78 = tpu.vector_load %arg11[%get3A_77] {strides = array<i32>} : memref<2064xi32, #tpu.memory_space<vmem>>, vector<16xi32>,
        %gt3A = arith.constant 0 : i32
        %gt3A_79 = arith.cmpi sgt, %and3A_64, %gt3A : i32
        %convert_element_type3A_80 = arith.extui %gt3A_79 : i1 to i32
        %cond3A_81 = arith.constant 0 : i32
        %cond3A_82 = arith.cmpi ne, %convert_element_type3A_80, %cond3A_81 : i32
        scf.if %cond3A_82 {
          %slice3A_242 = vector.extract_strided_slice %get3A_78 {offsets = [0], sizes = [1], strides = [1]} : vector<16xi32> to vector<1xi32>
          %squeeze3A_243 = vector.extract %slice3A_242[0] : i32 from vector<1xi32>
          %dma_start3A = arith.constant 0 : i32
          %dma_start3A_244 = arith.constant 0 : i32
          %dma_start3A_245 = tpu.memref_slice %arg7[%dma_start3A, %dma_start3A_244] : memref<16x1536xf32, #tpu.memory_space<vmem>> -> memref<1x1536xf32, #tpu.memory_space<vmem>>
          %dma_start3A_246 = arith.constant 0 : i32
          %dma_start3A_247 = tpu.memref_slice %arg5[%squeeze3A_243, %dma_start3A_246] : memref<65536x1536xf32, #tpu.memory_space<hbm>> -> memref<1x1536xf32, #tpu.memory_space<hbm>>
          %dma_start3A_248 = arith.constant 0 : i32
          %dma_start3A_249 = tpu.memref_slice %arg5[%squeeze3A_243, %dma_start3A_248] : memref<65536x1536xf32, #tpu.memory_space<hbm>> -> memref<1x1536xf32, #tpu.memory_space<hbm>>
          %dma_start3A_250 = arith.constant 0 : i32
          %dma_start3A_251 = arith.constant 0 : i32
          %dma_start3A_252 = tpu.memref_slice %arg7[%dma_start3A_250, %dma_start3A_251] : memref<16x1536xf32, #tpu.memory_space<vmem>> -> memref<1x1536xf32, #tpu.memory_space<vmem>>
          tpu.enqueue_dma source(%dma_start3A_252 : memref<1x1536xf32, #tpu.memory_space<vmem>>) target(%dma_start3A_249 : memref<1x1536xf32, #tpu.memory_space<hbm>>) target_semaphore(%arg13 : memref<!tpu.dma_semaphore, #tpu.memory_space<semaphore_mem>>)
        } else {
        }
        %gt3A_83 = arith.constant 1 : i32
        %gt3A_84 = arith.cmpi sgt, %and3A_64, %gt3A_83 : i32
        %convert_element_type3A_85 = arith.extui %gt3A_84 : i1 to i32
        %cond3A_86 = arith.constant 0 : i32
        %cond3A_87 = arith.cmpi ne, %convert_element_type3A_85, %cond3A_86 : i32
        scf.if %cond3A_87 {
          %slice3A_242 = vector.extract_strided_slice %get3A_78 {offsets = [1], sizes = [1], strides = [1]} : vector<16xi32> to vector<1xi32>
          %squeeze3A_243 = vector.extract %slice3A_242[0] : i32 from vector<1xi32>
          %dma_start3A = arith.constant 0 : i32
          %dma_start3A_244 = arith.constant 0 : i32
          %dma_start3A_245 = tpu.memref_slice %arg7[%dma_start3A, %dma_start3A_244] : memref<16x1536xf32, #tpu.memory_space<vmem>> -> memref<1x1536xf32, #tpu.memory_space<vmem>>
          %dma_start3A_246 = arith.constant 0 : i32
          %dma_start3A_247 = tpu.memref_slice %arg5[%squeeze3A_243, %dma_start3A_246] : memref<65536x1536xf32, #tpu.memory_space<hbm>> -> memref<1x1536xf32, #tpu.memory_space<hbm>>
          %dma_start3A_248 = arith.constant 0 : i32
          %dma_start3A_249 = tpu.memref_slice %arg5[%squeeze3A_243, %dma_start3A_248] : memref<65536x1536xf32, #tpu.memory_space<hbm>> -> memref<1x1536xf32, #tpu.memory_space<hbm>>
          %dma_start3A_250 = arith.constant 0 : i32
          %dma_start3A_251 = arith.constant 0 : i32
          %dma_start3A_252 = tpu.memref_slice %arg7[%dma_start3A_250, %dma_start3A_251] : memref<16x1536xf32, #tpu.memory_space<vmem>> -> memref<1x1536xf32, #tpu.memory_space<vmem>>
          tpu.enqueue_dma source(%dma_start3A_252 : memref<1x1536xf32, #tpu.memory_space<vmem>>) target(%dma_start3A_249 : memref<1x1536xf32, #tpu.memory_space<hbm>>) target_semaphore(%arg13 : memref<!tpu.dma_semaphore, #tpu.memory_space<semaphore_mem>>)
        } else {
        }
        %gt3A_88 = arith.constant 2 : i32
        %gt3A_89 = arith.cmpi sgt, %and3A_64, %gt3A_88 : i32
        %convert_element_type3A_90 = arith.extui %gt3A_89 : i1 to i32
        %cond3A_91 = arith.constant 0 : i32
        %cond3A_92 = arith.cmpi ne, %convert_element_type3A_90, %cond3A_91 : i32
        scf.if %cond3A_92 {
          %slice3A_242 = vector.extract_strided_slice %get3A_78 {offsets = [2], sizes = [1], strides = [1]} : vector<16xi32> to vector<1xi32>
          %squeeze3A_243 = vector.extract %slice3A_242[0] : i32 from vector<1xi32>
          %dma_start3A = arith.constant 0 : i32
          %dma_start3A_244 = arith.constant 0 : i32
          %dma_start3A_245 = tpu.memref_slice %arg7[%dma_start3A, %dma_start3A_244] : memref<16x1536xf32, #tpu.memory_space<vmem>> -> memref<1x1536xf32, #tpu.memory_space<vmem>>
          %dma_start3A_246 = arith.constant 0 : i32
          %dma_start3A_247 = tpu.memref_slice %arg5[%squeeze3A_243, %dma_start3A_246] : memref<65536x1536xf32, #tpu.memory_space<hbm>> -> memref<1x1536xf32, #tpu.memory_space<hbm>>
          %dma_start3A_248 = arith.constant 0 : i32
          %dma_start3A_249 = tpu.memref_slice %arg5[%squeeze3A_243, %dma_start3A_248] : memref<65536x1536xf32, #tpu.memory_space<hbm>> -> memref<1x1536xf32, #tpu.memory_space<hbm>>
          %dma_start3A_250 = arith.constant 0 : i32
          %dma_start3A_251 = arith.constant 0 : i32
          %dma_start3A_252 = tpu.memref_slice %arg7[%dma_start3A_250, %dma_start3A_251] : memref<16x1536xf32, #tpu.memory_space<vmem>> -> memref<1x1536xf32, #tpu.memory_space<vmem>>
          tpu.enqueue_dma source(%dma_start3A_252 : memref<1x1536xf32, #tpu.memory_space<vmem>>) target(%dma_start3A_249 : memref<1x1536xf32, #tpu.memory_space<hbm>>) target_semaphore(%arg13 : memref<!tpu.dma_semaphore, #tpu.memory_space<semaphore_mem>>)
        } else {
        }
        %gt3A_93 = arith.constant 3 : i32
        %gt3A_94 = arith.cmpi sgt, %and3A_64, %gt3A_93 : i32
        %convert_element_type3A_95 = arith.extui %gt3A_94 : i1 to i32
        %cond3A_96 = arith.constant 0 : i32
        %cond3A_97 = arith.cmpi ne, %convert_element_type3A_95, %cond3A_96 : i32
        scf.if %cond3A_97 {
          %slice3A_242 = vector.extract_strided_slice %get3A_78 {offsets = [3], sizes = [1], strides = [1]} : vector<16xi32> to vector<1xi32>
          %squeeze3A_243 = vector.extract %slice3A_242[0] : i32 from vector<1xi32>
          %dma_start3A = arith.constant 0 : i32
          %dma_start3A_244 = arith.constant 0 : i32
          %dma_start3A_245 = tpu.memref_slice %arg7[%dma_start3A, %dma_start3A_244] : memref<16x1536xf32, #tpu.memory_space<vmem>> -> memref<1x1536xf32, #tpu.memory_space<vmem>>
          %dma_start3A_246 = arith.constant 0 : i32
          %dma_start3A_247 = tpu.memref_slice %arg5[%squeeze3A_243, %dma_start3A_246] : memref<65536x1536xf32, #tpu.memory_space<hbm>> -> memref<1x1536xf32, #tpu.memory_space<hbm>>
          %dma_start3A_248 = arith.constant 0 : i32
          %dma_start3A_249 = tpu.memref_slice %arg5[%squeeze3A_243, %dma_start3A_248] : memref<65536x1536xf32, #tpu.memory_space<hbm>> -> memref<1x1536xf32, #tpu.memory_space<hbm>>
          %dma_start3A_250 = arith.constant 0 : i32
          %dma_start3A_251 = arith.constant 0 : i32
          %dma_start3A_252 = tpu.memref_slice %arg7[%dma_start3A_250, %dma_start3A_251] : memref<16x1536xf32, #tpu.memory_space<vmem>> -> memref<1x1536xf32, #tpu.memory_space<vmem>>
          tpu.enqueue_dma source(%dma_start3A_252 : memref<1x1536xf32, #tpu.memory_space<vmem>>) target(%dma_start3A_249 : memref<1x1536xf32, #tpu.memory_space<hbm>>) target_semaphore(%arg13 : memref<!tpu.dma_semaphore, #tpu.memory_space<semaphore_mem>>)
        } else {
        }
        %gt3A_98 = arith.constant 4 : i32
        %gt3A_99 = arith.cmpi sgt, %and3A_64, %gt3A_98 : i32
        %convert_element_type3A_100 = arith.extui %gt3A_99 : i1 to i32
        %cond3A_101 = arith.constant 0 : i32
        %cond3A_102 = arith.cmpi ne, %convert_element_type3A_100, %cond3A_101 : i32
        scf.if %cond3A_102 {
          %slice3A_242 = vector.extract_strided_slice %get3A_78 {offsets = [4], sizes = [1], strides = [1]} : vector<16xi32> to vector<1xi32>
          %squeeze3A_243 = vector.extract %slice3A_242[0] : i32 from vector<1xi32>
          %dma_start3A = arith.constant 0 : i32
          %dma_start3A_244 = arith.constant 0 : i32
          %dma_start3A_245 = tpu.memref_slice %arg7[%dma_start3A, %dma_start3A_244] : memref<16x1536xf32, #tpu.memory_space<vmem>> -> memref<1x1536xf32, #tpu.memory_space<vmem>>
          %dma_start3A_246 = arith.constant 0 : i32
          %dma_start3A_247 = tpu.memref_slice %arg5[%squeeze3A_243, %dma_start3A_246] : memref<65536x1536xf32, #tpu.memory_space<hbm>> -> memref<1x1536xf32, #tpu.memory_space<hbm>>
          %dma_start3A_248 = arith.constant 0 : i32
          %dma_start3A_249 = tpu.memref_slice %arg5[%squeeze3A_243, %dma_start3A_248] : memref<65536x1536xf32, #tpu.memory_space<hbm>> -> memref<1x1536xf32, #tpu.memory_space<hbm>>
          %dma_start3A_250 = arith.constant 0 : i32
          %dma_start3A_251 = arith.constant 0 : i32
          %dma_start3A_252 = tpu.memref_slice %arg7[%dma_start3A_250, %dma_start3A_251] : memref<16x1536xf32, #tpu.memory_space<vmem>> -> memref<1x1536xf32, #tpu.memory_space<vmem>>
          tpu.enqueue_dma source(%dma_start3A_252 : memref<1x1536xf32, #tpu.memory_space<vmem>>) target(%dma_start3A_249 : memref<1x1536xf32, #tpu.memory_space<hbm>>) target_semaphore(%arg13 : memref<!tpu.dma_semaphore, #tpu.memory_space<semaphore_mem>>)
        } else {
        }
        %gt3A_103 = arith.constant 5 : i32
        %gt3A_104 = arith.cmpi sgt, %and3A_64, %gt3A_103 : i32
        %convert_element_type3A_105 = arith.extui %gt3A_104 : i1 to i32
        %cond3A_106 = arith.constant 0 : i32
        %cond3A_107 = arith.cmpi ne, %convert_element_type3A_105, %cond3A_106 : i32
        scf.if %cond3A_107 {
          %slice3A_242 = vector.extract_strided_slice %get3A_78 {offsets = [5], sizes = [1], strides = [1]} : vector<16xi32> to vector<1xi32>
          %squeeze3A_243 = vector.extract %slice3A_242[0] : i32 from vector<1xi32>
          %dma_start3A = arith.constant 0 : i32
          %dma_start3A_244 = arith.constant 0 : i32
          %dma_start3A_245 = tpu.memref_slice %arg7[%dma_start3A, %dma_start3A_244] : memref<16x1536xf32, #tpu.memory_space<vmem>> -> memref<1x1536xf32, #tpu.memory_space<vmem>>
          %dma_start3A_246 = arith.constant 0 : i32
          %dma_start3A_247 = tpu.memref_slice %arg5[%squeeze3A_243, %dma_start3A_246] : memref<65536x1536xf32, #tpu.memory_space<hbm>> -> memref<1x1536xf32, #tpu.memory_space<hbm>>
          %dma_start3A_248 = arith.constant 0 : i32
          %dma_start3A_249 = tpu.memref_slice %arg5[%squeeze3A_243, %dma_start3A_248] : memref<65536x1536xf32, #tpu.memory_space<hbm>> -> memref<1x1536xf32, #tpu.memory_space<hbm>>
          %dma_start3A_250 = arith.constant 0 : i32
          %dma_start3A_251 = arith.constant 0 : i32
          %dma_start3A_252 = tpu.memref_slice %arg7[%dma_start3A_250, %dma_start3A_251] : memref<16x1536xf32, #tpu.memory_space<vmem>> -> memref<1x1536xf32, #tpu.memory_space<vmem>>
          tpu.enqueue_dma source(%dma_start3A_252 : memref<1x1536xf32, #tpu.memory_space<vmem>>) target(%dma_start3A_249 : memref<1x1536xf32, #tpu.memory_space<hbm>>) target_semaphore(%arg13 : memref<!tpu.dma_semaphore, #tpu.memory_space<semaphore_mem>>)
        } else {
        }
        %gt3A_108 = arith.constant 6 : i32
        %gt3A_109 = arith.cmpi sgt, %and3A_64, %gt3A_108 : i32
        %convert_element_type3A_110 = arith.extui %gt3A_109 : i1 to i32
        %cond3A_111 = arith.constant 0 : i32
        %cond3A_112 = arith.cmpi ne, %convert_element_type3A_110, %cond3A_111 : i32
        scf.if %cond3A_112 {
          %slice3A_242 = vector.extract_strided_slice %get3A_78 {offsets = [6], sizes = [1], strides = [1]} : vector<16xi32> to vector<1xi32>
          %squeeze3A_243 = vector.extract %slice3A_242[0] : i32 from vector<1xi32>
          %dma_start3A = arith.constant 0 : i32
          %dma_start3A_244 = arith.constant 0 : i32
          %dma_start3A_245 = tpu.memref_slice %arg7[%dma_start3A, %dma_start3A_244] : memref<16x1536xf32, #tpu.memory_space<vmem>> -> memref<1x1536xf32, #tpu.memory_space<vmem>>
          %dma_start3A_246 = arith.constant 0 : i32
          %dma_start3A_247 = tpu.memref_slice %arg5[%squeeze3A_243, %dma_start3A_246] : memref<65536x1536xf32, #tpu.memory_space<hbm>> -> memref<1x1536xf32, #tpu.memory_space<hbm>>
          %dma_start3A_248 = arith.constant 0 : i32
          %dma_start3A_249 = tpu.memref_slice %arg5[%squeeze3A_243, %dma_start3A_248] : memref<65536x1536xf32, #tpu.memory_space<hbm>> -> memref<1x1536xf32, #tpu.memory_space<hbm>>
          %dma_start3A_250 = arith.constant 0 : i32
          %dma_start3A_251 = arith.constant 0 : i32
          %dma_start3A_252 = tpu.memref_slice %arg7[%dma_start3A_250, %dma_start3A_251] : memref<16x1536xf32, #tpu.memory_space<vmem>> -> memref<1x1536xf32, #tpu.memory_space<vmem>>
          tpu.enqueue_dma source(%dma_start3A_252 : memref<1x1536xf32, #tpu.memory_space<vmem>>) target(%dma_start3A_249 : memref<1x1536xf32, #tpu.memory_space<hbm>>) target_semaphore(%arg13 : memref<!tpu.dma_semaphore, #tpu.memory_space<semaphore_mem>>)
        } else {
        }
        %gt3A_113 = arith.constant 7 : i32
        %gt3A_114 = arith.cmpi sgt, %and3A_64, %gt3A_113 : i32
        %convert_element_type3A_115 = arith.extui %gt3A_114 : i1 to i32
        %cond3A_116 = arith.constant 0 : i32
        %cond3A_117 = arith.cmpi ne, %convert_element_type3A_115, %cond3A_116 : i32
        scf.if %cond3A_117 {
          %slice3A_242 = vector.extract_strided_slice %get3A_78 {offsets = [7], sizes = [1], strides = [1]} : vector<16xi32> to vector<1xi32>
          %squeeze3A_243 = vector.extract %slice3A_242[0] : i32 from vector<1xi32>
          %dma_start3A = arith.constant 0 : i32
          %dma_start3A_244 = arith.constant 0 : i32
          %dma_start3A_245 = tpu.memref_slice %arg7[%dma_start3A, %dma_start3A_244] : memref<16x1536xf32, #tpu.memory_space<vmem>> -> memref<1x1536xf32, #tpu.memory_space<vmem>>
          %dma_start3A_246 = arith.constant 0 : i32
          %dma_start3A_247 = tpu.memref_slice %arg5[%squeeze3A_243, %dma_start3A_246] : memref<65536x1536xf32, #tpu.memory_space<hbm>> -> memref<1x1536xf32, #tpu.memory_space<hbm>>
          %dma_start3A_248 = arith.constant 0 : i32
          %dma_start3A_249 = tpu.memref_slice %arg5[%squeeze3A_243, %dma_start3A_248] : memref<65536x1536xf32, #tpu.memory_space<hbm>> -> memref<1x1536xf32, #tpu.memory_space<hbm>>
          %dma_start3A_250 = arith.constant 0 : i32
          %dma_start3A_251 = arith.constant 0 : i32
          %dma_start3A_252 = tpu.memref_slice %arg7[%dma_start3A_250, %dma_start3A_251] : memref<16x1536xf32, #tpu.memory_space<vmem>> -> memref<1x1536xf32, #tpu.memory_space<vmem>>
          tpu.enqueue_dma source(%dma_start3A_252 : memref<1x1536xf32, #tpu.memory_space<vmem>>) target(%dma_start3A_249 : memref<1x1536xf32, #tpu.memory_space<hbm>>) target_semaphore(%arg13 : memref<!tpu.dma_semaphore, #tpu.memory_space<semaphore_mem>>)
        } else {
        }
        %gt3A_118 = arith.constant 8 : i32
        %gt3A_119 = arith.cmpi sgt, %and3A_64, %gt3A_118 : i32
        %convert_element_type3A_120 = arith.extui %gt3A_119 : i1 to i32
        %cond3A_121 = arith.constant 0 : i32
        %cond3A_122 = arith.cmpi ne, %convert_element_type3A_120, %cond3A_121 : i32
        scf.if %cond3A_122 {
          %slice3A_242 = vector.extract_strided_slice %get3A_78 {offsets = [8], sizes = [1], strides = [1]} : vector<16xi32> to vector<1xi32>
          %squeeze3A_243 = vector.extract %slice3A_242[0] : i32 from vector<1xi32>
          %dma_start3A = arith.constant 0 : i32
          %dma_start3A_244 = arith.constant 0 : i32
          %dma_start3A_245 = tpu.memref_slice %arg7[%dma_start3A, %dma_start3A_244] : memref<16x1536xf32, #tpu.memory_space<vmem>> -> memref<1x1536xf32, #tpu.memory_space<vmem>>
          %dma_start3A_246 = arith.constant 0 : i32
          %dma_start3A_247 = tpu.memref_slice %arg5[%squeeze3A_243, %dma_start3A_246] : memref<65536x1536xf32, #tpu.memory_space<hbm>> -> memref<1x1536xf32, #tpu.memory_space<hbm>>
          %dma_start3A_248 = arith.constant 0 : i32
          %dma_start3A_249 = tpu.memref_slice %arg5[%squeeze3A_243, %dma_start3A_248] : memref<65536x1536xf32, #tpu.memory_space<hbm>> -> memref<1x1536xf32, #tpu.memory_space<hbm>>
          %dma_start3A_250 = arith.constant 0 : i32
          %dma_start3A_251 = arith.constant 0 : i32
          %dma_start3A_252 = tpu.memref_slice %arg7[%dma_start3A_250, %dma_start3A_251] : memref<16x1536xf32, #tpu.memory_space<vmem>> -> memref<1x1536xf32, #tpu.memory_space<vmem>>
          tpu.enqueue_dma source(%dma_start3A_252 : memref<1x1536xf32, #tpu.memory_space<vmem>>) target(%dma_start3A_249 : memref<1x1536xf32, #tpu.memory_space<hbm>>) target_semaphore(%arg13 : memref<!tpu.dma_semaphore, #tpu.memory_space<semaphore_mem>>)
        } else {
        }
        %gt3A_123 = arith.constant 9 : i32
        %gt3A_124 = arith.cmpi sgt, %and3A_64, %gt3A_123 : i32
        %convert_element_type3A_125 = arith.extui %gt3A_124 : i1 to i32
        %cond3A_126 = arith.constant 0 : i32
        %cond3A_127 = arith.cmpi ne, %convert_element_type3A_125, %cond3A_126 : i32
        scf.if %cond3A_127 {
          %slice3A_242 = vector.extract_strided_slice %get3A_78 {offsets = [9], sizes = [1], strides = [1]} : vector<16xi32> to vector<1xi32>
          %squeeze3A_243 = vector.extract %slice3A_242[0] : i32 from vector<1xi32>
          %dma_start3A = arith.constant 0 : i32
          %dma_start3A_244 = arith.constant 0 : i32
          %dma_start3A_245 = tpu.memref_slice %arg7[%dma_start3A, %dma_start3A_244] : memref<16x1536xf32, #tpu.memory_space<vmem>> -> memref<1x1536xf32, #tpu.memory_space<vmem>>
          %dma_start3A_246 = arith.constant 0 : i32
          %dma_start3A_247 = tpu.memref_slice %arg5[%squeeze3A_243, %dma_start3A_246] : memref<65536x1536xf32, #tpu.memory_space<hbm>> -> memref<1x1536xf32, #tpu.memory_space<hbm>>
          %dma_start3A_248 = arith.constant 0 : i32
          %dma_start3A_249 = tpu.memref_slice %arg5[%squeeze3A_243, %dma_start3A_248] : memref<65536x1536xf32, #tpu.memory_space<hbm>> -> memref<1x1536xf32, #tpu.memory_space<hbm>>
          %dma_start3A_250 = arith.constant 0 : i32
          %dma_start3A_251 = arith.constant 0 : i32
          %dma_start3A_252 = tpu.memref_slice %arg7[%dma_start3A_250, %dma_start3A_251] : memref<16x1536xf32, #tpu.memory_space<vmem>> -> memref<1x1536xf32, #tpu.memory_space<vmem>>
          tpu.enqueue_dma source(%dma_start3A_252 : memref<1x1536xf32, #tpu.memory_space<vmem>>) target(%dma_start3A_249 : memref<1x1536xf32, #tpu.memory_space<hbm>>) target_semaphore(%arg13 : memref<!tpu.dma_semaphore, #tpu.memory_space<semaphore_mem>>)
        } else {
        }
        %gt3A_128 = arith.constant 10 : i32
        %gt3A_129 = arith.cmpi sgt, %and3A_64, %gt3A_128 : i32
        %convert_element_type3A_130 = arith.extui %gt3A_129 : i1 to i32
        %cond3A_131 = arith.constant 0 : i32
        %cond3A_132 = arith.cmpi ne, %convert_element_type3A_130, %cond3A_131 : i32
        scf.if %cond3A_132 {
          %slice3A_242 = vector.extract_strided_slice %get3A_78 {offsets = [10], sizes = [1], strides = [1]} : vector<16xi32> to vector<1xi32>
          %squeeze3A_243 = vector.extract %slice3A_242[0] : i32 from vector<1xi32>
          %dma_start3A = arith.constant 0 : i32
          %dma_start3A_244 = arith.constant 0 : i32
          %dma_start3A_245 = tpu.memref_slice %arg7[%dma_start3A, %dma_start3A_244] : memref<16x1536xf32, #tpu.memory_space<vmem>> -> memref<1x1536xf32, #tpu.memory_space<vmem>>
          %dma_start3A_246 = arith.constant 0 : i32
          %dma_start3A_247 = tpu.memref_slice %arg5[%squeeze3A_243, %dma_start3A_246] : memref<65536x1536xf32, #tpu.memory_space<hbm>> -> memref<1x1536xf32, #tpu.memory_space<hbm>>
          %dma_start3A_248 = arith.constant 0 : i32
          %dma_start3A_249 = tpu.memref_slice %arg5[%squeeze3A_243, %dma_start3A_248] : memref<65536x1536xf32, #tpu.memory_space<hbm>> -> memref<1x1536xf32, #tpu.memory_space<hbm>>
          %dma_start3A_250 = arith.constant 0 : i32
          %dma_start3A_251 = arith.constant 0 : i32
          %dma_start3A_252 = tpu.memref_slice %arg7[%dma_start3A_250, %dma_start3A_251] : memref<16x1536xf32, #tpu.memory_space<vmem>> -> memref<1x1536xf32, #tpu.memory_space<vmem>>
          tpu.enqueue_dma source(%dma_start3A_252 : memref<1x1536xf32, #tpu.memory_space<vmem>>) target(%dma_start3A_249 : memref<1x1536xf32, #tpu.memory_space<hbm>>) target_semaphore(%arg13 : memref<!tpu.dma_semaphore, #tpu.memory_space<semaphore_mem>>)
        } else {
        }
        %gt3A_133 = arith.constant 11 : i32
        %gt3A_134 = arith.cmpi sgt, %and3A_64, %gt3A_133 : i32
        %convert_element_type3A_135 = arith.extui %gt3A_134 : i1 to i32
        %cond3A_136 = arith.constant 0 : i32
        %cond3A_137 = arith.cmpi ne, %convert_element_type3A_135, %cond3A_136 : i32
        scf.if %cond3A_137 {
          %slice3A_242 = vector.extract_strided_slice %get3A_78 {offsets = [11], sizes = [1], strides = [1]} : vector<16xi32> to vector<1xi32>
          %squeeze3A_243 = vector.extract %slice3A_242[0] : i32 from vector<1xi32>
          %dma_start3A = arith.constant 0 : i32
          %dma_start3A_244 = arith.constant 0 : i32
          %dma_start3A_245 = tpu.memref_slice %arg7[%dma_start3A, %dma_start3A_244] : memref<16x1536xf32, #tpu.memory_space<vmem>> -> memref<1x1536xf32, #tpu.memory_space<vmem>>
          %dma_start3A_246 = arith.constant 0 : i32
          %dma_start3A_247 = tpu.memref_slice %arg5[%squeeze3A_243, %dma_start3A_246] : memref<65536x1536xf32, #tpu.memory_space<hbm>> -> memref<1x1536xf32, #tpu.memory_space<hbm>>
          %dma_start3A_248 = arith.constant 0 : i32
          %dma_start3A_249 = tpu.memref_slice %arg5[%squeeze3A_243, %dma_start3A_248] : memref<65536x1536xf32, #tpu.memory_space<hbm>> -> memref<1x1536xf32, #tpu.memory_space<hbm>>
          %dma_start3A_250 = arith.constant 0 : i32
          %dma_start3A_251 = arith.constant 0 : i32
          %dma_start3A_252 = tpu.memref_slice %arg7[%dma_start3A_250, %dma_start3A_251] : memref<16x1536xf32, #tpu.memory_space<vmem>> -> memref<1x1536xf32, #tpu.memory_space<vmem>>
          tpu.enqueue_dma source(%dma_start3A_252 : memref<1x1536xf32, #tpu.memory_space<vmem>>) target(%dma_start3A_249 : memref<1x1536xf32, #tpu.memory_space<hbm>>) target_semaphore(%arg13 : memref<!tpu.dma_semaphore, #tpu.memory_space<semaphore_mem>>)
        } else {
        }
        %gt3A_138 = arith.constant 12 : i32
        %gt3A_139 = arith.cmpi sgt, %and3A_64, %gt3A_138 : i32
        %convert_element_type3A_140 = arith.extui %gt3A_139 : i1 to i32
        %cond3A_141 = arith.constant 0 : i32
        %cond3A_142 = arith.cmpi ne, %convert_element_type3A_140, %cond3A_141 : i32
        scf.if %cond3A_142 {
          %slice3A_242 = vector.extract_strided_slice %get3A_78 {offsets = [12], sizes = [1], strides = [1]} : vector<16xi32> to vector<1xi32>
          %squeeze3A_243 = vector.extract %slice3A_242[0] : i32 from vector<1xi32>
          %dma_start3A = arith.constant 0 : i32
          %dma_start3A_244 = arith.constant 0 : i32
          %dma_start3A_245 = tpu.memref_slice %arg7[%dma_start3A, %dma_start3A_244] : memref<16x1536xf32, #tpu.memory_space<vmem>> -> memref<1x1536xf32, #tpu.memory_space<vmem>>
          %dma_start3A_246 = arith.constant 0 : i32
          %dma_start3A_247 = tpu.memref_slice %arg5[%squeeze3A_243, %dma_start3A_246] : memref<65536x1536xf32, #tpu.memory_space<hbm>> -> memref<1x1536xf32, #tpu.memory_space<hbm>>
          %dma_start3A_248 = arith.constant 0 : i32
          %dma_start3A_249 = tpu.memref_slice %arg5[%squeeze3A_243, %dma_start3A_248] : memref<65536x1536xf32, #tpu.memory_space<hbm>> -> memref<1x1536xf32, #tpu.memory_space<hbm>>
          %dma_start3A_250 = arith.constant 0 : i32
          %dma_start3A_251 = arith.constant 0 : i32
          %dma_start3A_252 = tpu.memref_slice %arg7[%dma_start3A_250, %dma_start3A_251] : memref<16x1536xf32, #tpu.memory_space<vmem>> -> memref<1x1536xf32, #tpu.memory_space<vmem>>
          tpu.enqueue_dma source(%dma_start3A_252 : memref<1x1536xf32, #tpu.memory_space<vmem>>) target(%dma_start3A_249 : memref<1x1536xf32, #tpu.memory_space<hbm>>) target_semaphore(%arg13 : memref<!tpu.dma_semaphore, #tpu.memory_space<semaphore_mem>>)
        } else {
        }
        %gt3A_143 = arith.constant 13 : i32
        %gt3A_144 = arith.cmpi sgt, %and3A_64, %gt3A_143 : i32
        %convert_element_type3A_145 = arith.extui %gt3A_144 : i1 to i32
        %cond3A_146 = arith.constant 0 : i32
        %cond3A_147 = arith.cmpi ne, %convert_element_type3A_145, %cond3A_146 : i32
        scf.if %cond3A_147 {
          %slice3A_242 = vector.extract_strided_slice %get3A_78 {offsets = [13], sizes = [1], strides = [1]} : vector<16xi32> to vector<1xi32>
          %squeeze3A_243 = vector.extract %slice3A_242[0] : i32 from vector<1xi32>
          %dma_start3A = arith.constant 0 : i32
          %dma_start3A_244 = arith.constant 0 : i32
          %dma_start3A_245 = tpu.memref_slice %arg7[%dma_start3A, %dma_start3A_244] : memref<16x1536xf32, #tpu.memory_space<vmem>> -> memref<1x1536xf32, #tpu.memory_space<vmem>>
          %dma_start3A_246 = arith.constant 0 : i32
          %dma_start3A_247 = tpu.memref_slice %arg5[%squeeze3A_243, %dma_start3A_246] : memref<65536x1536xf32, #tpu.memory_space<hbm>> -> memref<1x1536xf32, #tpu.memory_space<hbm>>
          %dma_start3A_248 = arith.constant 0 : i32
          %dma_start3A_249 = tpu.memref_slice %arg5[%squeeze3A_243, %dma_start3A_248] : memref<65536x1536xf32, #tpu.memory_space<hbm>> -> memref<1x1536xf32, #tpu.memory_space<hbm>>
          %dma_start3A_250 = arith.constant 0 : i32
          %dma_start3A_251 = arith.constant 0 : i32
          %dma_start3A_252 = tpu.memref_slice %arg7[%dma_start3A_250, %dma_start3A_251] : memref<16x1536xf32, #tpu.memory_space<vmem>> -> memref<1x1536xf32, #tpu.memory_space<vmem>>
          tpu.enqueue_dma source(%dma_start3A_252 : memref<1x1536xf32, #tpu.memory_space<vmem>>) target(%dma_start3A_249 : memref<1x1536xf32, #tpu.memory_space<hbm>>) target_semaphore(%arg13 : memref<!tpu.dma_semaphore, #tpu.memory_space<semaphore_mem>>)
        } else {
        }
        %gt3A_148 = arith.constant 14 : i32
        %gt3A_149 = arith.cmpi sgt, %and3A_64, %gt3A_148 : i32
        %convert_element_type3A_150 = arith.extui %gt3A_149 : i1 to i32
        %cond3A_151 = arith.constant 0 : i32
        %cond3A_152 = arith.cmpi ne, %convert_element_type3A_150, %cond3A_151 : i32
        scf.if %cond3A_152 {
          %slice3A_242 = vector.extract_strided_slice %get3A_78 {offsets = [14], sizes = [1], strides = [1]} : vector<16xi32> to vector<1xi32>
          %squeeze3A_243 = vector.extract %slice3A_242[0] : i32 from vector<1xi32>
          %dma_start3A = arith.constant 0 : i32
          %dma_start3A_244 = arith.constant 0 : i32
          %dma_start3A_245 = tpu.memref_slice %arg7[%dma_start3A, %dma_start3A_244] : memref<16x1536xf32, #tpu.memory_space<vmem>> -> memref<1x1536xf32, #tpu.memory_space<vmem>>
          %dma_start3A_246 = arith.constant 0 : i32
          %dma_start3A_247 = tpu.memref_slice %arg5[%squeeze3A_243, %dma_start3A_246] : memref<65536x1536xf32, #tpu.memory_space<hbm>> -> memref<1x1536xf32, #tpu.memory_space<hbm>>
          %dma_start3A_248 = arith.constant 0 : i32
          %dma_start3A_249 = tpu.memref_slice %arg5[%squeeze3A_243, %dma_start3A_248] : memref<65536x1536xf32, #tpu.memory_space<hbm>> -> memref<1x1536xf32, #tpu.memory_space<hbm>>
          %dma_start3A_250 = arith.constant 0 : i32
          %dma_start3A_251 = arith.constant 0 : i32
          %dma_start3A_252 = tpu.memref_slice %arg7[%dma_start3A_250, %dma_start3A_251] : memref<16x1536xf32, #tpu.memory_space<vmem>> -> memref<1x1536xf32, #tpu.memory_space<vmem>>
          tpu.enqueue_dma source(%dma_start3A_252 : memref<1x1536xf32, #tpu.memory_space<vmem>>) target(%dma_start3A_249 : memref<1x1536xf32, #tpu.memory_space<hbm>>) target_semaphore(%arg13 : memref<!tpu.dma_semaphore, #tpu.memory_space<semaphore_mem>>)
        } else {
        }
        %gt3A_153 = arith.constant 15 : i32
        %gt3A_154 = arith.cmpi sgt, %and3A_64, %gt3A_153 : i32
        %convert_element_type3A_155 = arith.extui %gt3A_154 : i1 to i32
        %cond3A_156 = arith.constant 0 : i32
        %cond3A_157 = arith.cmpi ne, %convert_element_type3A_155, %cond3A_156 : i32
        scf.if %cond3A_157 {
          %slice3A_242 = vector.extract_strided_slice %get3A_78 {offsets = [15], sizes = [1], strides = [1]} : vector<16xi32> to vector<1xi32>
          %squeeze3A_243 = vector.extract %slice3A_242[0] : i32 from vector<1xi32>
          %dma_start3A = arith.constant 0 : i32
          %dma_start3A_244 = arith.constant 0 : i32
          %dma_start3A_245 = tpu.memref_slice %arg7[%dma_start3A, %dma_start3A_244] : memref<16x1536xf32, #tpu.memory_space<vmem>> -> memref<1x1536xf32, #tpu.memory_space<vmem>>
          %dma_start3A_246 = arith.constant 0 : i32
          %dma_start3A_247 = tpu.memref_slice %arg5[%squeeze3A_243, %dma_start3A_246] : memref<65536x1536xf32, #tpu.memory_space<hbm>> -> memref<1x1536xf32, #tpu.memory_space<hbm>>
          %dma_start3A_248 = arith.constant 0 : i32
          %dma_start3A_249 = tpu.memref_slice %arg5[%squeeze3A_243, %dma_start3A_248] : memref<65536x1536xf32, #tpu.memory_space<hbm>> -> memref<1x1536xf32, #tpu.memory_space<hbm>>
          %dma_start3A_250 = arith.constant 0 : i32
          %dma_start3A_251 = arith.constant 0 : i32
          %dma_start3A_252 = tpu.memref_slice %arg7[%dma_start3A_250, %dma_start3A_251] : memref<16x1536xf32, #tpu.memory_space<vmem>> -> memref<1x1536xf32, #tpu.memory_space<vmem>>
          tpu.enqueue_dma source(%dma_start3A_252 : memref<1x1536xf32, #tpu.memory_space<vmem>>) target(%dma_start3A_249 : memref<1x1536xf32, #tpu.memory_space<hbm>>) target_semaphore(%arg13 : memref<!tpu.dma_semaphore, #tpu.memory_space<semaphore_mem>>)
        } else {
        }
        %ge3A = arith.constant 1 : i32
        %ge3A_158 = arith.cmpi sge, %shift_right_logical3A_63, %ge3A : i32
        %convert_element_type3A_159 = arith.extui %ge3A_158 : i1 to i32
        %cond3A_160 = arith.constant 0 : i32
        %cond3A_161 = arith.cmpi ne, %convert_element_type3A_159, %cond3A_160 : i32
        scf.if %cond3A_161 {
          %dma_wait3A = arith.constant 0 : i32
          %dma_wait3A_242 = arith.constant 0 : i32
          %dma_wait3A_243 = tpu.memref_slice %arg4[%dma_wait3A, %dma_wait3A_242] : memref<1024x1536xf32, #tpu.memory_space<hbm>> -> memref<16x1536xf32, #tpu.memory_space<hbm>>
          %dma_wait3A_244 = arith.constant 0 : i32
          %dma_wait3A_245 = arith.constant 0 : i32
          %dma_wait3A_246 = tpu.memref_slice %arg4[%dma_wait3A_244, %dma_wait3A_245] : memref<1024x1536xf32, #tpu.memory_space<hbm>> -> memref<16x1536xf32, #tpu.memory_space<hbm>>
          tpu.wait_dma2 semaphore(%arg13 : memref<!tpu.dma_semaphore, #tpu.memory_space<semaphore_mem>>) src(%dma_wait3A_246 : memref<16x1536xf32, #tpu.memory_space<hbm>>) dst(%arg7 : memref<16x1536xf32, #tpu.memory_space<vmem>>)
        } else {
        }
        %gt3A_162 = arith.constant 0 : i32
        %gt3A_163 = arith.cmpi sgt, %and3A_64, %gt3A_162 : i32
        %convert_element_type3A_164 = arith.extui %gt3A_163 : i1 to i32
        %cond3A_165 = arith.constant 0 : i32
        %cond3A_166 = arith.cmpi ne, %convert_element_type3A_164, %cond3A_165 : i32
        scf.if %cond3A_166 {
          %dma_wait3A = arith.constant 0 : i32
          %dma_wait3A_242 = arith.constant 0 : i32
          %dma_wait3A_243 = tpu.memref_slice %arg6[%dma_wait3A, %dma_wait3A_242] : memref<32x1536xf32, #tpu.memory_space<vmem>> -> memref<1x1536xf32, #tpu.memory_space<vmem>>
          %dma_wait3A_244 = arith.constant 0 : i32
          %dma_wait3A_245 = arith.constant 0 : i32
          %dma_wait3A_246 = tpu.memref_slice %arg4[%dma_wait3A_244, %dma_wait3A_245] : memref<1024x1536xf32, #tpu.memory_space<hbm>> -> memref<1x1536xf32, #tpu.memory_space<hbm>>
          %dma_wait3A_247 = arith.constant 0 : i32
          %dma_wait3A_248 = arith.constant 0 : i32
          %dma_wait3A_249 = tpu.memref_slice %arg6[%dma_wait3A_247, %dma_wait3A_248] : memref<32x1536xf32, #tpu.memory_space<vmem>> -> memref<1x1536xf32, #tpu.memory_space<vmem>>
          %dma_wait3A_250 = arith.constant 0 : i32
          %dma_wait3A_251 = arith.constant 0 : i32
          %dma_wait3A_252 = tpu.memref_slice %arg4[%dma_wait3A_250, %dma_wait3A_251] : memref<1024x1536xf32, #tpu.memory_space<hbm>> -> memref<1x1536xf32, #tpu.memory_space<hbm>>
          tpu.wait_dma2 semaphore(%arg13 : memref<!tpu.dma_semaphore, #tpu.memory_space<semaphore_mem>>) src(%dma_wait3A_252 : memref<1x1536xf32, #tpu.memory_space<hbm>>) dst(%dma_wait3A_249 : memref<1x1536xf32, #tpu.memory_space<vmem>>)
        } else {
        }
        %gt3A_167 = arith.constant 1 : i32
        %gt3A_168 = arith.cmpi sgt, %and3A_64, %gt3A_167 : i32
        %convert_element_type3A_169 = arith.extui %gt3A_168 : i1 to i32
        %cond3A_170 = arith.constant 0 : i32
        %cond3A_171 = arith.cmpi ne, %convert_element_type3A_169, %cond3A_170 : i32
        scf.if %cond3A_171 {
          %dma_wait3A = arith.constant 0 : i32
          %dma_wait3A_242 = arith.constant 0 : i32
          %dma_wait3A_243 = tpu.memref_slice %arg6[%dma_wait3A, %dma_wait3A_242] : memref<32x1536xf32, #tpu.memory_space<vmem>> -> memref<1x1536xf32, #tpu.memory_space<vmem>>
          %dma_wait3A_244 = arith.constant 0 : i32
          %dma_wait3A_245 = arith.constant 0 : i32
          %dma_wait3A_246 = tpu.memref_slice %arg4[%dma_wait3A_244, %dma_wait3A_245] : memref<1024x1536xf32, #tpu.memory_space<hbm>> -> memref<1x1536xf32, #tpu.memory_space<hbm>>
          %dma_wait3A_247 = arith.constant 0 : i32
          %dma_wait3A_248 = arith.constant 0 : i32
          %dma_wait3A_249 = tpu.memref_slice %arg6[%dma_wait3A_247, %dma_wait3A_248] : memref<32x1536xf32, #tpu.memory_space<vmem>> -> memref<1x1536xf32, #tpu.memory_space<vmem>>
          %dma_wait3A_250 = arith.constant 0 : i32
          %dma_wait3A_251 = arith.constant 0 : i32
          %dma_wait3A_252 = tpu.memref_slice %arg4[%dma_wait3A_250, %dma_wait3A_251] : memref<1024x1536xf32, #tpu.memory_space<hbm>> -> memref<1x1536xf32, #tpu.memory_space<hbm>>
          tpu.wait_dma2 semaphore(%arg13 : memref<!tpu.dma_semaphore, #tpu.memory_space<semaphore_mem>>) src(%dma_wait3A_252 : memref<1x1536xf32, #tpu.memory_space<hbm>>) dst(%dma_wait3A_249 : memref<1x1536xf32, #tpu.memory_space<vmem>>)
        } else {
        }
        %gt3A_172 = arith.constant 2 : i32
        %gt3A_173 = arith.cmpi sgt, %and3A_64, %gt3A_172 : i32
        %convert_element_type3A_174 = arith.extui %gt3A_173 : i1 to i32
        %cond3A_175 = arith.constant 0 : i32
        %cond3A_176 = arith.cmpi ne, %convert_element_type3A_174, %cond3A_175 : i32
        scf.if %cond3A_176 {
          %dma_wait3A = arith.constant 0 : i32
          %dma_wait3A_242 = arith.constant 0 : i32
          %dma_wait3A_243 = tpu.memref_slice %arg6[%dma_wait3A, %dma_wait3A_242] : memref<32x1536xf32, #tpu.memory_space<vmem>> -> memref<1x1536xf32, #tpu.memory_space<vmem>>
          %dma_wait3A_244 = arith.constant 0 : i32
          %dma_wait3A_245 = arith.constant 0 : i32
          %dma_wait3A_246 = tpu.memref_slice %arg4[%dma_wait3A_244, %dma_wait3A_245] : memref<1024x1536xf32, #tpu.memory_space<hbm>> -> memref<1x1536xf32, #tpu.memory_space<hbm>>
          %dma_wait3A_247 = arith.constant 0 : i32
          %dma_wait3A_248 = arith.constant 0 : i32
          %dma_wait3A_249 = tpu.memref_slice %arg6[%dma_wait3A_247, %dma_wait3A_248] : memref<32x1536xf32, #tpu.memory_space<vmem>> -> memref<1x1536xf32, #tpu.memory_space<vmem>>
          %dma_wait3A_250 = arith.constant 0 : i32
          %dma_wait3A_251 = arith.constant 0 : i32
          %dma_wait3A_252 = tpu.memref_slice %arg4[%dma_wait3A_250, %dma_wait3A_251] : memref<1024x1536xf32, #tpu.memory_space<hbm>> -> memref<1x1536xf32, #tpu.memory_space<hbm>>
          tpu.wait_dma2 semaphore(%arg13 : memref<!tpu.dma_semaphore, #tpu.memory_space<semaphore_mem>>) src(%dma_wait3A_252 : memref<1x1536xf32, #tpu.memory_space<hbm>>) dst(%dma_wait3A_249 : memref<1x1536xf32, #tpu.memory_space<vmem>>)
        } else {
        }
        %gt3A_177 = arith.constant 3 : i32
        %gt3A_178 = arith.cmpi sgt, %and3A_64, %gt3A_177 : i32
        %convert_element_type3A_179 = arith.extui %gt3A_178 : i1 to i32
        %cond3A_180 = arith.constant 0 : i32
        %cond3A_181 = arith.cmpi ne, %convert_element_type3A_179, %cond3A_180 : i32
        scf.if %cond3A_181 {
          %dma_wait3A = arith.constant 0 : i32
          %dma_wait3A_242 = arith.constant 0 : i32
          %dma_wait3A_243 = tpu.memref_slice %arg6[%dma_wait3A, %dma_wait3A_242] : memref<32x1536xf32, #tpu.memory_space<vmem>> -> memref<1x1536xf32, #tpu.memory_space<vmem>>
          %dma_wait3A_244 = arith.constant 0 : i32
          %dma_wait3A_245 = arith.constant 0 : i32
          %dma_wait3A_246 = tpu.memref_slice %arg4[%dma_wait3A_244, %dma_wait3A_245] : memref<1024x1536xf32, #tpu.memory_space<hbm>> -> memref<1x1536xf32, #tpu.memory_space<hbm>>
          %dma_wait3A_247 = arith.constant 0 : i32
          %dma_wait3A_248 = arith.constant 0 : i32
          %dma_wait3A_249 = tpu.memref_slice %arg6[%dma_wait3A_247, %dma_wait3A_248] : memref<32x1536xf32, #tpu.memory_space<vmem>> -> memref<1x1536xf32, #tpu.memory_space<vmem>>
          %dma_wait3A_250 = arith.constant 0 : i32
          %dma_wait3A_251 = arith.constant 0 : i32
          %dma_wait3A_252 = tpu.memref_slice %arg4[%dma_wait3A_250, %dma_wait3A_251] : memref<1024x1536xf32, #tpu.memory_space<hbm>> -> memref<1x1536xf32, #tpu.memory_space<hbm>>
          tpu.wait_dma2 semaphore(%arg13 : memref<!tpu.dma_semaphore, #tpu.memory_space<semaphore_mem>>) src(%dma_wait3A_252 : memref<1x1536xf32, #tpu.memory_space<hbm>>) dst(%dma_wait3A_249 : memref<1x1536xf32, #tpu.memory_space<vmem>>)
        } else {
        }
        %gt3A_182 = arith.constant 4 : i32
        %gt3A_183 = arith.cmpi sgt, %and3A_64, %gt3A_182 : i32
        %convert_element_type3A_184 = arith.extui %gt3A_183 : i1 to i32
        %cond3A_185 = arith.constant 0 : i32
        %cond3A_186 = arith.cmpi ne, %convert_element_type3A_184, %cond3A_185 : i32
        scf.if %cond3A_186 {
          %dma_wait3A = arith.constant 0 : i32
          %dma_wait3A_242 = arith.constant 0 : i32
          %dma_wait3A_243 = tpu.memref_slice %arg6[%dma_wait3A, %dma_wait3A_242] : memref<32x1536xf32, #tpu.memory_space<vmem>> -> memref<1x1536xf32, #tpu.memory_space<vmem>>
          %dma_wait3A_244 = arith.constant 0 : i32
          %dma_wait3A_245 = arith.constant 0 : i32
          %dma_wait3A_246 = tpu.memref_slice %arg4[%dma_wait3A_244, %dma_wait3A_245] : memref<1024x1536xf32, #tpu.memory_space<hbm>> -> memref<1x1536xf32, #tpu.memory_space<hbm>>
          %dma_wait3A_247 = arith.constant 0 : i32
          %dma_wait3A_248 = arith.constant 0 : i32
          %dma_wait3A_249 = tpu.memref_slice %arg6[%dma_wait3A_247, %dma_wait3A_248] : memref<32x1536xf32, #tpu.memory_space<vmem>> -> memref<1x1536xf32, #tpu.memory_space<vmem>>
          %dma_wait3A_250 = arith.constant 0 : i32
          %dma_wait3A_251 = arith.constant 0 : i32
          %dma_wait3A_252 = tpu.memref_slice %arg4[%dma_wait3A_250, %dma_wait3A_251] : memref<1024x1536xf32, #tpu.memory_space<hbm>> -> memref<1x1536xf32, #tpu.memory_space<hbm>>
          tpu.wait_dma2 semaphore(%arg13 : memref<!tpu.dma_semaphore, #tpu.memory_space<semaphore_mem>>) src(%dma_wait3A_252 : memref<1x1536xf32, #tpu.memory_space<hbm>>) dst(%dma_wait3A_249 : memref<1x1536xf32, #tpu.memory_space<vmem>>)
        } else {
        }
        %gt3A_187 = arith.constant 5 : i32
        %gt3A_188 = arith.cmpi sgt, %and3A_64, %gt3A_187 : i32
        %convert_element_type3A_189 = arith.extui %gt3A_188 : i1 to i32
        %cond3A_190 = arith.constant 0 : i32
        %cond3A_191 = arith.cmpi ne, %convert_element_type3A_189, %cond3A_190 : i32
        scf.if %cond3A_191 {
          %dma_wait3A = arith.constant 0 : i32
          %dma_wait3A_242 = arith.constant 0 : i32
          %dma_wait3A_243 = tpu.memref_slice %arg6[%dma_wait3A, %dma_wait3A_242] : memref<32x1536xf32, #tpu.memory_space<vmem>> -> memref<1x1536xf32, #tpu.memory_space<vmem>>
          %dma_wait3A_244 = arith.constant 0 : i32
          %dma_wait3A_245 = arith.constant 0 : i32
          %dma_wait3A_246 = tpu.memref_slice %arg4[%dma_wait3A_244, %dma_wait3A_245] : memref<1024x1536xf32, #tpu.memory_space<hbm>> -> memref<1x1536xf32, #tpu.memory_space<hbm>>
          %dma_wait3A_247 = arith.constant 0 : i32
          %dma_wait3A_248 = arith.constant 0 : i32
          %dma_wait3A_249 = tpu.memref_slice %arg6[%dma_wait3A_247, %dma_wait3A_248] : memref<32x1536xf32, #tpu.memory_space<vmem>> -> memref<1x1536xf32, #tpu.memory_space<vmem>>
          %dma_wait3A_250 = arith.constant 0 : i32
          %dma_wait3A_251 = arith.constant 0 : i32
          %dma_wait3A_252 = tpu.memref_slice %arg4[%dma_wait3A_250, %dma_wait3A_251] : memref<1024x1536xf32, #tpu.memory_space<hbm>> -> memref<1x1536xf32, #tpu.memory_space<hbm>>
          tpu.wait_dma2 semaphore(%arg13 : memref<!tpu.dma_semaphore, #tpu.memory_space<semaphore_mem>>) src(%dma_wait3A_252 : memref<1x1536xf32, #tpu.memory_space<hbm>>) dst(%dma_wait3A_249 : memref<1x1536xf32, #tpu.memory_space<vmem>>)
        } else {
        }
        %gt3A_192 = arith.constant 6 : i32
        %gt3A_193 = arith.cmpi sgt, %and3A_64, %gt3A_192 : i32
        %convert_element_type3A_194 = arith.extui %gt3A_193 : i1 to i32
        %cond3A_195 = arith.constant 0 : i32
        %cond3A_196 = arith.cmpi ne, %convert_element_type3A_194, %cond3A_195 : i32
        scf.if %cond3A_196 {
          %dma_wait3A = arith.constant 0 : i32
          %dma_wait3A_242 = arith.constant 0 : i32
          %dma_wait3A_243 = tpu.memref_slice %arg6[%dma_wait3A, %dma_wait3A_242] : memref<32x1536xf32, #tpu.memory_space<vmem>> -> memref<1x1536xf32, #tpu.memory_space<vmem>>
          %dma_wait3A_244 = arith.constant 0 : i32
          %dma_wait3A_245 = arith.constant 0 : i32
          %dma_wait3A_246 = tpu.memref_slice %arg4[%dma_wait3A_244, %dma_wait3A_245] : memref<1024x1536xf32, #tpu.memory_space<hbm>> -> memref<1x1536xf32, #tpu.memory_space<hbm>>
          %dma_wait3A_247 = arith.constant 0 : i32
          %dma_wait3A_248 = arith.constant 0 : i32
          %dma_wait3A_249 = tpu.memref_slice %arg6[%dma_wait3A_247, %dma_wait3A_248] : memref<32x1536xf32, #tpu.memory_space<vmem>> -> memref<1x1536xf32, #tpu.memory_space<vmem>>
          %dma_wait3A_250 = arith.constant 0 : i32
          %dma_wait3A_251 = arith.constant 0 : i32
          %dma_wait3A_252 = tpu.memref_slice %arg4[%dma_wait3A_250, %dma_wait3A_251] : memref<1024x1536xf32, #tpu.memory_space<hbm>> -> memref<1x1536xf32, #tpu.memory_space<hbm>>
          tpu.wait_dma2 semaphore(%arg13 : memref<!tpu.dma_semaphore, #tpu.memory_space<semaphore_mem>>) src(%dma_wait3A_252 : memref<1x1536xf32, #tpu.memory_space<hbm>>) dst(%dma_wait3A_249 : memref<1x1536xf32, #tpu.memory_space<vmem>>)
        } else {
        }
        %gt3A_197 = arith.constant 7 : i32
        %gt3A_198 = arith.cmpi sgt, %and3A_64, %gt3A_197 : i32
        %convert_element_type3A_199 = arith.extui %gt3A_198 : i1 to i32
        %cond3A_200 = arith.constant 0 : i32
        %cond3A_201 = arith.cmpi ne, %convert_element_type3A_199, %cond3A_200 : i32
        scf.if %cond3A_201 {
          %dma_wait3A = arith.constant 0 : i32
          %dma_wait3A_242 = arith.constant 0 : i32
          %dma_wait3A_243 = tpu.memref_slice %arg6[%dma_wait3A, %dma_wait3A_242] : memref<32x1536xf32, #tpu.memory_space<vmem>> -> memref<1x1536xf32, #tpu.memory_space<vmem>>
          %dma_wait3A_244 = arith.constant 0 : i32
          %dma_wait3A_245 = arith.constant 0 : i32
          %dma_wait3A_246 = tpu.memref_slice %arg4[%dma_wait3A_244, %dma_wait3A_245] : memref<1024x1536xf32, #tpu.memory_space<hbm>> -> memref<1x1536xf32, #tpu.memory_space<hbm>>
          %dma_wait3A_247 = arith.constant 0 : i32
          %dma_wait3A_248 = arith.constant 0 : i32
          %dma_wait3A_249 = tpu.memref_slice %arg6[%dma_wait3A_247, %dma_wait3A_248] : memref<32x1536xf32, #tpu.memory_space<vmem>> -> memref<1x1536xf32, #tpu.memory_space<vmem>>
          %dma_wait3A_250 = arith.constant 0 : i32
          %dma_wait3A_251 = arith.constant 0 : i32
          %dma_wait3A_252 = tpu.memref_slice %arg4[%dma_wait3A_250, %dma_wait3A_251] : memref<1024x1536xf32, #tpu.memory_space<hbm>> -> memref<1x1536xf32, #tpu.memory_space<hbm>>
          tpu.wait_dma2 semaphore(%arg13 : memref<!tpu.dma_semaphore, #tpu.memory_space<semaphore_mem>>) src(%dma_wait3A_252 : memref<1x1536xf32, #tpu.memory_space<hbm>>) dst(%dma_wait3A_249 : memref<1x1536xf32, #tpu.memory_space<vmem>>)
        } else {
        }
        %gt3A_202 = arith.constant 8 : i32
        %gt3A_203 = arith.cmpi sgt, %and3A_64, %gt3A_202 : i32
        %convert_element_type3A_204 = arith.extui %gt3A_203 : i1 to i32
        %cond3A_205 = arith.constant 0 : i32
        %cond3A_206 = arith.cmpi ne, %convert_element_type3A_204, %cond3A_205 : i32
        scf.if %cond3A_206 {
          %dma_wait3A = arith.constant 0 : i32
          %dma_wait3A_242 = arith.constant 0 : i32
          %dma_wait3A_243 = tpu.memref_slice %arg6[%dma_wait3A, %dma_wait3A_242] : memref<32x1536xf32, #tpu.memory_space<vmem>> -> memref<1x1536xf32, #tpu.memory_space<vmem>>
          %dma_wait3A_244 = arith.constant 0 : i32
          %dma_wait3A_245 = arith.constant 0 : i32
          %dma_wait3A_246 = tpu.memref_slice %arg4[%dma_wait3A_244, %dma_wait3A_245] : memref<1024x1536xf32, #tpu.memory_space<hbm>> -> memref<1x1536xf32, #tpu.memory_space<hbm>>
          %dma_wait3A_247 = arith.constant 0 : i32
          %dma_wait3A_248 = arith.constant 0 : i32
          %dma_wait3A_249 = tpu.memref_slice %arg6[%dma_wait3A_247, %dma_wait3A_248] : memref<32x1536xf32, #tpu.memory_space<vmem>> -> memref<1x1536xf32, #tpu.memory_space<vmem>>
          %dma_wait3A_250 = arith.constant 0 : i32
          %dma_wait3A_251 = arith.constant 0 : i32
          %dma_wait3A_252 = tpu.memref_slice %arg4[%dma_wait3A_250, %dma_wait3A_251] : memref<1024x1536xf32, #tpu.memory_space<hbm>> -> memref<1x1536xf32, #tpu.memory_space<hbm>>
          tpu.wait_dma2 semaphore(%arg13 : memref<!tpu.dma_semaphore, #tpu.memory_space<semaphore_mem>>) src(%dma_wait3A_252 : memref<1x1536xf32, #tpu.memory_space<hbm>>) dst(%dma_wait3A_249 : memref<1x1536xf32, #tpu.memory_space<vmem>>)
        } else {
        }
        %gt3A_207 = arith.constant 9 : i32
        %gt3A_208 = arith.cmpi sgt, %and3A_64, %gt3A_207 : i32
        %convert_element_type3A_209 = arith.extui %gt3A_208 : i1 to i32
        %cond3A_210 = arith.constant 0 : i32
        %cond3A_211 = arith.cmpi ne, %convert_element_type3A_209, %cond3A_210 : i32
        scf.if %cond3A_211 {
          %dma_wait3A = arith.constant 0 : i32
          %dma_wait3A_242 = arith.constant 0 : i32
          %dma_wait3A_243 = tpu.memref_slice %arg6[%dma_wait3A, %dma_wait3A_242] : memref<32x1536xf32, #tpu.memory_space<vmem>> -> memref<1x1536xf32, #tpu.memory_space<vmem>>
          %dma_wait3A_244 = arith.constant 0 : i32
          %dma_wait3A_245 = arith.constant 0 : i32
          %dma_wait3A_246 = tpu.memref_slice %arg4[%dma_wait3A_244, %dma_wait3A_245] : memref<1024x1536xf32, #tpu.memory_space<hbm>> -> memref<1x1536xf32, #tpu.memory_space<hbm>>
          %dma_wait3A_247 = arith.constant 0 : i32
          %dma_wait3A_248 = arith.constant 0 : i32
          %dma_wait3A_249 = tpu.memref_slice %arg6[%dma_wait3A_247, %dma_wait3A_248] : memref<32x1536xf32, #tpu.memory_space<vmem>> -> memref<1x1536xf32, #tpu.memory_space<vmem>>
          %dma_wait3A_250 = arith.constant 0 : i32
          %dma_wait3A_251 = arith.constant 0 : i32
          %dma_wait3A_252 = tpu.memref_slice %arg4[%dma_wait3A_250, %dma_wait3A_251] : memref<1024x1536xf32, #tpu.memory_space<hbm>> -> memref<1x1536xf32, #tpu.memory_space<hbm>>
          tpu.wait_dma2 semaphore(%arg13 : memref<!tpu.dma_semaphore, #tpu.memory_space<semaphore_mem>>) src(%dma_wait3A_252 : memref<1x1536xf32, #tpu.memory_space<hbm>>) dst(%dma_wait3A_249 : memref<1x1536xf32, #tpu.memory_space<vmem>>)
        } else {
        }
        %gt3A_212 = arith.constant 10 : i32
        %gt3A_213 = arith.cmpi sgt, %and3A_64, %gt3A_212 : i32
        %convert_element_type3A_214 = arith.extui %gt3A_213 : i1 to i32
        %cond3A_215 = arith.constant 0 : i32
        %cond3A_216 = arith.cmpi ne, %convert_element_type3A_214, %cond3A_215 : i32
        scf.if %cond3A_216 {
          %dma_wait3A = arith.constant 0 : i32
          %dma_wait3A_242 = arith.constant 0 : i32
          %dma_wait3A_243 = tpu.memref_slice %arg6[%dma_wait3A, %dma_wait3A_242] : memref<32x1536xf32, #tpu.memory_space<vmem>> -> memref<1x1536xf32, #tpu.memory_space<vmem>>
          %dma_wait3A_244 = arith.constant 0 : i32
          %dma_wait3A_245 = arith.constant 0 : i32
          %dma_wait3A_246 = tpu.memref_slice %arg4[%dma_wait3A_244, %dma_wait3A_245] : memref<1024x1536xf32, #tpu.memory_space<hbm>> -> memref<1x1536xf32, #tpu.memory_space<hbm>>
          %dma_wait3A_247 = arith.constant 0 : i32
          %dma_wait3A_248 = arith.constant 0 : i32
          %dma_wait3A_249 = tpu.memref_slice %arg6[%dma_wait3A_247, %dma_wait3A_248] : memref<32x1536xf32, #tpu.memory_space<vmem>> -> memref<1x1536xf32, #tpu.memory_space<vmem>>
          %dma_wait3A_250 = arith.constant 0 : i32
          %dma_wait3A_251 = arith.constant 0 : i32
          %dma_wait3A_252 = tpu.memref_slice %arg4[%dma_wait3A_250, %dma_wait3A_251] : memref<1024x1536xf32, #tpu.memory_space<hbm>> -> memref<1x1536xf32, #tpu.memory_space<hbm>>
          tpu.wait_dma2 semaphore(%arg13 : memref<!tpu.dma_semaphore, #tpu.memory_space<semaphore_mem>>) src(%dma_wait3A_252 : memref<1x1536xf32, #tpu.memory_space<hbm>>) dst(%dma_wait3A_249 : memref<1x1536xf32, #tpu.memory_space<vmem>>)
        } else {
        }
        %gt3A_217 = arith.constant 11 : i32
        %gt3A_218 = arith.cmpi sgt, %and3A_64, %gt3A_217 : i32
        %convert_element_type3A_219 = arith.extui %gt3A_218 : i1 to i32
        %cond3A_220 = arith.constant 0 : i32
        %cond3A_221 = arith.cmpi ne, %convert_element_type3A_219, %cond3A_220 : i32
        scf.if %cond3A_221 {
          %dma_wait3A = arith.constant 0 : i32
          %dma_wait3A_242 = arith.constant 0 : i32
          %dma_wait3A_243 = tpu.memref_slice %arg6[%dma_wait3A, %dma_wait3A_242] : memref<32x1536xf32, #tpu.memory_space<vmem>> -> memref<1x1536xf32, #tpu.memory_space<vmem>>
          %dma_wait3A_244 = arith.constant 0 : i32
          %dma_wait3A_245 = arith.constant 0 : i32
          %dma_wait3A_246 = tpu.memref_slice %arg4[%dma_wait3A_244, %dma_wait3A_245] : memref<1024x1536xf32, #tpu.memory_space<hbm>> -> memref<1x1536xf32, #tpu.memory_space<hbm>>
          %dma_wait3A_247 = arith.constant 0 : i32
          %dma_wait3A_248 = arith.constant 0 : i32
          %dma_wait3A_249 = tpu.memref_slice %arg6[%dma_wait3A_247, %dma_wait3A_248] : memref<32x1536xf32, #tpu.memory_space<vmem>> -> memref<1x1536xf32, #tpu.memory_space<vmem>>
          %dma_wait3A_250 = arith.constant 0 : i32
          %dma_wait3A_251 = arith.constant 0 : i32
          %dma_wait3A_252 = tpu.memref_slice %arg4[%dma_wait3A_250, %dma_wait3A_251] : memref<1024x1536xf32, #tpu.memory_space<hbm>> -> memref<1x1536xf32, #tpu.memory_space<hbm>>
          tpu.wait_dma2 semaphore(%arg13 : memref<!tpu.dma_semaphore, #tpu.memory_space<semaphore_mem>>) src(%dma_wait3A_252 : memref<1x1536xf32, #tpu.memory_space<hbm>>) dst(%dma_wait3A_249 : memref<1x1536xf32, #tpu.memory_space<vmem>>)
        } else {
        }
        %gt3A_222 = arith.constant 12 : i32
        %gt3A_223 = arith.cmpi sgt, %and3A_64, %gt3A_222 : i32
        %convert_element_type3A_224 = arith.extui %gt3A_223 : i1 to i32
        %cond3A_225 = arith.constant 0 : i32
        %cond3A_226 = arith.cmpi ne, %convert_element_type3A_224, %cond3A_225 : i32
        scf.if %cond3A_226 {
          %dma_wait3A = arith.constant 0 : i32
          %dma_wait3A_242 = arith.constant 0 : i32
          %dma_wait3A_243 = tpu.memref_slice %arg6[%dma_wait3A, %dma_wait3A_242] : memref<32x1536xf32, #tpu.memory_space<vmem>> -> memref<1x1536xf32, #tpu.memory_space<vmem>>
          %dma_wait3A_244 = arith.constant 0 : i32
          %dma_wait3A_245 = arith.constant 0 : i32
          %dma_wait3A_246 = tpu.memref_slice %arg4[%dma_wait3A_244, %dma_wait3A_245] : memref<1024x1536xf32, #tpu.memory_space<hbm>> -> memref<1x1536xf32, #tpu.memory_space<hbm>>
          %dma_wait3A_247 = arith.constant 0 : i32
          %dma_wait3A_248 = arith.constant 0 : i32
          %dma_wait3A_249 = tpu.memref_slice %arg6[%dma_wait3A_247, %dma_wait3A_248] : memref<32x1536xf32, #tpu.memory_space<vmem>> -> memref<1x1536xf32, #tpu.memory_space<vmem>>
          %dma_wait3A_250 = arith.constant 0 : i32
          %dma_wait3A_251 = arith.constant 0 : i32
          %dma_wait3A_252 = tpu.memref_slice %arg4[%dma_wait3A_250, %dma_wait3A_251] : memref<1024x1536xf32, #tpu.memory_space<hbm>> -> memref<1x1536xf32, #tpu.memory_space<hbm>>
          tpu.wait_dma2 semaphore(%arg13 : memref<!tpu.dma_semaphore, #tpu.memory_space<semaphore_mem>>) src(%dma_wait3A_252 : memref<1x1536xf32, #tpu.memory_space<hbm>>) dst(%dma_wait3A_249 : memref<1x1536xf32, #tpu.memory_space<vmem>>)
        } else {
        }
        %gt3A_227 = arith.constant 13 : i32
        %gt3A_228 = arith.cmpi sgt, %and3A_64, %gt3A_227 : i32
        %convert_element_type3A_229 = arith.extui %gt3A_228 : i1 to i32
        %cond3A_230 = arith.constant 0 : i32
        %cond3A_231 = arith.cmpi ne, %convert_element_type3A_229, %cond3A_230 : i32
        scf.if %cond3A_231 {
          %dma_wait3A = arith.constant 0 : i32
          %dma_wait3A_242 = arith.constant 0 : i32
          %dma_wait3A_243 = tpu.memref_slice %arg6[%dma_wait3A, %dma_wait3A_242] : memref<32x1536xf32, #tpu.memory_space<vmem>> -> memref<1x1536xf32, #tpu.memory_space<vmem>>
          %dma_wait3A_244 = arith.constant 0 : i32
          %dma_wait3A_245 = arith.constant 0 : i32
          %dma_wait3A_246 = tpu.memref_slice %arg4[%dma_wait3A_244, %dma_wait3A_245] : memref<1024x1536xf32, #tpu.memory_space<hbm>> -> memref<1x1536xf32, #tpu.memory_space<hbm>>
          %dma_wait3A_247 = arith.constant 0 : i32
          %dma_wait3A_248 = arith.constant 0 : i32
          %dma_wait3A_249 = tpu.memref_slice %arg6[%dma_wait3A_247, %dma_wait3A_248] : memref<32x1536xf32, #tpu.memory_space<vmem>> -> memref<1x1536xf32, #tpu.memory_space<vmem>>
          %dma_wait3A_250 = arith.constant 0 : i32
          %dma_wait3A_251 = arith.constant 0 : i32
          %dma_wait3A_252 = tpu.memref_slice %arg4[%dma_wait3A_250, %dma_wait3A_251] : memref<1024x1536xf32, #tpu.memory_space<hbm>> -> memref<1x1536xf32, #tpu.memory_space<hbm>>
          tpu.wait_dma2 semaphore(%arg13 : memref<!tpu.dma_semaphore, #tpu.memory_space<semaphore_mem>>) src(%dma_wait3A_252 : memref<1x1536xf32, #tpu.memory_space<hbm>>) dst(%dma_wait3A_249 : memref<1x1536xf32, #tpu.memory_space<vmem>>)
        } else {
        }
        %gt3A_232 = arith.constant 14 : i32
        %gt3A_233 = arith.cmpi sgt, %and3A_64, %gt3A_232 : i32
        %convert_element_type3A_234 = arith.extui %gt3A_233 : i1 to i32
        %cond3A_235 = arith.constant 0 : i32
        %cond3A_236 = arith.cmpi ne, %convert_element_type3A_234, %cond3A_235 : i32
        scf.if %cond3A_236 {
          %dma_wait3A = arith.constant 0 : i32
          %dma_wait3A_242 = arith.constant 0 : i32
          %dma_wait3A_243 = tpu.memref_slice %arg6[%dma_wait3A, %dma_wait3A_242] : memref<32x1536xf32, #tpu.memory_space<vmem>> -> memref<1x1536xf32, #tpu.memory_space<vmem>>
          %dma_wait3A_244 = arith.constant 0 : i32
          %dma_wait3A_245 = arith.constant 0 : i32
          %dma_wait3A_246 = tpu.memref_slice %arg4[%dma_wait3A_244, %dma_wait3A_245] : memref<1024x1536xf32, #tpu.memory_space<hbm>> -> memref<1x1536xf32, #tpu.memory_space<hbm>>
          %dma_wait3A_247 = arith.constant 0 : i32
          %dma_wait3A_248 = arith.constant 0 : i32
          %dma_wait3A_249 = tpu.memref_slice %arg6[%dma_wait3A_247, %dma_wait3A_248] : memref<32x1536xf32, #tpu.memory_space<vmem>> -> memref<1x1536xf32, #tpu.memory_space<vmem>>
          %dma_wait3A_250 = arith.constant 0 : i32
          %dma_wait3A_251 = arith.constant 0 : i32
          %dma_wait3A_252 = tpu.memref_slice %arg4[%dma_wait3A_250, %dma_wait3A_251] : memref<1024x1536xf32, #tpu.memory_space<hbm>> -> memref<1x1536xf32, #tpu.memory_space<hbm>>
          tpu.wait_dma2 semaphore(%arg13 : memref<!tpu.dma_semaphore, #tpu.memory_space<semaphore_mem>>) src(%dma_wait3A_252 : memref<1x1536xf32, #tpu.memory_space<hbm>>) dst(%dma_wait3A_249 : memref<1x1536xf32, #tpu.memory_space<vmem>>)
        } else {
        }
        %gt3A_237 = arith.constant 15 : i32
        %gt3A_238 = arith.cmpi sgt, %and3A_64, %gt3A_237 : i32
        %convert_element_type3A_239 = arith.extui %gt3A_238 : i1 to i32
        %cond3A_240 = arith.constant 0 : i32
        %cond3A_241 = arith.cmpi ne, %convert_element_type3A_239, %cond3A_240 : i32
        scf.if %cond3A_241 {
          %dma_wait3A = arith.constant 0 : i32
          %dma_wait3A_242 = arith.constant 0 : i32
          %dma_wait3A_243 = tpu.memref_slice %arg6[%dma_wait3A, %dma_wait3A_242] : memref<32x1536xf32, #tpu.memory_space<vmem>> -> memref<1x1536xf32, #tpu.memory_space<vmem>>
          %dma_wait3A_244 = arith.constant 0 : i32
          %dma_wait3A_245 = arith.constant 0 : i32
          %dma_wait3A_246 = tpu.memref_slice %arg4[%dma_wait3A_244, %dma_wait3A_245] : memref<1024x1536xf32, #tpu.memory_space<hbm>> -> memref<1x1536xf32, #tpu.memory_space<hbm>>
          %dma_wait3A_247 = arith.constant 0 : i32
          %dma_wait3A_248 = arith.constant 0 : i32
          %dma_wait3A_249 = tpu.memref_slice %arg6[%dma_wait3A_247, %dma_wait3A_248] : memref<32x1536xf32, #tpu.memory_space<vmem>> -> memref<1x1536xf32, #tpu.memory_space<vmem>>
          %dma_wait3A_250 = arith.constant 0 : i32
          %dma_wait3A_251 = arith.constant 0 : i32
          %dma_wait3A_252 = tpu.memref_slice %arg4[%dma_wait3A_250, %dma_wait3A_251] : memref<1024x1536xf32, #tpu.memory_space<hbm>> -> memref<1x1536xf32, #tpu.memory_space<hbm>>
          tpu.wait_dma2 semaphore(%arg13 : memref<!tpu.dma_semaphore, #tpu.memory_space<semaphore_mem>>) src(%dma_wait3A_252 : memref<1x1536xf32, #tpu.memory_space<hbm>>) dst(%dma_wait3A_249 : memref<1x1536xf32, #tpu.memory_space<vmem>>)
        } else {
        }
      } else {
      }
      scf.yield %while3A_47 : i32
    }
    %scan3A_13 = arith.constant 32 : i32
    %scan3A_14 = arith.constant 0 : i32
    %scan3A_15 = arith.constant 64 : i32
    %scan3A_16 = arith.addi %scan3A_14, %scan3A_15 : i32
    %scan3A_17 = arith.constant 1 : i32
    scf.for %scan3A_19 = %scan3A_14 to %scan3A_16 step %scan3A_17  : i32 {
      %mul3A_20 = arith.constant 1 : i32
      %mul3A_21 = arith.muli %scan3A_19, %mul3A_20 : i32
      %add3A_22 = arith.constant 0 : i32
      %add3A_23 = arith.addi %add3A_22, %mul3A_21 : i32
      %lt3A = arith.cmpi slt, %add3A_23, %scan3A_12 : i32
      %convert_element_type3A = arith.extui %lt3A : i1 to i32
      %cond3A = arith.constant 0 : i32
      %cond3A_24 = arith.cmpi ne, %convert_element_type3A, %cond3A : i32
      scf.if %cond3A_24 {
        %dma_wait3A = arith.constant 0 : i32
        %dma_wait3A_25 = arith.constant 0 : i32
        %dma_wait3A_26 = tpu.memref_slice %arg6[%dma_wait3A, %dma_wait3A_25] : memref<32x1536xf32, #tpu.memory_space<vmem>> -> memref<1x1536xf32, #tpu.memory_space<vmem>>
        %dma_wait3A_27 = arith.constant 0 : i32
        %dma_wait3A_28 = arith.constant 0 : i32
        %dma_wait3A_29 = tpu.memref_slice %arg4[%dma_wait3A_27, %dma_wait3A_28] : memref<1024x1536xf32, #tpu.memory_space<hbm>> -> memref<1x1536xf32, #tpu.memory_space<hbm>>
        %dma_wait3A_30 = arith.constant 0 : i32
        %dma_wait3A_31 = arith.constant 0 : i32
        %dma_wait3A_32 = tpu.memref_slice %arg6[%dma_wait3A_30, %dma_wait3A_31] : memref<32x1536xf32, #tpu.memory_space<vmem>> -> memref<1x1536xf32, #tpu.memory_space<vmem>>
        %dma_wait3A_33 = arith.constant 0 : i32
        %dma_wait3A_34 = arith.constant 0 : i32
        %dma_wait3A_35 = tpu.memref_slice %arg4[%dma_wait3A_33, %dma_wait3A_34] : memref<1024x1536xf32, #tpu.memory_space<hbm>> -> memref<1x1536xf32, #tpu.memory_space<hbm>>
        tpu.wait_dma2 semaphore(%arg13 : memref<!tpu.dma_semaphore, #tpu.memory_space<semaphore_mem>>) src(%dma_wait3A_35 : memref<1x1536xf32, #tpu.memory_space<hbm>>) dst(%dma_wait3A_32 : memref<1x1536xf32, #tpu.memory_space<vmem>>)
      } else {
      }
    }
    %scan3A_18 = arith.constant 64 : i32
    return
  }
}

</mosaic_0001>

<sc_bundles>
// kernel: kernel.3.cloned.1.call-start
scs
__scs_entry_jumppad:
0x0: {  	(pc) =	sbr.rel $0x88, $3  }
0x1: {  	(tag) =	ssettag $0x0;
	lr =	simm.s32 $0x1  }
0x2: {  	[smem:$0x3F9E] =	sst lr;
	_ =	strace $0xD0000000  }
0x3: {  	_ = 	snop  }
0x4: {  	_ = 	snop  }
0x5: {  	_ = 	snop  }
0x6: {  	_ = 	snop  }
0x7: {  	_ = 	snop  }
__scs_overlays_trampoline_lowered:
0x8: {  	[smem:$0x3FAD] =	sst s0  }
0x9: {  	[smem:$0x3FAE] =	sst s1  }
0xa: {  	[smem:$0x3FAF] =	sst s2  }
0xb: {  	[smem:$0x3FB0] =	sst s3  }
0xc: {  	[smem:$0x3FB1] =	sst s4  }
0xd: {  	[smem:$0x3FB2] =	sst s5  }
0xe: {  	[smem:$0x3FB3] =	sst s6  }
0xf: {  	[smem:$0x3FB4] =	sst s7  }
0x10: {  	[smem:$0x3FB5] =	sst s8  }
0x11: {  	[smem:$0x3FB6] =	sst s9;
	s0 =	simm.s32 @!p0 $0x0  }
0x12: {  	s1 =	sld [smem:$0x3F9C];
	s0 =	simm.s32 @p0 $0x1  }
0x13: {  	[smem:$0x3FB7] =	sst s0;
	s0 =	simm.s32 @!p1 $0x0  }
0x14: {  	s2 =	sld [smem:$0x3F9B];
	s0 =	simm.s32 @p1 $0x1  }
0x15: {  	[smem:$0x3FB8] =	sst s0;
	s0 =	simm.s32 @!p2 $0x0  }
0x16: {  	s3 =	sld [smem:$0x3FDB];
	s0 =	simm.s32 @p2 $0x1  }
0x17: {  	s4 =	simm.s32 $0x1BF5;
	[smem:$0x3FBA] =	sst s0  }
0x18: {  	s0 =	sld [smem:$0x3F9D];
	_ =	swait.ge [sflag:s4], $0x0  }
0x19: {  	s7 =	sld [smem:$0x3F9E]  }
0x1a: {  	s8 =	sadd.s32 $0xFFFFE003, lr  }
0x1b: {  	s9 =	sadd.s32 $0xFFFFFEF7, lr;
	s5 =	simm.s32 $0xFFFFFFFF;
	p2 =	slt.u32 s8, $0xFFFFF086  }
0x1c: {  	p1 =	slt.u32 s9, $0xF7A;
	s5 =	simm.s32 @!p2 $0x0  }
0x1d: {  	s5 =	simm.s32 @p1 $0x1;
	p0 =	seq.s32 s7, s2  }
0x1e: {  	s7 =	smul.u32 @!p0 $0xF7A, s2;
	p2 =	seq.s32 @!p0 s5, $0x0  }
0x1f: {  	s9 =	smul.u32 $0xF7A, s1;
	s8 =	simm.s32 @!p0 $0x1BF5;
	p2 =	por !p2, p0  }
0x20: {  	[sflag:s8] =	ssyncset.s32 @!p0 $0xFFFFF086;
	s6 =	sadd.s32 @!p0 s3, s7;
	s7 =	simm.s32 @!p0 $0x108  }
0x21: {  	s3 =	sadd.s32 s3, s9;
	s6 =	sadd.s32 @!p0 $0x88, s6;
	s7 =	simm.s32 @p2 $0x1082  }
0x22: {  	[simem:s7], [sflag:s8] =	dma.local @!p0 [hbm:s6], $0xF7A  }
0x23: {  	s9 =	sor.u32 $0xD0000000, s2;
	s6 =	simm.s32 $0x108;
	_ =	swait.ge @!p0 [sflag:s8], $0x0  }
0x24: {  	s3 =	sadd.s32 $0x88, s3;
	s6 =	simm.s32 @!p1 $0x1082;
	[sflag:s4] =	ssyncset.s32 $0xFFFFF086  }
0x25: {  	[simem:s6], [sflag:s4] =	dma.local [hbm:s3], $0xF7A  }
0x26: {  	[smem:$0x3F9E] =	sst s1;
	(tag) =	ssettag s2;
	_ =	strace s9  }
0x27: {  	s1 =	sld [smem:$0x3FAE]  }
0x28: {  	s2 =	sld [smem:$0x3FAF]  }
0x29: {  	s4 =	sld [smem:$0x3FB1]  }
0x2a: {  	p0 =	seq.s32 s5, $0x0;
	s5 =	sld [smem:$0x3FB2]  }
0x2b: {  	s6 =	sld [smem:$0x3FB3]  }
0x2c: {  	s7 =	sld [smem:$0x3FB4]  }
0x2d: {  	s3 =	simm.s32 $0x108;
	s8 =	sld [smem:$0x3FB5]  }
0x2e: {  	s3 =	simm.s32 @!p0 $0x1082;
	s9 =	sld [smem:$0x3FB6]  }
0x2f: {  	lr =	sadd.s32 s0, s3;
	s0 =	sld [smem:$0x3FAD]  }
0x30: {  	s3 =	sld [smem:$0x3FB0]  }
0x31: {  	[smem:$0x3FB9] =	sst s10  }
0x32: {  	s10 =	sld [smem:$0x3FB7];
	_ =	sdelay $0x3  }
0x33: {  	p0 =	seq.s32 s10, $0x1;
	s10 =	sld [smem:$0x3FB9];
	_ =	sdelay $0x3  }
0x34: {  	[smem:$0x3FB9] =	sst s10  }
0x35: {  	s10 =	sld [smem:$0x3FB8];
	_ =	sdelay $0x3  }
0x36: {  	p1 =	seq.s32 s10, $0x1;
	s10 =	sld [smem:$0x3FB9];
	_ =	sdelay $0x3  }
0x37: {  	[smem:$0x3FB9] =	sst s10  }
0x38: {  	s10 =	sld [smem:$0x3FBA]  }
0x39: {  	_ = 	snop;
	(pc) =	sbr.ind lr, $3  }
0x3a: {  	_ = 	snop  }
0x3b: {  	_ = 	snop  }
0x3c: {  	p2 =	seq.s32 s10, $0x1;
	s10 =	sld [smem:$0x3FB9]  }
0x3d: {  	_ =	shalt  }
0x3e: {  	_ =	shalt  }
0x3f: {  	_ =	shalt  }
0x40: {  	_ =	shalt  }
0x41: {  	_ =	shalt  }
0x42: {  	_ =	shalt  }
0x43: {  	_ =	shalt  }
0x44: {  	_ =	shalt  }
0x45: {  	_ =	shalt  }
0x46: {  	_ =	shalt  }
0x47: {  	_ =	shalt  }
0x48: {  	_ =	shalt  }
0x49: {  	_ =	shalt  }
0x4a: {  	_ =	shalt  }
0x4b: {  	_ =	shalt  }
0x4c: {  	_ =	shalt  }
0x4d: {  	_ =	shalt  }
0x4e: {  	_ =	shalt  }
0x4f: {  	_ =	shalt  }
0x50: {  	_ =	shalt  }
0x51: {  	_ =	shalt  }
0x52: {  	_ =	shalt  }
0x53: {  	_ =	shalt  }
0x54: {  	_ =	shalt  }
0x55: {  	_ =	shalt  }
0x56: {  	_ =	shalt  }
0x57: {  	_ =	shalt  }
0x58: {  	_ =	shalt  }
0x59: {  	_ =	shalt  }
0x5a: {  	_ =	shalt  }
0x5b: {  	_ =	shalt  }
0x5c: {  	_ =	shalt  }
0x5d: {  	_ =	shalt  }
0x5e: {  	_ =	shalt  }
0x5f: {  	_ =	shalt  }
0x60: {  	_ =	shalt  }
0x61: {  	_ =	shalt  }
0x62: {  	_ =	shalt  }
0x63: {  	_ =	shalt  }
0x64: {  	_ =	shalt  }
0x65: {  	_ =	shalt  }
0x66: {  	_ =	shalt  }
0x67: {  	_ =	shalt  }
0x68: {  	_ =	shalt  }
0x69: {  	_ =	shalt  }
0x6a: {  	_ =	shalt  }
0x6b: {  	_ =	shalt  }
0x6c: {  	_ =	shalt  }
0x6d: {  	_ =	shalt  }
0x6e: {  	_ =	shalt  }
0x6f: {  	_ =	shalt  }
0x70: {  	_ =	shalt  }
0x71: {  	_ =	shalt  }
0x72: {  	_ =	shalt  }
0x73: {  	_ =	shalt  }
0x74: {  	_ =	shalt  }
0x75: {  	_ =	shalt  }
0x76: {  	_ =	shalt  }
0x77: {  	_ =	shalt  }
0x78: {  	_ =	shalt  }
0x79: {  	_ =	shalt  }
0x7a: {  	_ =	shalt  }
0x7b: {  	_ =	shalt  }
0x7c: {  	_ =	shalt  }
0x7d: {  	_ =	shalt  }
0x7e: {  	_ =	shalt  }
0x7f: {  	_ =	shalt  }
0x80: {  	_ =	shalt  }
0x81: {  	_ =	shalt  }
0x82: {  	_ =	shalt  }
0x83: {  	_ =	shalt  }
0x84: {  	_ =	shalt  }
0x85: {  	_ =	shalt  }
0x86: {  	_ =	shalt  }
0x87: {  	_ =	shalt  }
.Lfunc_end0:
.L_simem_size_0:
called_computation_lowered:
.L_overlay_start_0:
0x88: {  	s2 =	sld [smem:$0x3FD9]  }
0x89: {  	s3 =	sld [smem:$0x3FFE];
	_ =	sdelay $0x1  }
0x8a: {  	s1 =	srdreg.scid  }
0x8b: {  	s0 =	sand.u32 $0x1, s1  }
0x8c: {  	s17 =	sshll.u32 s0, $0xA;
	s2 =	sadd.s32 s3, s2  }
0x8d: {  	s2 =	sadd.s32 s2, s17  }
0x8e: {  	[smem:$0x3FC5] =	sst s2  }
0x8f: {  	_ = 	snop  }
0x90: {  	s2 =	sld [smem:$0x3FC8]  }
0x91: {  	s18 =	sld [smem:$0x3FC7]  }
0x92: {  	s4 =	sld [smem:$0x3FD0];
	(tm) =	ssettm $0x1  }
0x93: {  	s5 =	sld [smem:$0x3FFB];
	_ =	sdelay $0x3  }
0x94: {  	_ =	strace s5  }
0x95: {  	s5 =	sld [smem:$0x3FFC];
	_ =	sdelay $0x3  }
0x96: {  	_ =	strace s5  }
0x97: {  	s5 =	sld [smem:$0x3FFD];
	_ =	sdelay $0x3  }
0x98: {  	_ =	strace s5  }
0x99: {  	_ =	strace $0x8FFFFFFF  }
0x9a: {  	s19 =	sld [smem:$0x3FDB];
	_ =	sdelay $0x1  }
0x9b: {  	s6 =	simm.s32 $_scs_section_size  }
0x9c: {  	s7 =	simm.s32 $_size__tile_overlayer_lowered;
	s8 =	simm.s32 $_tile_overlayer_lowered  }
0x9d: {  	s22 =	simm.s32 $0x1BFF;
	s21 =	sshll.u32 s8, $0x1;
	s5 =	sadd.s32 s6, s19  }
0x9e: {  	s9 =	simm.s32 $0x0;
	s20 =	sshll.u32 s7, $0x1;
	s7 =	sadd.s32 s21, s5  }
0x9f: {  	[timem:s9], [sflag:s22] =	dma.local [hbm:s7], s20  }
0xa0: {  	_ =	swait.ge [sflag:s22], s20  }
0xa1: {  	s6 =	ssub.s32 $0x0, s20;
	[sflag:s22] =	ssyncset.done $0x0  }
0xa2: {  	[sflag:s22] =	ssyncadd.s32 s6;
	_ =	sdelay $0x1  }
0xa3: {  	s23 =	simm.s32 $0x1B8B  }
0xa4: {  	_ =	swait.ge [sflag:s23], $0x1  }
0xa5: {  	[sflag:s23] =	ssyncset.done $0x0  }
0xa6: {  	s25 =	simm.s32 $0x1B8E;
	s24 =	sld [smem:$0x3FFE];
	[sflag:s23] =	ssyncadd.s32 $0xFFFFFFFF  }
0xa7: {  	s26 =	simm.s32 $execute0_lowered;
	[smem:$0x3FD2] =	sst s25  }
0xa8: {  	s7 =	sshll.u32 s26, $0x1;
	_ =	strace $0x80000046;
	[dreg:$0x1] =	wrdreg $0xFFFFFFFF  }
0xa9: {  	s28 =	simm.s32 $_size_execute0_lowered;
	s5 =	sadd.s32 s5, s7;
	[dreg:$0x0] =	wrdreg $0x0  }
0xaa: {  	s7 =	sshll.u32 s28, $0x1;
	[dreg:$0x2] =	wrdreg s5  }
0xab: {  	[dreg:$0x3] =	wrdreg s7  }
0xac: {  	[dreg:$0x4] =	wrdreg $0xC0  }
0xad: {  	_ =	task [dreg:s9], $0x5FFFF  }
0xae: {  	[dreg:$0x1] =	wrdreg $0xFFFFFFFF  }
0xaf: {  	[dreg:$0x0] =	wrdreg $0x60  }
0xb0: {  	[dreg:$0x2] =	wrdreg s24  }
0xb1: {  	[dreg:$0x3] =	wrdreg s2  }
0xb2: {  	[dreg:$0x4] =	wrdreg s18  }
0xb3: {  	[dreg:$0x5] =	wrdreg s4  }
0xb4: {  	[dreg:$0x6] =	wrdreg $0x9  }
0xb5: {  	_ =	task.clear_ibuf [dreg:s9], $0x7FFFF;
	_ =	strace $0x90000046  }
0xb6: {  	s29 =	simm.s32 $0x9;
	_ =	strace $0x80000048  }
0xb7: {  	_ =	swait.ge [sflag:s29], $0x1  }
0xb8: {  	[sflag:s29] =	ssyncadd.s32 $0xFFFFFFFF  }
0xb9: {  	_ =	strace $0x90000048  }
0xba: {  	_ =	sfence  }
0xbb: {  	s30 =	sld [smem:$0x0];
	_ =	sdelay $0x2  }
0xbc: {  	s31 =	sshll.u32 s1, $0xD;
	s1 =	sshrl.u32 s1, $0x2  }
0xbd: {  	s3 =	sand.u32 $0x4000, s31;
	s1 =	sadd.s32 s1, s30  }
0xbe: {  	s0 =	sor.u32 s3, s0;
	s1 =	sshll.u32 s1, $0x11  }
0xbf: {  	s0 =	sor.u32 s1, s0  }
0xc0: {  	s0 =	sadd.s32 $0x8F2B, s0  }
0xc1: {  	[sflag:s0] =	ssyncadd.remote.s32 $0x1  }
0xc2: {  	_ =	sfence.sel $0xFFFF  }
0xc3: {  	[dreg:$0x0] =	wrdreg $0xFFFFFFFF;
	(pc) =	sbr.abs _section_cstart, $3  }
0xc4: {  	[dreg:$0x1] =	wrdreg $0xFFFFFFFF  }
0xc5: {  	_ =	task.clear_ibuf [dreg:s9], $0x2FFFF;
	_ =	strace $0x9FFFFFFF  }
0xc6: {  	(tm) =	ssettm $0x7FFFFFFF  }
0xc7: {  	_ =	shalt  }
tec
execute0_lowered:
.L_overlay_start_1:
0x0: {  	(tag) =	ssettag $0x1  }
0x1: {  	s0 =	rddreg [dreg:$0x0]  }
0x2: {  	s1 =	rddreg [dreg:$0x2]  }
0x3: {  	s3 =	rddreg [dreg:$0x3]  }
0x4: {  	s2 =	srdreg.scid;
	s5 =	stileid.u32;
	s4 =	simm.s32 $0x0  }
0x5: {  	s14 =	simm.s32 $0x2;
	s15 =	simm.s32 $0x13000;
	s16 =	simm.s32 $0x13880  }
0x6: {  	s17 =	simm.s32 $0xC000;
	s19 =	simm.s32 $0xC800;
	s21 =	simm.s32 $0xD000  }
0x7: {  	s23 =	simm.s32 $0xD800;
	s28 =	simm.s32 $0xE800;
	s30 =	simm.s32 $0xF000  }
0x8: {  	s31 =	simm.s32 $0xF800;
	s13 =	simm.s32 $0x11800;
	s18 =	simm.s32 $0x1  }
0x9: {  	s2 =	sand.u32 $0x1, s2;
	s5 =	sshll.u32 s5, $0x1;
	[smem:$0x7FF] =	sst s4  }
0xa: {  	s0 =	sadd.s32 $0x400, s0;
	s8 =	sadd.s32 $0x100, s3;
	s9 =	sadd.s32 $0x200, s3  }
0xb: {  	s10 =	sadd.s32 $0x300, s3;
	s11 =	sadd.s32 $0x400, s3;
	s12 =	sadd.s32 $0x500, s3  }
0xc: {  	s7 =	ssub.s32 $0x2, s2;
	s6 =	sor.u32 s2, s5;
	_ =	strace $0x80000047  }
0xd: {  	[dreg:$0x6] =	wrdreg s0;
	s2 =	simm.s32 $0x10800;
	s5 =	smul.u32 $0x1800, s6  }
0xe: {  	s25 =	sshrl.u32 s7, $0x1;
	[dreg:$0x5] =	wrdreg s6;
	s29 =	sshll.u32 s6, $0x5  }
0xf: {  	v1 =	vimm.f32 $0.0e+00;
	v2 =	vlaneseq.u32;
	v3 =	vimm.s32 $0x0;
	s6 =	simm.s32 $0x0;
	s26 =	ssub.s32 s7, s25;
	s1 =	sadd.s32 s1, s5  }
0x10: {  	vm0 =	vmmov $0xffff;
	v4 =	vand.u32 $0x7, v2;
	v5 =	vshrl.u32 v2, $0x3;
	s25 =	simm.s32 $0xE000;
	s0 =	smax.u32 s26, $0x1;
	[dreg:$0x7] =	wrdreg s1  }
0x11: {  	v6 =	vor.u32 $0x8, v2;
	v5 =	vmul.u32 $0x8, v5;
	v0 =	vmov s29;
	s7 =	simm.s32 $0x11000;
	[dreg:$0x8] =	wrdreg s0;
	s0 =	simm.s32 $0x10000  }
.LBB2_1:
0x12: {  	[dreg:$0x9] =	wrdreg s6  }
0x13: {  	s1 =	rddreg [dreg:$0x7]  }
0x14: {  	[tilespmem:s4], [sflag:$0x2] =	stream.linear.gather [hbm4b:s1+s4], $0xC000, $0x38;
	[tilespmem:$0x14180] =	vst v63  }
0x15: {  	_ =	swait.ge [sflag:s14], $0xC000  }
0x16: {  	[sflag:s14] =	ssyncset.done $0x0  }
0x17: {  	s1 =	simm.s32 $0x0;
	[sflag:s14] =	ssyncadd.s32 $0xFFFF4000  }
.LBB2_2:
0x18: {  	s5 =	sshrl.u32 s1, $0x3  }
0x19: {  	s5 =	smul.u32 $0xC000, s5  }
0x1a: {  	s20 =	sshll.u32 s1, $0x7  }
0x1b: {  	s20 =	sand.u32 $0x380, s20;
	s5 =	sshra.s32 s5, $0x2  }
0x1c: {  	s20 =	sor.u32 s20, s5;
	s5 =	simm.s32 $0x0  }
0x1d: {  	s20 =	sadd.s32 $0xC000, s20;
	s22 =	sand.u32 $0x3C00, s5  }
0x1e: {  	s24 =	sand.u32 $0x70, s5;
	s26 =	sadd.s32 s22, s20  }
0x1f: {  	s22 =	simm.s32 $0x10;
	s24 =	sadd.s32 s24, s26  }
.LBB2_3:
0x20: {  	p0 =	sne.s32 s22, $0x5F0  }
0x21: {  	[tilespmem:s24+$0x0] =	vst v1;
	s5 =	sadd.s32 $0x80, s5;
	s24 =	smov.u32 s22;
	s22 =	sadd.s32 $0x10, s22  }
.Ltmp0:
0x22: {  	(pc) =	sbr.rel @p0 .LBB2_3-.Ltmp0, $4  }
0x23: {  	_ = 	snop  }
0x24: {  	s26 =	sand.u32 $0x3C00, s5  }
0x25: {  	s24 =	sand.u32 $0x70, s24;
	s26 =	sadd.s32 s26, s20  }
0x26: {  	s24 =	sadd.s32 s24, s26  }
0x27: {  	s1 =	sadd.s32 $0x1, s1  }
0x28: {  	p0 =	sne.s32 s1, $0x10  }
.Ltmp1:
0x29: {  	_ = 	snop;
	(pc) =	sbr.rel @p0 .LBB2_2-.Ltmp1, $2  }
0x2a: {  	_ =	sdelay $0x2  }
0x2b: {  	[tilespmem:s24+$0x0] =	vst v1;
	s24 =	simm.s32 $0x0  }
.Ltmp2:
0x2c: {  	(pc) =	sbr.rel .LBB2_6-.Ltmp2, $2  }
0x2d: {  	_ =	sdelay $0x2  }
0x2e: {  	s22 =	simm.s32 $0x0;
	s26 =	simm.s32 $0x0  }
.LBB2_21:
0x2f: {  	(v2sf) =	vpush v7, $0xD;
	_ =	sdelay $0xe  }
0x30: {  	s1 =	spop (v2sf)  }
0x31: {  	s5 =	sshrl.u32 s1, $0x3  }
0x32: {  	s1 =	sshll.u32 s1, $0x7;
	s5 =	smul.u32 $0x3000, s5  }
0x33: {  	s1 =	sand.u32 $0x380, s1  }
0x34: {  	s1 =	sor.u32 s1, s5  }
0x35: {  	s1 =	sshrl.u32 s1, $0x3  }
0x36: {  	s1 =	sadd.s32 s3, s1  }
0x37: {  	[hbm4b:s1+s4] =	stream.linear.scatter [tilespmem:s17], [sflag:$0x1], $0x80, $0x38;
	[tilespmem:$0x14180] =	vst v63  }
0x38: {  	s6 =	simm.s32 $0xC400;
	s20 =	sadd.s32 $0x80, s1  }
0x39: {  	[hbm4b:s20+s4] =	stream.linear.scatter [tilespmem:s6], [sflag:$0x1], $0x80, $0x38;
	[tilespmem:$0x14180] =	vst v63  }
0x3a: {  	s20 =	sadd.s32 $0x100, s1  }
0x3b: {  	[hbm4b:s20+s4] =	stream.linear.scatter [tilespmem:s19], [sflag:$0x1], $0x80, $0x38;
	[tilespmem:$0x14180] =	vst v63  }
0x3c: {  	s6 =	sadd.s32 $0x180, s1;
	s20 =	simm.s32 $0xCC00  }
0x3d: {  	[hbm4b:s6+s4] =	stream.linear.scatter [tilespmem:s20], [sflag:$0x1], $0x80, $0x38;
	[tilespmem:$0x14180] =	vst v63  }
0x3e: {  	p5 =	sne.s32 s29, $0xF;
	s6 =	sadd.s32 $0x200, s1  }
0x3f: {  	(v2sf) =	vpush @!p5 v7, $0xE;
	[hbm4b:s6+s4] =	stream.linear.scatter [tilespmem:s21], [sflag:$0x1], $0x80, $0x38;
	[tilespmem:$0x14180] =	vst v63  }
0x40: {  	s29 =	simm.s32 $0xD400;
	s20 =	sadd.s32 $0x280, s1  }
0x41: {  	[hbm4b:s20+s4] =	stream.linear.scatter [tilespmem:s29], [sflag:$0x1], $0x80, $0x38;
	[tilespmem:$0x14180] =	vst v63  }
0x42: {  	s6 =	sadd.s32 $0x300, s1  }
0x43: {  	[hbm4b:s6+s4] =	stream.linear.scatter [tilespmem:s23], [sflag:$0x1], $0x80, $0x38;
	[tilespmem:$0x14180] =	vst v63  }
0x44: {  	s20 =	sadd.s32 $0x380, s1;
	s29 =	simm.s32 $0xDC00  }
0x45: {  	[hbm4b:s20+s4] =	stream.linear.scatter [tilespmem:s29], [sflag:$0x1], $0x80, $0x38;
	[tilespmem:$0x14180] =	vst v63  }
0x46: {  	s6 =	sadd.s32 $0x400, s1  }
0x47: {  	[hbm4b:s6+s4] =	stream.linear.scatter [tilespmem:s25], [sflag:$0x1], $0x80, $0x38;
	[tilespmem:$0x14180] =	vst v63  }
0x48: {  	s20 =	sadd.s32 $0x480, s1;
	s29 =	simm.s32 $0xE400  }
0x49: {  	[hbm4b:s20+s4] =	stream.linear.scatter [tilespmem:s29], [sflag:$0x1], $0x80, $0x38;
	[tilespmem:$0x14180] =	vst v63  }
0x4a: {  	s20 =	sadd.s32 $0x500, s1  }
0x4b: {  	[hbm4b:s20+s4] =	stream.linear.scatter [tilespmem:s28], [sflag:$0x1], $0x80, $0x38;
	[tilespmem:$0x14180] =	vst v63  }
0x4c: {  	s1 =	sadd.s32 $0x580, s1;
	s29 =	simm.s32 $0xEC00  }
0x4d: {  	[hbm4b:s1+s4] =	stream.linear.scatter [tilespmem:s29], [sflag:$0x1], $0x80, $0x38;
	[tilespmem:$0x14180] =	vst v63  }
0x4e: {  	s1 =	spop @!p5 (v2sf)  }
0x4f: {  	s5 =	sshrl.u32 @!p5 s1, $0x3  }
0x50: {  	s1 =	sshll.u32 @!p5 s1, $0x7;
	s5 =	smul.u32 @!p5 $0x3000, s5  }
0x51: {  	s1 =	sand.u32 @!p5 $0x380, s1  }
0x52: {  	s1 =	sor.u32 @!p5 s1, s5  }
0x53: {  	s1 =	sshrl.u32 @!p5 s1, $0x3  }
0x54: {  	s6 =	simm.s32 @!p5 $0xC000;
	s5 =	simm.s32 @!p5 $0x0;
	s1 =	sadd.s32 @!p5 s3, s1  }
0x55: {  	[hbm4b:s1+s5] =	stream.linear.scatter @!p5 [tilespmem:s6], [sflag:$0x1], $0x80, $0x38;
	[tilespmem:$0x14180] =	vst v63  }
0x56: {  	s20 =	simm.s32 @!p5 $0xC400;
	s6 =	sadd.s32 @!p5 $0x80, s1  }
0x57: {  	[hbm4b:s6+s5] =	stream.linear.scatter @!p5 [tilespmem:s20], [sflag:$0x1], $0x80, $0x38;
	[tilespmem:$0x14180] =	vst v63  }
0x58: {  	s6 =	sadd.s32 @!p5 $0x100, s1;
	s20 =	simm.s32 @!p5 $0xC800  }
0x59: {  	[hbm4b:s6+s5] =	stream.linear.scatter @!p5 [tilespmem:s20], [sflag:$0x1], $0x80, $0x38;
	[tilespmem:$0x14180] =	vst v63  }
0x5a: {  	s6 =	sadd.s32 @!p5 $0x180, s1;
	s20 =	simm.s32 @!p5 $0xCC00  }
0x5b: {  	[hbm4b:s6+s5] =	stream.linear.scatter @!p5 [tilespmem:s20], [sflag:$0x1], $0x80, $0x38;
	[tilespmem:$0x14180] =	vst v63  }
0x5c: {  	s6 =	sadd.s32 @!p5 $0x200, s1;
	s20 =	simm.s32 @!p5 $0xD000  }
0x5d: {  	[hbm4b:s6+s5] =	stream.linear.scatter @!p5 [tilespmem:s20], [sflag:$0x1], $0x80, $0x38;
	[tilespmem:$0x14180] =	vst v63  }
0x5e: {  	s6 =	sadd.s32 @!p5 $0x280, s1;
	s20 =	simm.s32 @!p5 $0xD400  }
0x5f: {  	[hbm4b:s6+s5] =	stream.linear.scatter @!p5 [tilespmem:s20], [sflag:$0x1], $0x80, $0x38;
	[tilespmem:$0x14180] =	vst v63  }
0x60: {  	s6 =	sadd.s32 @!p5 $0x300, s1;
	s20 =	simm.s32 @!p5 $0xD800  }
0x61: {  	[hbm4b:s6+s5] =	stream.linear.scatter @!p5 [tilespmem:s20], [sflag:$0x1], $0x80, $0x38;
	[tilespmem:$0x14180] =	vst v63  }
0x62: {  	s6 =	sadd.s32 @!p5 $0x380, s1;
	s20 =	simm.s32 @!p5 $0xDC00  }
0x63: {  	[hbm4b:s6+s5] =	stream.linear.scatter @!p5 [tilespmem:s20], [sflag:$0x1], $0x80, $0x38;
	[tilespmem:$0x14180] =	vst v63  }
0x64: {  	s6 =	sadd.s32 @!p5 $0x400, s1;
	s20 =	simm.s32 @!p5 $0xE000  }
0x65: {  	[hbm4b:s6+s5] =	stream.linear.scatter @!p5 [tilespmem:s20], [sflag:$0x1], $0x80, $0x38;
	[tilespmem:$0x14180] =	vst v63  }
0x66: {  	p0 =	por $0x1, $0x1;
	s6 =	sadd.s32 @!p5 $0x480, s1;
	s20 =	simm.s32 @!p5 $0xE400  }
0x67: {  	[hbm4b:s6+s5] =	stream.linear.scatter @!p5 [tilespmem:s20], [sflag:$0x1], $0x80, $0x38;
	[tilespmem:$0x14180] =	vst v63  }
0x68: {  	p6 =	por @!p5 $0x1, $0x1;
	s6 =	sadd.s32 @!p5 $0x500, s1;
	s20 =	simm.s32 @!p5 $0xE800  }
0x69: {  	[hbm4b:s6+s5] =	stream.linear.scatter @!p5 [tilespmem:s20], [sflag:$0x1], $0x80, $0x38;
	[tilespmem:$0x14180] =	vst v63  }
0x6a: {  	p0 =	por @!p5 p6, p6;
	s1 =	sadd.s32 @!p5 $0x580, s1;
	s6 =	simm.s32 @!p5 $0xEC00  }
0x6b: {  	[hbm4b:s1+s5] =	stream.linear.scatter @!p5 [tilespmem:s6], [sflag:$0x1], $0x80, $0x38;
	[tilespmem:$0x14180] =	vst v63  }
0x6c: {  	p1 =	por $0x1, $0x1;
	s1 =	simm.s32 @!p0 $0x0  }
0x6d: {  	p1 =	por @!p5 p6, p6;
	s1 =	simm.s32 @p0 $0x1  }
0x6e: {  	p0 =	por $0x1, $0x1;
	[smem:$0x7EA] =	sst s1;
	s1 =	simm.s32 @!p1 $0x0  }
0x6f: {  	p0 =	por @!p5 p6, p6;
	s1 =	simm.s32 @p1 $0x1  }
0x70: {  	[smem:$0x7EB] =	sst s1;
	s1 =	simm.s32 @!p0 $0x0  }
0x71: {  	s1 =	simm.s32 @p0 $0x1;
	p0 =	por $0x1, $0x1  }
0x72: {  	p0 =	por @!p5 p6, p6  }
0x73: {  	[smem:$0x7EC] =	sst s1;
	s1 =	simm.s32 @!p0 $0x0  }
0x74: {  	s1 =	simm.s32 @p0 $0x1;
	p0 =	por $0x1, $0x1  }
0x75: {  	p0 =	por @!p5 p6, p6  }
0x76: {  	p1 =	por $0x1, $0x1;
	[smem:$0x7ED] =	sst s1;
	s1 =	simm.s32 @!p0 $0x0  }
0x77: {  	p1 =	por @!p5 p6, p6;
	s1 =	simm.s32 @p0 $0x1  }
0x78: {  	p0 =	por $0x1, $0x1;
	[smem:$0x7EE] =	sst s1;
	s1 =	simm.s32 @!p1 $0x0  }
0x79: {  	p0 =	por @!p5 p6, p6;
	s1 =	simm.s32 @p1 $0x1  }
0x7a: {  	[smem:$0x7EF] =	sst s1;
	s1 =	simm.s32 @!p0 $0x0  }
0x7b: {  	s1 =	simm.s32 @p0 $0x1;
	p0 =	por $0x1, $0x1  }
0x7c: {  	p4 =	por $0x0, $0x0;
	p0 =	por @!p5 p6, p6  }
0x7d: {  	p1 =	por $0x1, $0x1;
	[smem:$0x7F0] =	sst s1;
	s1 =	simm.s32 @!p0 $0x0  }
0x7e: {  	p3 =	por $0x1, $0x1;
	p1 =	por @!p5 p6, p6;
	s1 =	simm.s32 @p0 $0x1  }
0x7f: {  	p0 =	por $0x1, $0x1;
	[smem:$0x7F1] =	sst s1;
	s1 =	simm.s32 @!p1 $0x0  }
0x80: {  	p2 =	por $0x1, $0x1;
	p0 =	por @!p5 p6, p6;
	s1 =	simm.s32 @p1 $0x1  }
0x81: {  	p4 =	por @!p5 p6, p6;
	[smem:$0x7F2] =	sst s1;
	s1 =	simm.s32 @!p0 $0x0  }
0x82: {  	p3 =	por @!p5 p6, p6;
	p1 =	por $0x1, $0x1;
	s1 =	simm.s32 @p0 $0x1  }
0x83: {  	p2 =	por @!p5 p6, p6;
	p1 =	por @!p5 p6, p6;
	[smem:$0x7F3] =	sst s1  }
.LBB2_22:
0x84: {  	s1 =	sld [smem:$0x7FD];
	_ =	sdelay $0x2  }
0x85: {  	p5 =	seq.s32 s1, $0x1  }
0x86: {  	s1 =	simm.s32 @!p5 $0x1  }
0x87: {  	_ =	swait.ge @!p5 [sflag:s1], $0x6000  }
0x88: {  	s6 =	sld [smem:$0x7F4];
	_ =	sdelay $0x1  }
0x89: {  	[sflag:s1] =	ssyncset.done @!p5 $0x0  }
0x8a: {  	[sflag:s1] =	ssyncadd.s32 @!p5 $0xFFFFA000;
	p5 =	seq.s32 s6, $0x1  }
0x8b: {  	s1 =	simm.s32 @!p5 $0x1  }
0x8c: {  	_ =	swait.ge @!p5 [sflag:s1], $0x600  }
0x8d: {  	s20 =	sld [smem:$0x7EF];
	_ =	sdelay $0x1  }
0x8e: {  	[sflag:s1] =	ssyncset.done @!p5 $0x0  }
0x8f: {  	[sflag:s1] =	ssyncadd.s32 @!p5 $0xFFFFFA00;
	p5 =	seq.s32 s20, $0x1  }
0x90: {  	s1 =	simm.s32 @p5 $0x1  }
0x91: {  	_ =	swait.ge @p5 [sflag:s1], $0x600  }
0x92: {  	s29 =	sld [smem:$0x7EE];
	_ =	sdelay $0x1  }
0x93: {  	[sflag:s1] =	ssyncset.done @p5 $0x0  }
0x94: {  	[sflag:s1] =	ssyncadd.s32 @p5 $0xFFFFFA00;
	p5 =	seq.s32 s29, $0x1  }
0x95: {  	s1 =	simm.s32 @p5 $0x1  }
0x96: {  	_ =	swait.ge @p5 [sflag:s1], $0x600  }
0x97: {  	s5 =	sld [smem:$0x7F0];
	_ =	sdelay $0x1  }
0x98: {  	[sflag:s1] =	ssyncset.done @p5 $0x0  }
0x99: {  	[sflag:s1] =	ssyncadd.s32 @p5 $0xFFFFFA00;
	p5 =	seq.s32 s5, $0x1  }
0x9a: {  	s1 =	simm.s32 @p5 $0x1  }
0x9b: {  	_ =	swait.ge @p5 [sflag:s1], $0x600  }
0x9c: {  	s6 =	sld [smem:$0x7ED];
	_ =	sdelay $0x1  }
0x9d: {  	[sflag:s1] =	ssyncset.done @p5 $0x0  }
0x9e: {  	[sflag:s1] =	ssyncadd.s32 @p5 $0xFFFFFA00;
	p5 =	seq.s32 s6, $0x1  }
0x9f: {  	s1 =	simm.s32 @p5 $0x1  }
0xa0: {  	_ =	swait.ge @p5 [sflag:s1], $0x600  }
0xa1: {  	s20 =	sld [smem:$0x7F1];
	_ =	sdelay $0x1  }
0xa2: {  	[sflag:s1] =	ssyncset.done @p5 $0x0  }
0xa3: {  	[sflag:s1] =	ssyncadd.s32 @p5 $0xFFFFFA00;
	p5 =	seq.s32 s20, $0x1  }
0xa4: {  	s1 =	simm.s32 @p5 $0x1  }
0xa5: {  	_ =	swait.ge @p5 [sflag:s1], $0x600  }
0xa6: {  	s29 =	sld [smem:$0x7EC];
	_ =	sdelay $0x1  }
0xa7: {  	[sflag:s1] =	ssyncset.done @p5 $0x0  }
0xa8: {  	[sflag:s1] =	ssyncadd.s32 @p5 $0xFFFFFA00;
	p5 =	seq.s32 s29, $0x1  }
0xa9: {  	s1 =	simm.s32 @p5 $0x1  }
0xaa: {  	_ =	swait.ge @p5 [sflag:s1], $0x600  }
0xab: {  	s5 =	sld [smem:$0x7F2];
	_ =	sdelay $0x1  }
0xac: {  	[sflag:s1] =	ssyncset.done @p5 $0x0  }
0xad: {  	[sflag:s1] =	ssyncadd.s32 @p5 $0xFFFFFA00;
	p5 =	seq.s32 s5, $0x1  }
0xae: {  	s1 =	simm.s32 @p5 $0x1  }
0xaf: {  	_ =	swait.ge @p5 [sflag:s1], $0x600  }
0xb0: {  	s6 =	sld [smem:$0x7EB];
	_ =	sdelay $0x1  }
0xb1: {  	[sflag:s1] =	ssyncset.done @p5 $0x0  }
0xb2: {  	[sflag:s1] =	ssyncadd.s32 @p5 $0xFFFFFA00;
	p5 =	seq.s32 s6, $0x1  }
0xb3: {  	s1 =	simm.s32 @p5 $0x1  }
0xb4: {  	_ =	swait.ge @p5 [sflag:s1], $0x600  }
0xb5: {  	[sflag:s1] =	ssyncset.done @p5 $0x0  }
0xb6: {  	[sflag:s1] =	ssyncadd.s32 @p5 $0xFFFFFA00;
	s1 =	simm.s32 @p1 $0x1  }
0xb7: {  	_ =	swait.ge @p1 [sflag:s1], $0x600  }
0xb8: {  	s20 =	sld [smem:$0x7EA];
	_ =	sdelay $0x2  }
0xb9: {  	[sflag:s1] =	ssyncset.done @p1 $0x0;
	p0 =	seq.s32 s20, $0x1  }
0xba: {  	[sflag:s1] =	ssyncadd.s32 @p1 $0xFFFFFA00;
	s1 =	simm.s32 @p0 $0x1  }
0xbb: {  	_ =	swait.ge @p0 [sflag:s1], $0x600  }
0xbc: {  	s29 =	sld [smem:$0x7F3];
	_ =	sdelay $0x1  }
0xbd: {  	[sflag:s1] =	ssyncset.done @p0 $0x0  }
0xbe: {  	[sflag:s1] =	ssyncadd.s32 @p0 $0xFFFFFA00;
	p0 =	seq.s32 s29, $0x1  }
0xbf: {  	s1 =	simm.s32 @p0 $0x1  }
0xc0: {  	_ =	swait.ge @p0 [sflag:s1], $0x600  }
0xc1: {  	[sflag:s1] =	ssyncset.done @p0 $0x0  }
0xc2: {  	[sflag:s1] =	ssyncadd.s32 @p0 $0xFFFFFA00;
	s1 =	simm.s32 @p3 $0x1  }
0xc3: {  	_ =	swait.ge @p3 [sflag:s1], $0x600  }
0xc4: {  	[sflag:s1] =	ssyncset.done @p3 $0x0  }
0xc5: {  	[sflag:s1] =	ssyncadd.s32 @p3 $0xFFFFFA00;
	s1 =	simm.s32 @p2 $0x1  }
0xc6: {  	_ =	swait.ge @p2 [sflag:s1], $0x600  }
0xc7: {  	[sflag:s1] =	ssyncset.done @p2 $0x0  }
0xc8: {  	[sflag:s1] =	ssyncadd.s32 @p2 $0xFFFFFA00;
	s1 =	simm.s32 @p4 $0x1  }
0xc9: {  	_ =	swait.ge @p4 [sflag:s1], $0x600  }
0xca: {  	[sflag:s1] =	ssyncset.done @p4 $0x0  }
0xcb: {  	[sflag:s1] =	ssyncadd.s32 @p4 $0xFFFFFA00  }
.LBB2_23:
0xcc: {  	s26 =	sadd.s32 $0x1, s26  }
0xcd: {  	p0 =	sne.s32 s26, $0x20  }
.Ltmp3:
0xce: {  	_ = 	snop;
	(pc) =	sbr.rel @!p0 .LBB2_24-.Ltmp3, $1  }
0xcf: {  	_ =	sdelay $0x3  }
.LBB2_6:
0xd0: {  	s5 =	sshll.u32 s26, $0x8;
	s1 =	rddreg [dreg:$0x6]  }
0xd1: {  	s20 =	sadd.s32 s1, s5;
	s1 =	simm.s32 $0x12000  }
0xd2: {  	[tilespmem:s1], [sflag:$0x2] =	stream.linear.gather [hbm4b:s20+s24], $0x800, $0x38;
	[tilespmem:$0x14180] =	vst v63  }
0xd3: {  	_ =	swait.ge [sflag:s14], $0x800  }
0xd4: {  	[sflag:s14] =	ssyncset.done $0x0  }
0xd5: {  	[sflag:s14] =	ssyncadd.s32 $0xFFFFF800  }
0xd6: {  	s6 =	rddreg [dreg:$0x1]  }
0xd7: {  	s20 =	simm.s32 $0x12800;
	s5 =	sadd.s32 s6, s5  }
0xd8: {  	[tilespmem:s20], [sflag:$0x2] =	stream.linear.gather [hbm4b:s5+s24], $0x800, $0x38;
	[tilespmem:$0x14180] =	vst v63  }
0xd9: {  	_ =	swait.ge [sflag:s14], $0x800  }
0xda: {  	[sflag:s14] =	ssyncset.done $0x0  }
0xdb: {  	s6 =	sshll.u32 s26, $0xB;
	[sflag:s14] =	ssyncadd.s32 $0xFFFFF800  }
0xdc: {  	v9 =	vimm.s32 $0x0;
	s29 =	simm.s32 $0x0;
	v8 =	vimm.s32 $0x0;
	v7 =	vor.u32 s6, v2;
	s5 =	simm.s32 $0x10;
	v10 =	vld [tilespmem:s1+$0x0]  }
.LBB2_7:
0xdd: {  	p0 =	sne.s32 s5, $0x7F0;
	v11 =	vld [tilespmem:s20+$0x0];
	_ =	sdelay $0x3  }
0xde: {  	v10 =	vsub.s32 v10, v0  }
0xdf: {  	vm1 =	vne.s32 v11, $0x0;
	vm2 =	vlt.u32 v10, $0x20  }
0xe0: {  	v10 =	vshll.u32 v10, $0x10;
	vm1 =	vmand vm1, vm2  }
0xe1: {  	v10 =	vadd.s32 s29, v10;
	s29 =	smov.u32 s5;
	vm2 =	vmneg vm1;
	v11 =	vmpcnt.ones.xlane vm1  }
0xe2: {  	v10 =	vadd.s32 v7, v10;
	v12 =	vsel vm2, $0x1, v3  }
0xe3: {  	v9 =	vadd.s32 v9, v11;
	(xrf1) =	vsort.ascd.msk.u32 $0xffff, v12, v10;
	_ =	sdelay $0x9  }
0xe4: {  	v10 =	vadd.s32 v2, v8;
	v8 =	vmov v9;
	_ =	sdelay $0x1  }
.Ltmp4:
0xe5: {  	(pc) =	sbr.rel @p0 .LBB2_7-.Ltmp4, $4  }
0xe6: {  	_ = 	snop  }
0xe7: {  	_, v11, _ =	vpop (xrf1)  }
0xe8: {  	s1 =	sadd.s32 $0x10, s1;
	[tilespmem:v10+s15+$0x0] =	vst.idx.msk $0xffff, v11  }
0xe9: {  	s20 =	sadd.s32 $0x10, s20;
	s5 =	sadd.s32 $0x10, s5;
	v10 =	vld [tilespmem:s1+$0x0]  }
0xea: {  	v11 =	vld [tilespmem:s20+$0x0];
	_ =	sdelay $0x3  }
0xeb: {  	v10 =	vsub.s32 v10, v0  }
0xec: {  	vm1 =	vne.s32 v11, $0x0;
	vm2 =	vlt.u32 v10, $0x20  }
0xed: {  	vm1 =	vmand vm1, vm2  }
0xee: {  	v62 =	vmpcnt.ones.xlane vm1;
	_ =	sdelay $0x1  }
0xef: {  	v9 =	vadd.s32 v9, v62  }
0xf0: {  	(v2sf) =	vpush v9, $0x0;
	_ =	sdelay $0x1  }
0xf1: {  	v10 =	vshll.u32 v10, $0x10  }
0xf2: {  	v10 =	vadd.s32 s29, v10;
	vm1 =	vmneg vm1  }
0xf3: {  	v10 =	vadd.s32 v7, v10;
	v63 =	vsel vm1, $0x1, v3  }
0xf4: {  	(xrf1) =	vsort.ascd.msk.u32 $0xffff, v63, v10;
	_ =	sdelay $0x9  }
0xf5: {  	v8 =	vadd.s32 v2, v8;
	s5 =	spop (v2sf)  }
0xf6: {  	p0 =	slt.s32 s5, $0x1  }
.Ltmp5:
0xf7: {  	_ = 	snop;
	(pc) =	sbr.rel @p0 .LBB2_12-.Ltmp5, $4  }
0xf8: {  	_ = 	snop  }
0xf9: {  	_, v10, _ =	vpop (xrf1)  }
0xfa: {  	[tilespmem:v8+s15+$0x0] =	vst.idx.msk $0xffff, v10  }
0xfb: {  	s1 =	simm.s32 $0x13000;
	[tilespmem:$0x14100] =	vst v9  }
0xfc: {  	v8 =	vld [tilespmem:s1+$0x0];
	_ =	sdelay $0x4  }
0xfd: {  	(v2sf) =	vpush v8, $0x0;
	_ =	sdelay $0xe  }
0xfe: {  	s20 =	spop (v2sf)  }
0xff: {  	s29 =	sshrl.u32 s20, $0x3  }
0x100: {  	s29 =	sand.u32 $0x1FFF, s29  }
0x101: {  	s6 =	sshrl.u32 s20, $0x13;
	s24 =	sshll.u32 s20, $0x7;
	s29 =	smul.u32 $0x3000, s29  }
0x102: {  	s6 =	smul.u32 $0xC000, s6;
	s24 =	sand.u32 $0x380, s24  }
0x103: {  	s20 =	sshrl.u32 s20, $0x9;
	s24 =	sor.u32 s24, s29  }
0x104: {  	s20 =	sand.u32 $0x380, s20;
	s6 =	sshrl.u32 s6, $0x2;
	s24 =	sshrl.u32 s24, $0x3  }
0x105: {  	s6 =	sor.u32 s20, s6;
	s20 =	sadd.s32 s3, s24  }
0x106: {  	[hbm4b:s20+s4] =	stream.linear.scatter [tilespmem:s6], [sflag:$0x1], $0x80, $0x38;
	[tilespmem:$0x14180] =	vst v63  }
0x107: {  	s24 =	sor.u32 $0x400, s6;
	s29 =	sadd.s32 $0x80, s20  }
0x108: {  	[hbm4b:s29+s4] =	stream.linear.scatter [tilespmem:s24], [sflag:$0x1], $0x80, $0x38;
	[tilespmem:$0x14180] =	vst v63  }
0x109: {  	s24 =	sor.u32 $0x800, s6;
	s29 =	sadd.s32 $0x100, s20  }
0x10a: {  	[hbm4b:s29+s4] =	stream.linear.scatter [tilespmem:s24], [sflag:$0x1], $0x80, $0x38;
	[tilespmem:$0x14180] =	vst v63  }
0x10b: {  	s24 =	sor.u32 $0xC00, s6;
	s29 =	sadd.s32 $0x180, s20  }
0x10c: {  	[hbm4b:s29+s4] =	stream.linear.scatter [tilespmem:s24], [sflag:$0x1], $0x80, $0x38;
	[tilespmem:$0x14180] =	vst v63  }
0x10d: {  	s24 =	sadd.s32 $0x1000, s6;
	s29 =	sadd.s32 $0x200, s20  }
0x10e: {  	[hbm4b:s29+s4] =	stream.linear.scatter [tilespmem:s24], [sflag:$0x1], $0x80, $0x38;
	[tilespmem:$0x14180] =	vst v63  }
0x10f: {  	s24 =	sadd.s32 $0x1400, s6;
	s29 =	sadd.s32 $0x280, s20  }
0x110: {  	[hbm4b:s29+s4] =	stream.linear.scatter [tilespmem:s24], [sflag:$0x1], $0x80, $0x38;
	[tilespmem:$0x14180] =	vst v63  }
0x111: {  	s24 =	sadd.s32 $0x1800, s6;
	s29 =	sadd.s32 $0x300, s20  }
0x112: {  	[hbm4b:s29+s4] =	stream.linear.scatter [tilespmem:s24], [sflag:$0x1], $0x80, $0x38;
	[tilespmem:$0x14180] =	vst v63  }
0x113: {  	s24 =	sadd.s32 $0x1C00, s6;
	s29 =	sadd.s32 $0x380, s20  }
0x114: {  	[hbm4b:s29+s4] =	stream.linear.scatter [tilespmem:s24], [sflag:$0x1], $0x80, $0x38;
	[tilespmem:$0x14180] =	vst v63  }
0x115: {  	s24 =	sadd.s32 $0x2000, s6;
	s29 =	sadd.s32 $0x400, s20  }
0x116: {  	[hbm4b:s29+s4] =	stream.linear.scatter [tilespmem:s24], [sflag:$0x1], $0x80, $0x38;
	[tilespmem:$0x14180] =	vst v63  }
0x117: {  	s24 =	sadd.s32 $0x2400, s6;
	s29 =	sadd.s32 $0x480, s20  }
0x118: {  	[hbm4b:s29+s4] =	stream.linear.scatter [tilespmem:s24], [sflag:$0x1], $0x80, $0x38;
	[tilespmem:$0x14180] =	vst v63  }
0x119: {  	s29 =	sadd.s32 $0xFFFFFFFF, s5  }
0x11a: {  	p1 =	slt.s32 s22, $0x40;
	s22 =	sadd.s32 $0x1, s22;
	p0 =	sne.s32 s29, $0x0  }
.Ltmp6:
0x11b: {  	s5 =	sadd.s32 $0x2800, s6;
	s24 =	sadd.s32 $0x500, s20;
	(pc) =	sbr.rel @!p0 .LBB2_11-.Ltmp6, $4  }
0x11c: {  	[hbm4b:s24+s4] =	stream.linear.scatter [tilespmem:s5], [sflag:$0x1], $0x80, $0x38;
	[tilespmem:$0x14180] =	vst v63  }
0x11d: {  	s6 =	sadd.s32 $0x2C00, s6;
	s24 =	sadd.s32 $0x580, s20;
	s5 =	simm.s32 @!p1 $0x1  }
0x11e: {  	[hbm4b:s24+s4] =	stream.linear.scatter [tilespmem:s6], [sflag:$0x1], $0x80, $0x38;
	[tilespmem:$0x14180] =	vst v63  }
0x11f: {  	p2 =	slt.s32 s22, $0x40;
	s20 =	sadd.s32 $0x1, s1;
	_ =	swait.ge @!p1 [sflag:s5], $0x600  }
.LBB2_10:
0x120: {  	s29 =	sadd.s32 $0xFFFFFFFF, s29;
	[sflag:s5] =	ssyncset.done @!p1 $0x0;
	s22 =	simm.s32 @!p2 $0x40  }
0x121: {  	p0 =	sne.s32 s29, $0x0;
	[sflag:s5] =	ssyncadd.s32 @!p1 $0xFFFFFA00  }
0x122: {  	v8 =	vld [tilespmem:s20+$0x0];
	_ =	sdelay $0x4  }
0x123: {  	(v2sf) =	vpush v8, $0x0;
	_ =	sdelay $0xe  }
0x124: {  	s1 =	spop (v2sf)  }
0x125: {  	s5 =	sshrl.u32 s1, $0x13;
	s6 =	sshrl.u32 s1, $0x3;
	s24 =	sshll.u32 s1, $0x7  }
0x126: {  	s1 =	sshrl.u32 s1, $0x9;
	s5 =	smul.u32 $0xC000, s5;
	s6 =	sand.u32 $0x1FFF, s6  }
0x127: {  	s6 =	smul.u32 $0x3000, s6  }
0x128: {  	s24 =	sand.u32 $0x380, s24;
	s5 =	sshrl.u32 s5, $0x2  }
0x129: {  	s6 =	sor.u32 s24, s6  }
0x12a: {  	s1 =	sand.u32 $0x380, s1;
	s6 =	sshrl.u32 s6, $0x3  }
0x12b: {  	s1 =	sor.u32 s1, s5;
	s5 =	sadd.s32 s3, s6  }
0x12c: {  	[hbm4b:s5+s4] =	stream.linear.scatter [tilespmem:s1], [sflag:$0x1], $0x80, $0x38;
	[tilespmem:$0x14180] =	vst v63  }
0x12d: {  	s6 =	sor.u32 $0x400, s1;
	s24 =	sadd.s32 $0x80, s5  }
0x12e: {  	[hbm4b:s24+s4] =	stream.linear.scatter [tilespmem:s6], [sflag:$0x1], $0x80, $0x38;
	[tilespmem:$0x14180] =	vst v63  }
0x12f: {  	s6 =	sor.u32 $0x800, s1;
	s24 =	sadd.s32 $0x100, s5  }
0x130: {  	[hbm4b:s24+s4] =	stream.linear.scatter [tilespmem:s6], [sflag:$0x1], $0x80, $0x38;
	[tilespmem:$0x14180] =	vst v63  }
0x131: {  	s6 =	sor.u32 $0xC00, s1;
	s24 =	sadd.s32 $0x180, s5  }
0x132: {  	[hbm4b:s24+s4] =	stream.linear.scatter [tilespmem:s6], [sflag:$0x1], $0x80, $0x38;
	[tilespmem:$0x14180] =	vst v63  }
0x133: {  	s6 =	sadd.s32 $0x1000, s1;
	s24 =	sadd.s32 $0x200, s5  }
0x134: {  	[hbm4b:s24+s4] =	stream.linear.scatter [tilespmem:s6], [sflag:$0x1], $0x80, $0x38;
	[tilespmem:$0x14180] =	vst v63  }
0x135: {  	s6 =	sadd.s32 $0x1400, s1;
	s24 =	sadd.s32 $0x280, s5  }
0x136: {  	[hbm4b:s24+s4] =	stream.linear.scatter [tilespmem:s6], [sflag:$0x1], $0x80, $0x38;
	[tilespmem:$0x14180] =	vst v63  }
0x137: {  	s6 =	sadd.s32 $0x1800, s1;
	s24 =	sadd.s32 $0x300, s5  }
0x138: {  	[hbm4b:s24+s4] =	stream.linear.scatter [tilespmem:s6], [sflag:$0x1], $0x80, $0x38;
	[tilespmem:$0x14180] =	vst v63  }
0x139: {  	s6 =	sadd.s32 $0x1C00, s1;
	s24 =	sadd.s32 $0x380, s5  }
0x13a: {  	[hbm4b:s24+s4] =	stream.linear.scatter [tilespmem:s6], [sflag:$0x1], $0x80, $0x38;
	[tilespmem:$0x14180] =	vst v63  }
0x13b: {  	s6 =	sadd.s32 $0x2000, s1;
	s24 =	sadd.s32 $0x400, s5  }
0x13c: {  	[hbm4b:s24+s4] =	stream.linear.scatter [tilespmem:s6], [sflag:$0x1], $0x80, $0x38;
	[tilespmem:$0x14180] =	vst v63  }
0x13d: {  	s6 =	sadd.s32 $0x2400, s1;
	s24 =	sadd.s32 $0x480, s5  }
0x13e: {  	[hbm4b:s24+s4] =	stream.linear.scatter [tilespmem:s6], [sflag:$0x1], $0x80, $0x38;
	[tilespmem:$0x14180] =	vst v63  }
0x13f: {  	s6 =	sadd.s32 $0x2800, s1;
	s24 =	sadd.s32 $0x500, s5  }
0x140: {  	[hbm4b:s24+s4] =	stream.linear.scatter [tilespmem:s6], [sflag:$0x1], $0x80, $0x38;
	[tilespmem:$0x14180] =	vst v63  }
.Ltmp7:
0x141: {  	_ = 	snop;
	(pc) =	sbr.rel @p0 .LBB2_10-.Ltmp7, $4  }
0x142: {  	p1 =	slt.s32 s22, $0x40;
	s1 =	sadd.s32 $0x2C00, s1;
	s5 =	sadd.s32 $0x580, s5  }
0x143: {  	[hbm4b:s5+s4] =	stream.linear.scatter [tilespmem:s1], [sflag:$0x1], $0x80, $0x38;
	[tilespmem:$0x14180] =	vst v63  }
0x144: {  	s22 =	sadd.s32 $0x1, s22;
	s5 =	simm.s32 @!p1 $0x1  }
0x145: {  	p2 =	slt.s32 s22, $0x40;
	s20 =	sadd.s32 $0x1, s20;
	_ =	swait.ge @!p1 [sflag:s5], $0x600  }
.LBB2_11:
0x146: {  	[sflag:s5] =	ssyncset.done @!p1 $0x0  }
0x147: {  	s22 =	simm.s32 @!p2 $0x40;
	s24 =	simm.s32 $0x0;
	[sflag:s5] =	ssyncadd.s32 @!p1 $0xFFFFFA00  }
.LBB2_12:
0x148: {  	s1 =	rddreg [dreg:$0x5]  }
0x149: {  	p0 =	sne.s32 s26, s1  }
.Ltmp8:
0x14a: {  	_ = 	snop;
	(pc) =	sbr.rel @p0 .LBB2_23-.Ltmp8, $1  }
0x14b: {  	_ =	sdelay $0x3  }
0x14c: {  	s1 =	simm.s32 $0x12800  }
0x14d: {  	v8 =	vld [tilespmem:s1+$0x0];
	_ =	sdelay $0x4  }
0x14e: {  	s5 =	simm.s32 $0x0;
	vm1 =	vne.s32 v8, $0x0  }
0x14f: {  	v10 =	vor.u32 s5, v7;
	v9 =	vsel vm1, $0x1, v3  }
0x150: {  	(xrf1) =	vsort.ascd.msk.u32 $0xffff, v9, v10;
	_ =	sdelay $0x7  }
0x151: {  	vm1 =	veq.s32 v8, $0x0  }
0x152: {  	v8 =	vmpcnt.ones.xlane vm1  }
0x153: {  	v9 =	vimm.s32 $0x0  }
0x154: {  	v8 =	vadd.s32 v9, v8;
	v9 =	vadd.s32 v2, v9;
	_ =	sdelay $0x2  }
0x155: {  	s5 =	simm.s32 $0x10;
	_, v10, _ =	vpop (xrf1)  }
.LBB2_14:
0x156: {  	p0 =	sne.s32 s5, $0x7F0  }
0x157: {  	[tilespmem:v9+s16+$0x0] =	vst.idx.msk $0xffff, v10;
	s1 =	sadd.s32 $0x10, s1;
	v9 =	vmov v8;
	s6 =	smov.u32 s5;
	s5 =	sadd.s32 $0x10, s5  }
0x158: {  	v10 =	vld [tilespmem:s1+$0x0];
	_ =	sdelay $0x4  }
0x159: {  	vm1 =	veq.s32 v10, $0x0;
	vm2 =	vne.s32 v10, $0x0  }
0x15a: {  	v11 =	vor.u32 s6, v7;
	v10 =	vsel vm2, $0x1, v3;
	v12 =	vmpcnt.ones.xlane vm1  }
0x15b: {  	(xrf1) =	vsort.ascd.msk.u32 $0xffff, v10, v11  }
0x15c: {  	v8 =	vadd.s32 v8, v12;
	_ =	sdelay $0x8  }
.Ltmp9:
0x15d: {  	v9 =	vadd.s32 v2, v9;
	(pc) =	sbr.rel @p0 .LBB2_14-.Ltmp9, $2  }
0x15e: {  	_ =	sdelay $0x2  }
0x15f: {  	_, v10, _ =	vpop (xrf1)  }
0x160: {  	(v2sf) =	vpush v8, $0x0;
	_ =	sdelay $0xe  }
0x161: {  	s29 =	spop (v2sf)  }
0x162: {  	s1 =	sshrl.u32 s29, $0x4  }
0x163: {  	[tilespmem:v9+s16+$0x0] =	vst.idx.msk $0xffff, v10;
	p1 =	seq.s32 s1, $0x0  }
0x164: {  	v7 =	vld @!p1 [tilespmem:$0x13880];
	_ =	sdelay $0x4  }
0x165: {  	v9 =	vshrl.u32 @!p1 v7, $0x3  }
0x166: {  	v9 =	vmul.u32 @!p1 $0x60, v9  }
0x167: {  	v10 =	vlaneseq.u32 @!p1;
	v7 =	vand.u32 @!p1 $0x7, v7  }
0x168: {  	v11 =	vshrl.u32 @!p1 v10, $0x3;
	v7 =	vor.u32 @!p1 v7, v9;
	v9 =	vand.u32 @!p1 $0x7, v10  }
0x169: {  	v11 =	vmul.u32 @!p1 $0x8, v11;
	v9 =	vperm.xlane @!p1 v7, v9;
	_ =	sdelay $0x1  }
0x16a: {  	v9 =	vadd.s32 @!p1 v11, v9;
	_ =	sdelay $0x3  }
0x16b: {  	[tilespmem:$0x14100] =	vst v8;
	vm1 =	vmmov @!p1 $0xffff;
	s5 =	simm.s32 @!p1 $0x0;
	s6 =	simm.s32 @!p1 $0xC000  }
0x16c: {  	[hbm4b:s3+s5] =	stream.indirect_vreg.scatter @!p1 [tilespmem:s6], [sflag:$0x1], $0x80, v9, vm1, $0xb8;
	[tilespmem:$0x14180] =	vst v63  }
0x16d: {  	s6 =	simm.s32 @!p1 $0xC800  }
0x16e: {  	[hbm4b:s8+s5] =	stream.indirect_vreg.scatter @!p1 [tilespmem:s6], [sflag:$0x1], $0x80, v9, vm1, $0xb8;
	[tilespmem:$0x14180] =	vst v63  }
0x16f: {  	s6 =	simm.s32 @!p1 $0xD000  }
0x170: {  	v8 =	vor.u32 @!p1 $0x8, v10;
	[hbm4b:s9+s5] =	stream.indirect_vreg.scatter @!p1 [tilespmem:s6], [sflag:$0x1], $0x80, v9, vm1, $0xb8;
	[tilespmem:$0x14180] =	vst v63  }
0x171: {  	v7 =	vperm.xlane @!p1 v7, v8;
	s6 =	simm.s32 @!p1 $0xD800  }
0x172: {  	[hbm4b:s10+s5] =	stream.indirect_vreg.scatter @!p1 [tilespmem:s6], [sflag:$0x1], $0x80, v9, vm1, $0xb8;
	[tilespmem:$0x14180] =	vst v63  }
0x173: {  	v7 =	vadd.s32 @!p1 v11, v7;
	s6 =	simm.s32 @!p1 $0xE000  }
0x174: {  	[hbm4b:s11+s5] =	stream.indirect_vreg.scatter @!p1 [tilespmem:s6], [sflag:$0x1], $0x80, v9, vm1, $0xb8;
	[tilespmem:$0x14180] =	vst v63  }
0x175: {  	s6 =	simm.s32 @!p1 $0xE800  }
0x176: {  	[hbm4b:s12+s5] =	stream.indirect_vreg.scatter @!p1 [tilespmem:s6], [sflag:$0x1], $0x80, v9, vm1, $0xb8;
	[tilespmem:$0x14180] =	vst v63  }
0x177: {  	s6 =	simm.s32 @!p1 $0xF000  }
0x178: {  	[hbm4b:s3+s5] =	stream.indirect_vreg.scatter @!p1 [tilespmem:s6], [sflag:$0x1], $0x80, v7, vm1, $0xb8;
	[tilespmem:$0x14180] =	vst v63  }
0x179: {  	s6 =	simm.s32 @!p1 $0xF800  }
0x17a: {  	[hbm4b:s8+s5] =	stream.indirect_vreg.scatter @!p1 [tilespmem:s6], [sflag:$0x1], $0x80, v7, vm1, $0xb8;
	[tilespmem:$0x14180] =	vst v63  }
0x17b: {  	s6 =	simm.s32 @!p1 $0x10000  }
0x17c: {  	[hbm4b:s9+s5] =	stream.indirect_vreg.scatter @!p1 [tilespmem:s6], [sflag:$0x1], $0x80, v7, vm1, $0xb8;
	[tilespmem:$0x14180] =	vst v63  }
0x17d: {  	p0 =	seq.s32 @!p1 s1, $0x1;
	s6 =	simm.s32 @!p1 $0x10800  }
0x17e: {  	[hbm4b:s10+s5] =	stream.indirect_vreg.scatter @!p1 [tilespmem:s6], [sflag:$0x1], $0x80, v7, vm1, $0xb8;
	[tilespmem:$0x14180] =	vst v63  }
0x17f: {  	p0 =	por p1, p0;
	s6 =	simm.s32 @!p1 $0x11000  }
0x180: {  	[hbm4b:s11+s5] =	stream.indirect_vreg.scatter @!p1 [tilespmem:s6], [sflag:$0x1], $0x80, v7, vm1, $0xb8;
	[tilespmem:$0x14180] =	vst v63  }
.Ltmp10:
0x181: {  	s6 =	simm.s32 @!p1 $0x11800;
	(pc) =	sbr.rel @p0 .LBB2_19-.Ltmp10, $4  }
0x182: {  	[hbm4b:s12+s5] =	stream.indirect_vreg.scatter @!p1 [tilespmem:s6], [sflag:$0x1], $0x80, v7, vm1, $0xb8;
	[tilespmem:$0x14180] =	vst v63  }
0x183: {  	s5 =	simm.s32 @!p1 $0x0  }
0x184: {  	s5 =	simm.s32 @p1 $0x1  }
0x185: {  	[smem:$0x7FD] =	sst s5  }
0x186: {  	s20 =	simm.s32 $0x13890  }
0x187: {  	v7 =	vld [tilespmem:s20+$0x0];
	_ =	sdelay $0x4  }
0x188: {  	v8 =	vshrl.u32 v7, $0x3  }
0x189: {  	v8 =	vmul.u32 $0x60, v8  }
0x18a: {  	v7 =	vand.u32 $0x7, v7  }
0x18b: {  	v7 =	vor.u32 v7, v8  }
0x18c: {  	v8 =	vperm.xlane v7, v4;
	_ =	sdelay $0x1  }
0x18d: {  	v8 =	vadd.s32 v5, v8;
	_ =	sdelay $0x4  }
0x18e: {  	[hbm4b:s3+s4] =	stream.indirect_vreg.scatter [tilespmem:s17], [sflag:$0x1], $0x80, v8, vm0, $0xb8;
	[tilespmem:$0x14180] =	vst v63  }
0x18f: {  	_ = 	snop  }
0x190: {  	[hbm4b:s8+s4] =	stream.indirect_vreg.scatter [tilespmem:s19], [sflag:$0x1], $0x80, v8, vm0, $0xb8;
	[tilespmem:$0x14180] =	vst v63  }
0x191: {  	_ = 	snop  }
0x192: {  	[hbm4b:s9+s4] =	stream.indirect_vreg.scatter [tilespmem:s21], [sflag:$0x1], $0x80, v8, vm0, $0xb8;
	[tilespmem:$0x14180] =	vst v63  }
0x193: {  	v7 =	vperm.xlane v7, v6  }
0x194: {  	[hbm4b:s10+s4] =	stream.indirect_vreg.scatter [tilespmem:s23], [sflag:$0x1], $0x80, v8, vm0, $0xb8;
	[tilespmem:$0x14180] =	vst v63  }
0x195: {  	v7 =	vadd.s32 v5, v7  }
0x196: {  	[hbm4b:s11+s4] =	stream.indirect_vreg.scatter [tilespmem:s25], [sflag:$0x1], $0x80, v8, vm0, $0xb8;
	[tilespmem:$0x14180] =	vst v63  }
0x197: {  	_ = 	snop  }
0x198: {  	[hbm4b:s12+s4] =	stream.indirect_vreg.scatter [tilespmem:s28], [sflag:$0x1], $0x80, v8, vm0, $0xb8;
	[tilespmem:$0x14180] =	vst v63  }
0x199: {  	_ = 	snop  }
0x19a: {  	[hbm4b:s3+s4] =	stream.indirect_vreg.scatter [tilespmem:s30], [sflag:$0x1], $0x80, v7, vm0, $0xb8;
	[tilespmem:$0x14180] =	vst v63  }
0x19b: {  	_ = 	snop  }
0x19c: {  	[hbm4b:s8+s4] =	stream.indirect_vreg.scatter [tilespmem:s31], [sflag:$0x1], $0x80, v7, vm0, $0xb8;
	[tilespmem:$0x14180] =	vst v63  }
0x19d: {  	_ = 	snop  }
0x19e: {  	[hbm4b:s9+s4] =	stream.indirect_vreg.scatter [tilespmem:s0], [sflag:$0x1], $0x80, v7, vm0, $0xb8;
	[tilespmem:$0x14180] =	vst v63  }
0x19f: {  	s1 =	sadd.s32 $0xFFFFFFFF, s1  }
0x1a0: {  	[hbm4b:s10+s4] =	stream.indirect_vreg.scatter [tilespmem:s2], [sflag:$0x1], $0x80, v7, vm0, $0xb8;
	[tilespmem:$0x14180] =	vst v63  }
0x1a1: {  	p0 =	sne.s32 s1, $0x1  }
0x1a2: {  	[hbm4b:s11+s4] =	stream.indirect_vreg.scatter [tilespmem:s7], [sflag:$0x1], $0x80, v7, vm0, $0xb8;
	[tilespmem:$0x14180] =	vst v63  }
.Ltmp11:
0x1a3: {  	_ = 	snop;
	(pc) =	sbr.rel @!p0 .LBB2_18-.Ltmp11, $4  }
0x1a4: {  	_ = 	snop  }
0x1a5: {  	[hbm4b:s12+s4] =	stream.indirect_vreg.scatter [tilespmem:s13], [sflag:$0x1], $0x80, v7, vm0, $0xb8;
	[tilespmem:$0x14180] =	vst v63  }
0x1a6: {  	_ =	swait.ge [sflag:s18], $0x6000  }
0x1a7: {  	s1 =	sadd.s32 $0xFFFFFFFF, s1;
	[sflag:s18] =	ssyncset.done $0x0  }
.LBB2_17:
0x1a8: {  	p0 =	sne.s32 s1, $0x1;
	[sflag:s18] =	ssyncadd.s32 $0xFFFFA000;
	s20 =	sadd.s32 $0x10, s20  }
0x1a9: {  	s1 =	sadd.s32 $0xFFFFFFFF, s1  }
0x1aa: {  	v7 =	vld [tilespmem:s20+$0x0];
	_ =	sdelay $0x4  }
0x1ab: {  	v8 =	vshrl.u32 v7, $0x3  }
0x1ac: {  	v8 =	vmul.u32 $0x60, v8  }
0x1ad: {  	v7 =	vand.u32 $0x7, v7  }
0x1ae: {  	v7 =	vor.u32 v7, v8  }
0x1af: {  	v8 =	vperm.xlane v7, v4;
	v7 =	vperm.xlane v7, v6;
	_ =	sdelay $0x1  }
0x1b0: {  	v8 =	vadd.s32 v5, v8;
	_ =	sdelay $0x4  }
0x1b1: {  	[hbm4b:s3+s4] =	stream.indirect_vreg.scatter [tilespmem:s17], [sflag:$0x1], $0x80, v8, vm0, $0xb8;
	[tilespmem:$0x14180] =	vst v63  }
0x1b2: {  	_ = 	snop  }
0x1b3: {  	[hbm4b:s8+s4] =	stream.indirect_vreg.scatter [tilespmem:s19], [sflag:$0x1], $0x80, v8, vm0, $0xb8;
	[tilespmem:$0x14180] =	vst v63  }
0x1b4: {  	_ = 	snop  }
0x1b5: {  	[hbm4b:s9+s4] =	stream.indirect_vreg.scatter [tilespmem:s21], [sflag:$0x1], $0x80, v8, vm0, $0xb8;
	[tilespmem:$0x14180] =	vst v63  }
0x1b6: {  	_ = 	snop  }
0x1b7: {  	[hbm4b:s10+s4] =	stream.indirect_vreg.scatter [tilespmem:s23], [sflag:$0x1], $0x80, v8, vm0, $0xb8;
	[tilespmem:$0x14180] =	vst v63  }
0x1b8: {  	v7 =	vadd.s32 v5, v7  }
0x1b9: {  	[hbm4b:s11+s4] =	stream.indirect_vreg.scatter [tilespmem:s25], [sflag:$0x1], $0x80, v8, vm0, $0xb8;
	[tilespmem:$0x14180] =	vst v63  }
0x1ba: {  	_ = 	snop  }
0x1bb: {  	[hbm4b:s12+s4] =	stream.indirect_vreg.scatter [tilespmem:s28], [sflag:$0x1], $0x80, v8, vm0, $0xb8;
	[tilespmem:$0x14180] =	vst v63  }
0x1bc: {  	_ = 	snop  }
0x1bd: {  	[hbm4b:s3+s4] =	stream.indirect_vreg.scatter [tilespmem:s30], [sflag:$0x1], $0x80, v7, vm0, $0xb8;
	[tilespmem:$0x14180] =	vst v63  }
0x1be: {  	_ = 	snop  }
0x1bf: {  	[hbm4b:s8+s4] =	stream.indirect_vreg.scatter [tilespmem:s31], [sflag:$0x1], $0x80, v7, vm0, $0xb8;
	[tilespmem:$0x14180] =	vst v63  }
0x1c0: {  	_ = 	snop  }
0x1c1: {  	[hbm4b:s9+s4] =	stream.indirect_vreg.scatter [tilespmem:s0], [sflag:$0x1], $0x80, v7, vm0, $0xb8;
	[tilespmem:$0x14180] =	vst v63  }
0x1c2: {  	_ = 	snop  }
0x1c3: {  	[hbm4b:s10+s4] =	stream.indirect_vreg.scatter [tilespmem:s2], [sflag:$0x1], $0x80, v7, vm0, $0xb8;
	[tilespmem:$0x14180] =	vst v63  }
0x1c4: {  	_ = 	snop  }
0x1c5: {  	[hbm4b:s11+s4] =	stream.indirect_vreg.scatter [tilespmem:s7], [sflag:$0x1], $0x80, v7, vm0, $0xb8;
	[tilespmem:$0x14180] =	vst v63  }
.Ltmp12:
0x1c6: {  	_ = 	snop;
	(pc) =	sbr.rel @p0 .LBB2_17-.Ltmp12, $4  }
0x1c7: {  	_ = 	snop  }
0x1c8: {  	[hbm4b:s12+s4] =	stream.indirect_vreg.scatter [tilespmem:s13], [sflag:$0x1], $0x80, v7, vm0, $0xb8;
	[tilespmem:$0x14180] =	vst v63  }
0x1c9: {  	_ =	swait.ge [sflag:s18], $0x6000  }
0x1ca: {  	[sflag:s18] =	ssyncset.done $0x0  }
.LBB2_18:
0x1cb: {  	[sflag:s18] =	ssyncadd.s32 $0xFFFFA000  }
.LBB2_19:
0x1cc: {  	s1 =	sand.u32 $0xFFFFFFF0, s29  }
0x1cd: {  	v7 =	vld [tilespmem:s1+$0x13880];
	_ =	sdelay $0x2  }
0x1ce: {  	s29 =	sand.u32 $0xF, s29  }
0x1cf: {  	p1 =	seq.s32 s29, $0x0  }
0x1d0: {  	(v2sf) =	vpush @!p1 v7, $0x0;
	_ =	sdelay $0xe  }
0x1d1: {  	s1 =	spop @!p1 (v2sf)  }
0x1d2: {  	s5 =	sshrl.u32 @!p1 s1, $0x3  }
0x1d3: {  	s1 =	sshll.u32 @!p1 s1, $0x7;
	s5 =	smul.u32 @!p1 $0x3000, s5  }
0x1d4: {  	s1 =	sand.u32 @!p1 $0x380, s1  }
0x1d5: {  	s1 =	sor.u32 @!p1 s1, s5  }
0x1d6: {  	s1 =	sshrl.u32 @!p1 s1, $0x3  }
0x1d7: {  	s6 =	simm.s32 @!p1 $0xC000;
	s5 =	simm.s32 @!p1 $0x0;
	s1 =	sadd.s32 @!p1 s3, s1  }
0x1d8: {  	[hbm4b:s1+s5] =	stream.linear.scatter @!p1 [tilespmem:s6], [sflag:$0x1], $0x80, $0x38;
	[tilespmem:$0x14180] =	vst v63  }
0x1d9: {  	s20 =	simm.s32 @!p1 $0xC400;
	s6 =	sadd.s32 @!p1 $0x80, s1  }
0x1da: {  	[hbm4b:s6+s5] =	stream.linear.scatter @!p1 [tilespmem:s20], [sflag:$0x1], $0x80, $0x38;
	[tilespmem:$0x14180] =	vst v63  }
0x1db: {  	s6 =	sadd.s32 @!p1 $0x100, s1;
	s20 =	simm.s32 @!p1 $0xC800  }
0x1dc: {  	[hbm4b:s6+s5] =	stream.linear.scatter @!p1 [tilespmem:s20], [sflag:$0x1], $0x80, $0x38;
	[tilespmem:$0x14180] =	vst v63  }
0x1dd: {  	p0 =	seq.s32 @!p1 s29, $0x1;
	s6 =	sadd.s32 @!p1 $0x180, s1;
	s20 =	simm.s32 @!p1 $0xCC00  }
0x1de: {  	[hbm4b:s6+s5] =	stream.linear.scatter @!p1 [tilespmem:s20], [sflag:$0x1], $0x80, $0x38;
	[tilespmem:$0x14180] =	vst v63  }
0x1df: {  	p2 =	por p1, p0;
	s6 =	sadd.s32 @!p1 $0x200, s1;
	s20 =	simm.s32 @!p1 $0xD000  }
0x1e0: {  	(v2sf) =	vpush @!p2 v7, $0x1;
	[hbm4b:s6+s5] =	stream.linear.scatter @!p1 [tilespmem:s20], [sflag:$0x1], $0x80, $0x38;
	[tilespmem:$0x14180] =	vst v63  }
0x1e1: {  	s6 =	sadd.s32 @!p1 $0x280, s1;
	s20 =	simm.s32 @!p1 $0xD400  }
0x1e2: {  	[hbm4b:s6+s5] =	stream.linear.scatter @!p1 [tilespmem:s20], [sflag:$0x1], $0x80, $0x38;
	[tilespmem:$0x14180] =	vst v63  }
0x1e3: {  	s6 =	sadd.s32 @!p1 $0x300, s1;
	s20 =	simm.s32 @!p1 $0xD800  }
0x1e4: {  	[hbm4b:s6+s5] =	stream.linear.scatter @!p1 [tilespmem:s20], [sflag:$0x1], $0x80, $0x38;
	[tilespmem:$0x14180] =	vst v63  }
0x1e5: {  	s6 =	sadd.s32 @!p1 $0x380, s1;
	s20 =	simm.s32 @!p1 $0xDC00  }
0x1e6: {  	[hbm4b:s6+s5] =	stream.linear.scatter @!p1 [tilespmem:s20], [sflag:$0x1], $0x80, $0x38;
	[tilespmem:$0x14180] =	vst v63  }
0x1e7: {  	s6 =	sadd.s32 @!p1 $0x400, s1;
	s20 =	simm.s32 @!p1 $0xE000  }
0x1e8: {  	[hbm4b:s6+s5] =	stream.linear.scatter @!p1 [tilespmem:s20], [sflag:$0x1], $0x80, $0x38;
	[tilespmem:$0x14180] =	vst v63  }
0x1e9: {  	s6 =	sadd.s32 @!p1 $0x480, s1;
	s20 =	simm.s32 @!p1 $0xE400  }
0x1ea: {  	[hbm4b:s6+s5] =	stream.linear.scatter @!p1 [tilespmem:s20], [sflag:$0x1], $0x80, $0x38;
	[tilespmem:$0x14180] =	vst v63  }
0x1eb: {  	s6 =	sadd.s32 @!p1 $0x500, s1;
	s20 =	simm.s32 @!p1 $0xE800  }
0x1ec: {  	[hbm4b:s6+s5] =	stream.linear.scatter @!p1 [tilespmem:s20], [sflag:$0x1], $0x80, $0x38;
	[tilespmem:$0x14180] =	vst v63  }
0x1ed: {  	s1 =	sadd.s32 @!p1 $0x580, s1;
	s6 =	simm.s32 @!p1 $0xEC00  }
0x1ee: {  	[hbm4b:s1+s5] =	stream.linear.scatter @!p1 [tilespmem:s6], [sflag:$0x1], $0x80, $0x38;
	[tilespmem:$0x14180] =	vst v63  }
0x1ef: {  	s1 =	spop @!p2 (v2sf)  }
0x1f0: {  	s5 =	sshrl.u32 @!p2 s1, $0x3  }
0x1f1: {  	s1 =	sshll.u32 @!p2 s1, $0x7;
	s5 =	smul.u32 @!p2 $0x3000, s5  }
0x1f2: {  	s1 =	sand.u32 @!p2 $0x380, s1  }
0x1f3: {  	s20 =	simm.s32 @!p1 $0x0;
	s1 =	sor.u32 @!p2 s1, s5  }
0x1f4: {  	s20 =	simm.s32 @p1 $0x1;
	s1 =	sshrl.u32 @!p2 s1, $0x3  }
0x1f5: {  	s6 =	simm.s32 @!p2 $0xC000;
	s5 =	simm.s32 @!p2 $0x0;
	s1 =	sadd.s32 @!p2 s3, s1  }
0x1f6: {  	[hbm4b:s1+s5] =	stream.linear.scatter @!p2 [tilespmem:s6], [sflag:$0x1], $0x80, $0x38;
	[tilespmem:$0x14180] =	vst v63  }
0x1f7: {  	[smem:$0x7F4] =	sst s20;
	s20 =	simm.s32 @!p2 $0xC400;
	s6 =	sadd.s32 @!p2 $0x80, s1  }
0x1f8: {  	[hbm4b:s6+s5] =	stream.linear.scatter @!p2 [tilespmem:s20], [sflag:$0x1], $0x80, $0x38;
	[tilespmem:$0x14180] =	vst v63  }
0x1f9: {  	s6 =	sadd.s32 @!p2 $0x100, s1;
	s20 =	simm.s32 @!p2 $0xC800  }
0x1fa: {  	[hbm4b:s6+s5] =	stream.linear.scatter @!p2 [tilespmem:s20], [sflag:$0x1], $0x80, $0x38;
	[tilespmem:$0x14180] =	vst v63  }
0x1fb: {  	p0 =	slt.u32 @!p2 s29, $0x3;
	s6 =	sadd.s32 @!p2 $0x180, s1;
	s20 =	simm.s32 @!p2 $0xCC00  }
0x1fc: {  	[hbm4b:s6+s5] =	stream.linear.scatter @!p2 [tilespmem:s20], [sflag:$0x1], $0x80, $0x38;
	[tilespmem:$0x14180] =	vst v63  }
0x1fd: {  	p1 =	por p2, p0;
	s6 =	sadd.s32 @!p2 $0x200, s1;
	s20 =	simm.s32 @!p2 $0xD000  }
0x1fe: {  	(v2sf) =	vpush @!p1 v7, $0x2;
	[hbm4b:s6+s5] =	stream.linear.scatter @!p2 [tilespmem:s20], [sflag:$0x1], $0x80, $0x38;
	[tilespmem:$0x14180] =	vst v63  }
0x1ff: {  	s6 =	sadd.s32 @!p2 $0x280, s1;
	s20 =	simm.s32 @!p2 $0xD400  }
0x200: {  	[hbm4b:s6+s5] =	stream.linear.scatter @!p2 [tilespmem:s20], [sflag:$0x1], $0x80, $0x38;
	[tilespmem:$0x14180] =	vst v63  }
0x201: {  	s6 =	sadd.s32 @!p2 $0x300, s1;
	s20 =	simm.s32 @!p2 $0xD800  }
0x202: {  	[hbm4b:s6+s5] =	stream.linear.scatter @!p2 [tilespmem:s20], [sflag:$0x1], $0x80, $0x38;
	[tilespmem:$0x14180] =	vst v63  }
0x203: {  	s6 =	sadd.s32 @!p2 $0x380, s1;
	s20 =	simm.s32 @!p2 $0xDC00  }
0x204: {  	[hbm4b:s6+s5] =	stream.linear.scatter @!p2 [tilespmem:s20], [sflag:$0x1], $0x80, $0x38;
	[tilespmem:$0x14180] =	vst v63  }
0x205: {  	s6 =	sadd.s32 @!p2 $0x400, s1;
	s20 =	simm.s32 @!p2 $0xE000  }
0x206: {  	[hbm4b:s6+s5] =	stream.linear.scatter @!p2 [tilespmem:s20], [sflag:$0x1], $0x80, $0x38;
	[tilespmem:$0x14180] =	vst v63  }
0x207: {  	s6 =	sadd.s32 @!p2 $0x480, s1;
	s20 =	simm.s32 @!p2 $0xE400  }
0x208: {  	[hbm4b:s6+s5] =	stream.linear.scatter @!p2 [tilespmem:s20], [sflag:$0x1], $0x80, $0x38;
	[tilespmem:$0x14180] =	vst v63  }
0x209: {  	s6 =	sadd.s32 @!p2 $0x500, s1;
	s20 =	simm.s32 @!p2 $0xE800  }
0x20a: {  	[hbm4b:s6+s5] =	stream.linear.scatter @!p2 [tilespmem:s20], [sflag:$0x1], $0x80, $0x38;
	[tilespmem:$0x14180] =	vst v63  }
0x20b: {  	s1 =	sadd.s32 @!p2 $0x580, s1;
	s6 =	simm.s32 @!p2 $0xEC00  }
0x20c: {  	[hbm4b:s1+s5] =	stream.linear.scatter @!p2 [tilespmem:s6], [sflag:$0x1], $0x80, $0x38;
	[tilespmem:$0x14180] =	vst v63  }
0x20d: {  	s1 =	spop @!p1 (v2sf)  }
0x20e: {  	s5 =	sshrl.u32 @!p1 s1, $0x3  }
0x20f: {  	s1 =	sshll.u32 @!p1 s1, $0x7;
	s5 =	smul.u32 @!p1 $0x3000, s5  }
0x210: {  	s1 =	sand.u32 @!p1 $0x380, s1  }
0x211: {  	s20 =	simm.s32 @!p2 $0x0;
	s1 =	sor.u32 @!p1 s1, s5  }
0x212: {  	s20 =	simm.s32 @p2 $0x1;
	s1 =	sshrl.u32 @!p1 s1, $0x3  }
0x213: {  	s6 =	simm.s32 @!p1 $0xC000;
	s5 =	simm.s32 @!p1 $0x0;
	s1 =	sadd.s32 @!p1 s3, s1  }
0x214: {  	[hbm4b:s1+s5] =	stream.linear.scatter @!p1 [tilespmem:s6], [sflag:$0x1], $0x80, $0x38;
	[tilespmem:$0x14180] =	vst v63  }
0x215: {  	[smem:$0x7F5] =	sst s20;
	s20 =	simm.s32 @!p1 $0xC400;
	s6 =	sadd.s32 @!p1 $0x80, s1  }
0x216: {  	[hbm4b:s6+s5] =	stream.linear.scatter @!p1 [tilespmem:s20], [sflag:$0x1], $0x80, $0x38;
	[tilespmem:$0x14180] =	vst v63  }
0x217: {  	s6 =	sadd.s32 @!p1 $0x100, s1;
	s20 =	simm.s32 @!p1 $0xC800  }
0x218: {  	[hbm4b:s6+s5] =	stream.linear.scatter @!p1 [tilespmem:s20], [sflag:$0x1], $0x80, $0x38;
	[tilespmem:$0x14180] =	vst v63  }
0x219: {  	p0 =	seq.s32 @!p1 s29, $0x3;
	s6 =	sadd.s32 @!p1 $0x180, s1;
	s20 =	simm.s32 @!p1 $0xCC00  }
0x21a: {  	[hbm4b:s6+s5] =	stream.linear.scatter @!p1 [tilespmem:s20], [sflag:$0x1], $0x80, $0x38;
	[tilespmem:$0x14180] =	vst v63  }
0x21b: {  	p2 =	por p1, p0;
	s6 =	sadd.s32 @!p1 $0x200, s1;
	s20 =	simm.s32 @!p1 $0xD000  }
0x21c: {  	(v2sf) =	vpush @!p2 v7, $0x3;
	[hbm4b:s6+s5] =	stream.linear.scatter @!p1 [tilespmem:s20], [sflag:$0x1], $0x80, $0x38;
	[tilespmem:$0x14180] =	vst v63  }
0x21d: {  	s6 =	sadd.s32 @!p1 $0x280, s1;
	s20 =	simm.s32 @!p1 $0xD400  }
0x21e: {  	[hbm4b:s6+s5] =	stream.linear.scatter @!p1 [tilespmem:s20], [sflag:$0x1], $0x80, $0x38;
	[tilespmem:$0x14180] =	vst v63  }
0x21f: {  	s6 =	sadd.s32 @!p1 $0x300, s1;
	s20 =	simm.s32 @!p1 $0xD800  }
0x220: {  	[hbm4b:s6+s5] =	stream.linear.scatter @!p1 [tilespmem:s20], [sflag:$0x1], $0x80, $0x38;
	[tilespmem:$0x14180] =	vst v63  }
0x221: {  	s6 =	sadd.s32 @!p1 $0x380, s1;
	s20 =	simm.s32 @!p1 $0xDC00  }
0x222: {  	[hbm4b:s6+s5] =	stream.linear.scatter @!p1 [tilespmem:s20], [sflag:$0x1], $0x80, $0x38;
	[tilespmem:$0x14180] =	vst v63  }
0x223: {  	s6 =	sadd.s32 @!p1 $0x400, s1;
	s20 =	simm.s32 @!p1 $0xE000  }
0x224: {  	[hbm4b:s6+s5] =	stream.linear.scatter @!p1 [tilespmem:s20], [sflag:$0x1], $0x80, $0x38;
	[tilespmem:$0x14180] =	vst v63  }
0x225: {  	s6 =	sadd.s32 @!p1 $0x480, s1;
	s20 =	simm.s32 @!p1 $0xE400  }
0x226: {  	[hbm4b:s6+s5] =	stream.linear.scatter @!p1 [tilespmem:s20], [sflag:$0x1], $0x80, $0x38;
	[tilespmem:$0x14180] =	vst v63  }
0x227: {  	s6 =	sadd.s32 @!p1 $0x500, s1;
	s20 =	simm.s32 @!p1 $0xE800  }
0x228: {  	[hbm4b:s6+s5] =	stream.linear.scatter @!p1 [tilespmem:s20], [sflag:$0x1], $0x80, $0x38;
	[tilespmem:$0x14180] =	vst v63  }
0x229: {  	s1 =	sadd.s32 @!p1 $0x580, s1;
	s6 =	simm.s32 @!p1 $0xEC00  }
0x22a: {  	[hbm4b:s1+s5] =	stream.linear.scatter @!p1 [tilespmem:s6], [sflag:$0x1], $0x80, $0x38;
	[tilespmem:$0x14180] =	vst v63  }
0x22b: {  	s1 =	spop @!p2 (v2sf)  }
0x22c: {  	s5 =	sshrl.u32 @!p2 s1, $0x3  }
0x22d: {  	s1 =	sshll.u32 @!p2 s1, $0x7;
	s5 =	smul.u32 @!p2 $0x3000, s5  }
0x22e: {  	s1 =	sand.u32 @!p2 $0x380, s1  }
0x22f: {  	s20 =	simm.s32 @!p1 $0x0;
	s1 =	sor.u32 @!p2 s1, s5  }
0x230: {  	s20 =	simm.s32 @p1 $0x1;
	s1 =	sshrl.u32 @!p2 s1, $0x3  }
0x231: {  	s6 =	simm.s32 @!p2 $0xC000;
	s5 =	simm.s32 @!p2 $0x0;
	s1 =	sadd.s32 @!p2 s3, s1  }
0x232: {  	[hbm4b:s1+s5] =	stream.linear.scatter @!p2 [tilespmem:s6], [sflag:$0x1], $0x80, $0x38;
	[tilespmem:$0x14180] =	vst v63  }
0x233: {  	[smem:$0x7F6] =	sst s20;
	s20 =	simm.s32 @!p2 $0xC400;
	s6 =	sadd.s32 @!p2 $0x80, s1  }
0x234: {  	[hbm4b:s6+s5] =	stream.linear.scatter @!p2 [tilespmem:s20], [sflag:$0x1], $0x80, $0x38;
	[tilespmem:$0x14180] =	vst v63  }
0x235: {  	s6 =	sadd.s32 @!p2 $0x100, s1;
	s20 =	simm.s32 @!p2 $0xC800  }
0x236: {  	[hbm4b:s6+s5] =	stream.linear.scatter @!p2 [tilespmem:s20], [sflag:$0x1], $0x80, $0x38;
	[tilespmem:$0x14180] =	vst v63  }
0x237: {  	p0 =	slt.u32 @!p2 s29, $0x5;
	s6 =	sadd.s32 @!p2 $0x180, s1;
	s20 =	simm.s32 @!p2 $0xCC00  }
0x238: {  	[hbm4b:s6+s5] =	stream.linear.scatter @!p2 [tilespmem:s20], [sflag:$0x1], $0x80, $0x38;
	[tilespmem:$0x14180] =	vst v63  }
0x239: {  	p1 =	por p2, p0;
	s6 =	sadd.s32 @!p2 $0x200, s1;
	s20 =	simm.s32 @!p2 $0xD000  }
0x23a: {  	(v2sf) =	vpush @!p1 v7, $0x4;
	[hbm4b:s6+s5] =	stream.linear.scatter @!p2 [tilespmem:s20], [sflag:$0x1], $0x80, $0x38;
	[tilespmem:$0x14180] =	vst v63  }
0x23b: {  	s6 =	sadd.s32 @!p2 $0x280, s1;
	s20 =	simm.s32 @!p2 $0xD400  }
0x23c: {  	[hbm4b:s6+s5] =	stream.linear.scatter @!p2 [tilespmem:s20], [sflag:$0x1], $0x80, $0x38;
	[tilespmem:$0x14180] =	vst v63  }
0x23d: {  	s6 =	sadd.s32 @!p2 $0x300, s1;
	s20 =	simm.s32 @!p2 $0xD800  }
0x23e: {  	[hbm4b:s6+s5] =	stream.linear.scatter @!p2 [tilespmem:s20], [sflag:$0x1], $0x80, $0x38;
	[tilespmem:$0x14180] =	vst v63  }
0x23f: {  	s6 =	sadd.s32 @!p2 $0x380, s1;
	s20 =	simm.s32 @!p2 $0xDC00  }
0x240: {  	[hbm4b:s6+s5] =	stream.linear.scatter @!p2 [tilespmem:s20], [sflag:$0x1], $0x80, $0x38;
	[tilespmem:$0x14180] =	vst v63  }
0x241: {  	s6 =	sadd.s32 @!p2 $0x400, s1;
	s20 =	simm.s32 @!p2 $0xE000  }
0x242: {  	[hbm4b:s6+s5] =	stream.linear.scatter @!p2 [tilespmem:s20], [sflag:$0x1], $0x80, $0x38;
	[tilespmem:$0x14180] =	vst v63  }
0x243: {  	s6 =	sadd.s32 @!p2 $0x480, s1;
	s20 =	simm.s32 @!p2 $0xE400  }
0x244: {  	[hbm4b:s6+s5] =	stream.linear.scatter @!p2 [tilespmem:s20], [sflag:$0x1], $0x80, $0x38;
	[tilespmem:$0x14180] =	vst v63  }
0x245: {  	s6 =	sadd.s32 @!p2 $0x500, s1;
	s20 =	simm.s32 @!p2 $0xE800  }
0x246: {  	[hbm4b:s6+s5] =	stream.linear.scatter @!p2 [tilespmem:s20], [sflag:$0x1], $0x80, $0x38;
	[tilespmem:$0x14180] =	vst v63  }
0x247: {  	s1 =	sadd.s32 @!p2 $0x580, s1;
	s6 =	simm.s32 @!p2 $0xEC00  }
0x248: {  	[hbm4b:s1+s5] =	stream.linear.scatter @!p2 [tilespmem:s6], [sflag:$0x1], $0x80, $0x38;
	[tilespmem:$0x14180] =	vst v63  }
0x249: {  	s1 =	spop @!p1 (v2sf)  }
0x24a: {  	s5 =	sshrl.u32 @!p1 s1, $0x3  }
0x24b: {  	s1 =	sshll.u32 @!p1 s1, $0x7;
	s5 =	smul.u32 @!p1 $0x3000, s5  }
0x24c: {  	s1 =	sand.u32 @!p1 $0x380, s1  }
0x24d: {  	s20 =	simm.s32 @!p2 $0x0;
	s1 =	sor.u32 @!p1 s1, s5  }
0x24e: {  	s20 =	simm.s32 @p2 $0x1;
	s1 =	sshrl.u32 @!p1 s1, $0x3  }
0x24f: {  	s6 =	simm.s32 @!p1 $0xC000;
	s5 =	simm.s32 @!p1 $0x0;
	s1 =	sadd.s32 @!p1 s3, s1  }
0x250: {  	[hbm4b:s1+s5] =	stream.linear.scatter @!p1 [tilespmem:s6], [sflag:$0x1], $0x80, $0x38;
	[tilespmem:$0x14180] =	vst v63  }
0x251: {  	[smem:$0x7F7] =	sst s20;
	s20 =	simm.s32 @!p1 $0xC400;
	s6 =	sadd.s32 @!p1 $0x80, s1  }
0x252: {  	[hbm4b:s6+s5] =	stream.linear.scatter @!p1 [tilespmem:s20], [sflag:$0x1], $0x80, $0x38;
	[tilespmem:$0x14180] =	vst v63  }
0x253: {  	s6 =	sadd.s32 @!p1 $0x100, s1;
	s20 =	simm.s32 @!p1 $0xC800  }
0x254: {  	[hbm4b:s6+s5] =	stream.linear.scatter @!p1 [tilespmem:s20], [sflag:$0x1], $0x80, $0x38;
	[tilespmem:$0x14180] =	vst v63  }
0x255: {  	p0 =	seq.s32 @!p1 s29, $0x5;
	s6 =	sadd.s32 @!p1 $0x180, s1;
	s20 =	simm.s32 @!p1 $0xCC00  }
0x256: {  	[hbm4b:s6+s5] =	stream.linear.scatter @!p1 [tilespmem:s20], [sflag:$0x1], $0x80, $0x38;
	[tilespmem:$0x14180] =	vst v63  }
0x257: {  	p2 =	por p1, p0;
	s6 =	sadd.s32 @!p1 $0x200, s1;
	s20 =	simm.s32 @!p1 $0xD000  }
0x258: {  	(v2sf) =	vpush @!p2 v7, $0x5;
	[hbm4b:s6+s5] =	stream.linear.scatter @!p1 [tilespmem:s20], [sflag:$0x1], $0x80, $0x38;
	[tilespmem:$0x14180] =	vst v63  }
0x259: {  	s6 =	sadd.s32 @!p1 $0x280, s1;
	s20 =	simm.s32 @!p1 $0xD400  }
0x25a: {  	[hbm4b:s6+s5] =	stream.linear.scatter @!p1 [tilespmem:s20], [sflag:$0x1], $0x80, $0x38;
	[tilespmem:$0x14180] =	vst v63  }
0x25b: {  	s6 =	sadd.s32 @!p1 $0x300, s1;
	s20 =	simm.s32 @!p1 $0xD800  }
0x25c: {  	[hbm4b:s6+s5] =	stream.linear.scatter @!p1 [tilespmem:s20], [sflag:$0x1], $0x80, $0x38;
	[tilespmem:$0x14180] =	vst v63  }
0x25d: {  	s6 =	sadd.s32 @!p1 $0x380, s1;
	s20 =	simm.s32 @!p1 $0xDC00  }
0x25e: {  	[hbm4b:s6+s5] =	stream.linear.scatter @!p1 [tilespmem:s20], [sflag:$0x1], $0x80, $0x38;
	[tilespmem:$0x14180] =	vst v63  }
0x25f: {  	s6 =	sadd.s32 @!p1 $0x400, s1;
	s20 =	simm.s32 @!p1 $0xE000  }
0x260: {  	[hbm4b:s6+s5] =	stream.linear.scatter @!p1 [tilespmem:s20], [sflag:$0x1], $0x80, $0x38;
	[tilespmem:$0x14180] =	vst v63  }
0x261: {  	s6 =	sadd.s32 @!p1 $0x480, s1;
	s20 =	simm.s32 @!p1 $0xE400  }
0x262: {  	[hbm4b:s6+s5] =	stream.linear.scatter @!p1 [tilespmem:s20], [sflag:$0x1], $0x80, $0x38;
	[tilespmem:$0x14180] =	vst v63  }
0x263: {  	s6 =	sadd.s32 @!p1 $0x500, s1;
	s20 =	simm.s32 @!p1 $0xE800  }
0x264: {  	[hbm4b:s6+s5] =	stream.linear.scatter @!p1 [tilespmem:s20], [sflag:$0x1], $0x80, $0x38;
	[tilespmem:$0x14180] =	vst v63  }
0x265: {  	s1 =	sadd.s32 @!p1 $0x580, s1;
	s6 =	simm.s32 @!p1 $0xEC00  }
0x266: {  	[hbm4b:s1+s5] =	stream.linear.scatter @!p1 [tilespmem:s6], [sflag:$0x1], $0x80, $0x38;
	[tilespmem:$0x14180] =	vst v63  }
0x267: {  	s1 =	spop @!p2 (v2sf)  }
0x268: {  	s5 =	sshrl.u32 @!p2 s1, $0x3  }
0x269: {  	s1 =	sshll.u32 @!p2 s1, $0x7;
	s5 =	smul.u32 @!p2 $0x3000, s5  }
0x26a: {  	s1 =	sand.u32 @!p2 $0x380, s1  }
0x26b: {  	s20 =	simm.s32 @!p1 $0x0;
	s1 =	sor.u32 @!p2 s1, s5  }
0x26c: {  	s20 =	simm.s32 @p1 $0x1;
	s1 =	sshrl.u32 @!p2 s1, $0x3  }
0x26d: {  	s6 =	simm.s32 @!p2 $0xC000;
	s5 =	simm.s32 @!p2 $0x0;
	s1 =	sadd.s32 @!p2 s3, s1  }
0x26e: {  	[hbm4b:s1+s5] =	stream.linear.scatter @!p2 [tilespmem:s6], [sflag:$0x1], $0x80, $0x38;
	[tilespmem:$0x14180] =	vst v63  }
0x26f: {  	[smem:$0x7F8] =	sst s20;
	s20 =	simm.s32 @!p2 $0xC400;
	s6 =	sadd.s32 @!p2 $0x80, s1  }
0x270: {  	[hbm4b:s6+s5] =	stream.linear.scatter @!p2 [tilespmem:s20], [sflag:$0x1], $0x80, $0x38;
	[tilespmem:$0x14180] =	vst v63  }
0x271: {  	s6 =	sadd.s32 @!p2 $0x100, s1;
	s20 =	simm.s32 @!p2 $0xC800  }
0x272: {  	[hbm4b:s6+s5] =	stream.linear.scatter @!p2 [tilespmem:s20], [sflag:$0x1], $0x80, $0x38;
	[tilespmem:$0x14180] =	vst v63  }
0x273: {  	p0 =	slt.u32 @!p2 s29, $0x7;
	s6 =	sadd.s32 @!p2 $0x180, s1;
	s20 =	simm.s32 @!p2 $0xCC00  }
0x274: {  	[hbm4b:s6+s5] =	stream.linear.scatter @!p2 [tilespmem:s20], [sflag:$0x1], $0x80, $0x38;
	[tilespmem:$0x14180] =	vst v63  }
0x275: {  	p0 =	por p2, p0;
	s6 =	sadd.s32 @!p2 $0x200, s1;
	s20 =	simm.s32 @!p2 $0xD000  }
0x276: {  	(v2sf) =	vpush @!p0 v7, $0x6;
	[hbm4b:s6+s5] =	stream.linear.scatter @!p2 [tilespmem:s20], [sflag:$0x1], $0x80, $0x38;
	[tilespmem:$0x14180] =	vst v63  }
0x277: {  	s6 =	sadd.s32 @!p2 $0x280, s1;
	s20 =	simm.s32 @!p2 $0xD400  }
0x278: {  	[hbm4b:s6+s5] =	stream.linear.scatter @!p2 [tilespmem:s20], [sflag:$0x1], $0x80, $0x38;
	[tilespmem:$0x14180] =	vst v63  }
0x279: {  	s6 =	sadd.s32 @!p2 $0x300, s1;
	s20 =	simm.s32 @!p2 $0xD800  }
0x27a: {  	[hbm4b:s6+s5] =	stream.linear.scatter @!p2 [tilespmem:s20], [sflag:$0x1], $0x80, $0x38;
	[tilespmem:$0x14180] =	vst v63  }
0x27b: {  	s6 =	sadd.s32 @!p2 $0x380, s1;
	s20 =	simm.s32 @!p2 $0xDC00  }
0x27c: {  	[hbm4b:s6+s5] =	stream.linear.scatter @!p2 [tilespmem:s20], [sflag:$0x1], $0x80, $0x38;
	[tilespmem:$0x14180] =	vst v63  }
0x27d: {  	s6 =	sadd.s32 @!p2 $0x400, s1;
	s20 =	simm.s32 @!p2 $0xE000  }
0x27e: {  	[hbm4b:s6+s5] =	stream.linear.scatter @!p2 [tilespmem:s20], [sflag:$0x1], $0x80, $0x38;
	[tilespmem:$0x14180] =	vst v63  }
0x27f: {  	s6 =	sadd.s32 @!p2 $0x480, s1;
	s20 =	simm.s32 @!p2 $0xE400  }
0x280: {  	[hbm4b:s6+s5] =	stream.linear.scatter @!p2 [tilespmem:s20], [sflag:$0x1], $0x80, $0x38;
	[tilespmem:$0x14180] =	vst v63  }
0x281: {  	s6 =	sadd.s32 @!p2 $0x500, s1;
	s20 =	simm.s32 @!p2 $0xE800  }
0x282: {  	[hbm4b:s6+s5] =	stream.linear.scatter @!p2 [tilespmem:s20], [sflag:$0x1], $0x80, $0x38;
	[tilespmem:$0x14180] =	vst v63  }
0x283: {  	s1 =	sadd.s32 @!p2 $0x580, s1;
	s6 =	simm.s32 @!p2 $0xEC00  }
0x284: {  	[hbm4b:s1+s5] =	stream.linear.scatter @!p2 [tilespmem:s6], [sflag:$0x1], $0x80, $0x38;
	[tilespmem:$0x14180] =	vst v63  }
0x285: {  	s1 =	spop @!p0 (v2sf)  }
0x286: {  	s5 =	sshrl.u32 @!p0 s1, $0x3  }
0x287: {  	s1 =	sshll.u32 @!p0 s1, $0x7;
	s5 =	smul.u32 @!p0 $0x3000, s5  }
0x288: {  	s1 =	sand.u32 @!p0 $0x380, s1  }
0x289: {  	s20 =	simm.s32 @!p2 $0x0;
	s1 =	sor.u32 @!p0 s1, s5  }
0x28a: {  	s20 =	simm.s32 @p2 $0x1;
	s1 =	sshrl.u32 @!p0 s1, $0x3  }
0x28b: {  	s6 =	simm.s32 @!p0 $0xC000;
	s5 =	simm.s32 @!p0 $0x0;
	s1 =	sadd.s32 @!p0 s3, s1  }
0x28c: {  	[hbm4b:s1+s5] =	stream.linear.scatter @!p0 [tilespmem:s6], [sflag:$0x1], $0x80, $0x38;
	[tilespmem:$0x14180] =	vst v63  }
0x28d: {  	[smem:$0x7F9] =	sst s20;
	s20 =	simm.s32 @!p0 $0xC400;
	s6 =	sadd.s32 @!p0 $0x80, s1  }
0x28e: {  	[hbm4b:s6+s5] =	stream.linear.scatter @!p0 [tilespmem:s20], [sflag:$0x1], $0x80, $0x38;
	[tilespmem:$0x14180] =	vst v63  }
0x28f: {  	s6 =	sadd.s32 @!p0 $0x100, s1;
	s20 =	simm.s32 @!p0 $0xC800  }
0x290: {  	[hbm4b:s6+s5] =	stream.linear.scatter @!p0 [tilespmem:s20], [sflag:$0x1], $0x80, $0x38;
	[tilespmem:$0x14180] =	vst v63  }
0x291: {  	p1 =	seq.s32 @!p0 s29, $0x7;
	s6 =	sadd.s32 @!p0 $0x180, s1;
	s20 =	simm.s32 @!p0 $0xCC00  }
0x292: {  	[hbm4b:s6+s5] =	stream.linear.scatter @!p0 [tilespmem:s20], [sflag:$0x1], $0x80, $0x38;
	[tilespmem:$0x14180] =	vst v63  }
0x293: {  	p1 =	por p0, p1;
	s6 =	sadd.s32 @!p0 $0x200, s1;
	s20 =	simm.s32 @!p0 $0xD000  }
0x294: {  	(v2sf) =	vpush @!p1 v7, $0x7;
	[hbm4b:s6+s5] =	stream.linear.scatter @!p0 [tilespmem:s20], [sflag:$0x1], $0x80, $0x38;
	[tilespmem:$0x14180] =	vst v63  }
0x295: {  	s6 =	sadd.s32 @!p0 $0x280, s1;
	s20 =	simm.s32 @!p0 $0xD400  }
0x296: {  	[hbm4b:s6+s5] =	stream.linear.scatter @!p0 [tilespmem:s20], [sflag:$0x1], $0x80, $0x38;
	[tilespmem:$0x14180] =	vst v63  }
0x297: {  	s6 =	sadd.s32 @!p0 $0x300, s1;
	s20 =	simm.s32 @!p0 $0xD800  }
0x298: {  	[hbm4b:s6+s5] =	stream.linear.scatter @!p0 [tilespmem:s20], [sflag:$0x1], $0x80, $0x38;
	[tilespmem:$0x14180] =	vst v63  }
0x299: {  	s6 =	sadd.s32 @!p0 $0x380, s1;
	s20 =	simm.s32 @!p0 $0xDC00  }
0x29a: {  	[hbm4b:s6+s5] =	stream.linear.scatter @!p0 [tilespmem:s20], [sflag:$0x1], $0x80, $0x38;
	[tilespmem:$0x14180] =	vst v63  }
0x29b: {  	s6 =	sadd.s32 @!p0 $0x400, s1;
	s20 =	simm.s32 @!p0 $0xE000  }
0x29c: {  	[hbm4b:s6+s5] =	stream.linear.scatter @!p0 [tilespmem:s20], [sflag:$0x1], $0x80, $0x38;
	[tilespmem:$0x14180] =	vst v63  }
0x29d: {  	s6 =	sadd.s32 @!p0 $0x480, s1;
	s20 =	simm.s32 @!p0 $0xE400  }
0x29e: {  	[hbm4b:s6+s5] =	stream.linear.scatter @!p0 [tilespmem:s20], [sflag:$0x1], $0x80, $0x38;
	[tilespmem:$0x14180] =	vst v63  }
0x29f: {  	s6 =	sadd.s32 @!p0 $0x500, s1;
	s20 =	simm.s32 @!p0 $0xE800  }
0x2a0: {  	[hbm4b:s6+s5] =	stream.linear.scatter @!p0 [tilespmem:s20], [sflag:$0x1], $0x80, $0x38;
	[tilespmem:$0x14180] =	vst v63  }
0x2a1: {  	s1 =	sadd.s32 @!p0 $0x580, s1;
	s6 =	simm.s32 @!p0 $0xEC00  }
0x2a2: {  	[hbm4b:s1+s5] =	stream.linear.scatter @!p0 [tilespmem:s6], [sflag:$0x1], $0x80, $0x38;
	[tilespmem:$0x14180] =	vst v63  }
0x2a3: {  	s1 =	spop @!p1 (v2sf)  }
0x2a4: {  	s5 =	sshrl.u32 @!p1 s1, $0x3  }
0x2a5: {  	s1 =	sshll.u32 @!p1 s1, $0x7;
	s5 =	smul.u32 @!p1 $0x3000, s5  }
0x2a6: {  	s1 =	sand.u32 @!p1 $0x380, s1  }
0x2a7: {  	s20 =	simm.s32 @!p0 $0x0;
	s1 =	sor.u32 @!p1 s1, s5  }
0x2a8: {  	s20 =	simm.s32 @p0 $0x1;
	s1 =	sshrl.u32 @!p1 s1, $0x3  }
0x2a9: {  	s6 =	simm.s32 @!p1 $0xC000;
	s5 =	simm.s32 @!p1 $0x0;
	s1 =	sadd.s32 @!p1 s3, s1  }
0x2aa: {  	[hbm4b:s1+s5] =	stream.linear.scatter @!p1 [tilespmem:s6], [sflag:$0x1], $0x80, $0x38;
	[tilespmem:$0x14180] =	vst v63  }
0x2ab: {  	[smem:$0x7FA] =	sst s20;
	s20 =	simm.s32 @!p1 $0xC400;
	s6 =	sadd.s32 @!p1 $0x80, s1  }
0x2ac: {  	[hbm4b:s6+s5] =	stream.linear.scatter @!p1 [tilespmem:s20], [sflag:$0x1], $0x80, $0x38;
	[tilespmem:$0x14180] =	vst v63  }
0x2ad: {  	s6 =	sadd.s32 @!p1 $0x100, s1;
	s20 =	simm.s32 @!p1 $0xC800  }
0x2ae: {  	[hbm4b:s6+s5] =	stream.linear.scatter @!p1 [tilespmem:s20], [sflag:$0x1], $0x80, $0x38;
	[tilespmem:$0x14180] =	vst v63  }
0x2af: {  	p2 =	slt.u32 @!p1 s29, $0x9;
	s6 =	sadd.s32 @!p1 $0x180, s1;
	s20 =	simm.s32 @!p1 $0xCC00  }
0x2b0: {  	[hbm4b:s6+s5] =	stream.linear.scatter @!p1 [tilespmem:s20], [sflag:$0x1], $0x80, $0x38;
	[tilespmem:$0x14180] =	vst v63  }
0x2b1: {  	p0 =	por p1, p2;
	s6 =	sadd.s32 @!p1 $0x200, s1;
	s20 =	simm.s32 @!p1 $0xD000  }
0x2b2: {  	(v2sf) =	vpush @!p0 v7, $0x8;
	[hbm4b:s6+s5] =	stream.linear.scatter @!p1 [tilespmem:s20], [sflag:$0x1], $0x80, $0x38;
	[tilespmem:$0x14180] =	vst v63  }
0x2b3: {  	s6 =	sadd.s32 @!p1 $0x280, s1;
	s20 =	simm.s32 @!p1 $0xD400  }
0x2b4: {  	[hbm4b:s6+s5] =	stream.linear.scatter @!p1 [tilespmem:s20], [sflag:$0x1], $0x80, $0x38;
	[tilespmem:$0x14180] =	vst v63  }
0x2b5: {  	s6 =	sadd.s32 @!p1 $0x300, s1;
	s20 =	simm.s32 @!p1 $0xD800  }
0x2b6: {  	[hbm4b:s6+s5] =	stream.linear.scatter @!p1 [tilespmem:s20], [sflag:$0x1], $0x80, $0x38;
	[tilespmem:$0x14180] =	vst v63  }
0x2b7: {  	s6 =	sadd.s32 @!p1 $0x380, s1;
	s20 =	simm.s32 @!p1 $0xDC00  }
0x2b8: {  	[hbm4b:s6+s5] =	stream.linear.scatter @!p1 [tilespmem:s20], [sflag:$0x1], $0x80, $0x38;
	[tilespmem:$0x14180] =	vst v63  }
0x2b9: {  	s6 =	sadd.s32 @!p1 $0x400, s1;
	s20 =	simm.s32 @!p1 $0xE000  }
0x2ba: {  	[hbm4b:s6+s5] =	stream.linear.scatter @!p1 [tilespmem:s20], [sflag:$0x1], $0x80, $0x38;
	[tilespmem:$0x14180] =	vst v63  }
0x2bb: {  	s6 =	sadd.s32 @!p1 $0x480, s1;
	s20 =	simm.s32 @!p1 $0xE400  }
0x2bc: {  	[hbm4b:s6+s5] =	stream.linear.scatter @!p1 [tilespmem:s20], [sflag:$0x1], $0x80, $0x38;
	[tilespmem:$0x14180] =	vst v63  }
0x2bd: {  	s6 =	sadd.s32 @!p1 $0x500, s1;
	s20 =	simm.s32 @!p1 $0xE800  }
0x2be: {  	[hbm4b:s6+s5] =	stream.linear.scatter @!p1 [tilespmem:s20], [sflag:$0x1], $0x80, $0x38;
	[tilespmem:$0x14180] =	vst v63  }
0x2bf: {  	s1 =	sadd.s32 @!p1 $0x580, s1;
	s6 =	simm.s32 @!p1 $0xEC00  }
0x2c0: {  	[hbm4b:s1+s5] =	stream.linear.scatter @!p1 [tilespmem:s6], [sflag:$0x1], $0x80, $0x38;
	[tilespmem:$0x14180] =	vst v63  }
0x2c1: {  	s1 =	spop @!p0 (v2sf)  }
0x2c2: {  	s5 =	sshrl.u32 @!p0 s1, $0x3  }
0x2c3: {  	s1 =	sshll.u32 @!p0 s1, $0x7;
	s5 =	smul.u32 @!p0 $0x3000, s5  }
0x2c4: {  	s1 =	sand.u32 @!p0 $0x380, s1  }
0x2c5: {  	s20 =	simm.s32 @!p1 $0x0;
	s1 =	sor.u32 @!p0 s1, s5  }
0x2c6: {  	s20 =	simm.s32 @p1 $0x1;
	s1 =	sshrl.u32 @!p0 s1, $0x3  }
0x2c7: {  	s6 =	simm.s32 @!p0 $0xC000;
	s5 =	simm.s32 @!p0 $0x0;
	s1 =	sadd.s32 @!p0 s3, s1  }
0x2c8: {  	[hbm4b:s1+s5] =	stream.linear.scatter @!p0 [tilespmem:s6], [sflag:$0x1], $0x80, $0x38;
	[tilespmem:$0x14180] =	vst v63  }
0x2c9: {  	[smem:$0x7FB] =	sst s20;
	s20 =	simm.s32 @!p0 $0xC400;
	s6 =	sadd.s32 @!p0 $0x80, s1  }
0x2ca: {  	[hbm4b:s6+s5] =	stream.linear.scatter @!p0 [tilespmem:s20], [sflag:$0x1], $0x80, $0x38;
	[tilespmem:$0x14180] =	vst v63  }
0x2cb: {  	s6 =	sadd.s32 @!p0 $0x100, s1;
	s20 =	simm.s32 @!p0 $0xC800  }
0x2cc: {  	[hbm4b:s6+s5] =	stream.linear.scatter @!p0 [tilespmem:s20], [sflag:$0x1], $0x80, $0x38;
	[tilespmem:$0x14180] =	vst v63  }
0x2cd: {  	p3 =	seq.s32 @!p0 s29, $0x9;
	s6 =	sadd.s32 @!p0 $0x180, s1;
	s20 =	simm.s32 @!p0 $0xCC00  }
0x2ce: {  	[hbm4b:s6+s5] =	stream.linear.scatter @!p0 [tilespmem:s20], [sflag:$0x1], $0x80, $0x38;
	[tilespmem:$0x14180] =	vst v63  }
0x2cf: {  	p3 =	por p0, p3;
	s6 =	sadd.s32 @!p0 $0x200, s1;
	s20 =	simm.s32 @!p0 $0xD000  }
0x2d0: {  	(v2sf) =	vpush @!p3 v7, $0x9;
	[hbm4b:s6+s5] =	stream.linear.scatter @!p0 [tilespmem:s20], [sflag:$0x1], $0x80, $0x38;
	[tilespmem:$0x14180] =	vst v63  }
0x2d1: {  	s6 =	sadd.s32 @!p0 $0x280, s1;
	s20 =	simm.s32 @!p0 $0xD400  }
0x2d2: {  	[hbm4b:s6+s5] =	stream.linear.scatter @!p0 [tilespmem:s20], [sflag:$0x1], $0x80, $0x38;
	[tilespmem:$0x14180] =	vst v63  }
0x2d3: {  	s6 =	sadd.s32 @!p0 $0x300, s1;
	s20 =	simm.s32 @!p0 $0xD800  }
0x2d4: {  	[hbm4b:s6+s5] =	stream.linear.scatter @!p0 [tilespmem:s20], [sflag:$0x1], $0x80, $0x38;
	[tilespmem:$0x14180] =	vst v63  }
0x2d5: {  	s6 =	sadd.s32 @!p0 $0x380, s1;
	s20 =	simm.s32 @!p0 $0xDC00  }
0x2d6: {  	[hbm4b:s6+s5] =	stream.linear.scatter @!p0 [tilespmem:s20], [sflag:$0x1], $0x80, $0x38;
	[tilespmem:$0x14180] =	vst v63  }
0x2d7: {  	s6 =	sadd.s32 @!p0 $0x400, s1;
	s20 =	simm.s32 @!p0 $0xE000  }
0x2d8: {  	[hbm4b:s6+s5] =	stream.linear.scatter @!p0 [tilespmem:s20], [sflag:$0x1], $0x80, $0x38;
	[tilespmem:$0x14180] =	vst v63  }
0x2d9: {  	s6 =	sadd.s32 @!p0 $0x480, s1;
	s20 =	simm.s32 @!p0 $0xE400  }
0x2da: {  	[hbm4b:s6+s5] =	stream.linear.scatter @!p0 [tilespmem:s20], [sflag:$0x1], $0x80, $0x38;
	[tilespmem:$0x14180] =	vst v63  }
0x2db: {  	s6 =	sadd.s32 @!p0 $0x500, s1;
	s20 =	simm.s32 @!p0 $0xE800  }
0x2dc: {  	[hbm4b:s6+s5] =	stream.linear.scatter @!p0 [tilespmem:s20], [sflag:$0x1], $0x80, $0x38;
	[tilespmem:$0x14180] =	vst v63  }
0x2dd: {  	s1 =	sadd.s32 @!p0 $0x580, s1;
	s6 =	simm.s32 @!p0 $0xEC00  }
0x2de: {  	[hbm4b:s1+s5] =	stream.linear.scatter @!p0 [tilespmem:s6], [sflag:$0x1], $0x80, $0x38;
	[tilespmem:$0x14180] =	vst v63  }
0x2df: {  	s1 =	spop @!p3 (v2sf)  }
0x2e0: {  	s5 =	sshrl.u32 @!p3 s1, $0x3  }
0x2e1: {  	s1 =	sshll.u32 @!p3 s1, $0x7;
	s5 =	smul.u32 @!p3 $0x3000, s5  }
0x2e2: {  	s1 =	sand.u32 @!p3 $0x380, s1  }
0x2e3: {  	s20 =	simm.s32 @!p0 $0x0;
	s1 =	sor.u32 @!p3 s1, s5  }
0x2e4: {  	s20 =	simm.s32 @p0 $0x1;
	s1 =	sshrl.u32 @!p3 s1, $0x3  }
0x2e5: {  	s6 =	simm.s32 @!p3 $0xC000;
	s5 =	simm.s32 @!p3 $0x0;
	s1 =	sadd.s32 @!p3 s3, s1  }
0x2e6: {  	[hbm4b:s1+s5] =	stream.linear.scatter @!p3 [tilespmem:s6], [sflag:$0x1], $0x80, $0x38;
	[tilespmem:$0x14180] =	vst v63  }
0x2e7: {  	[smem:$0x7FC] =	sst s20;
	s20 =	simm.s32 @!p3 $0xC400;
	s6 =	sadd.s32 @!p3 $0x80, s1  }
0x2e8: {  	[hbm4b:s6+s5] =	stream.linear.scatter @!p3 [tilespmem:s20], [sflag:$0x1], $0x80, $0x38;
	[tilespmem:$0x14180] =	vst v63  }
0x2e9: {  	s6 =	sadd.s32 @!p3 $0x100, s1;
	s20 =	simm.s32 @!p3 $0xC800  }
0x2ea: {  	[hbm4b:s6+s5] =	stream.linear.scatter @!p3 [tilespmem:s20], [sflag:$0x1], $0x80, $0x38;
	[tilespmem:$0x14180] =	vst v63  }
0x2eb: {  	p4 =	slt.u32 @!p3 s29, $0xB;
	s6 =	sadd.s32 @!p3 $0x180, s1;
	s20 =	simm.s32 @!p3 $0xCC00  }
0x2ec: {  	[hbm4b:s6+s5] =	stream.linear.scatter @!p3 [tilespmem:s20], [sflag:$0x1], $0x80, $0x38;
	[tilespmem:$0x14180] =	vst v63  }
0x2ed: {  	p4 =	por p3, p4;
	s6 =	sadd.s32 @!p3 $0x200, s1;
	s20 =	simm.s32 @!p3 $0xD000  }
0x2ee: {  	(v2sf) =	vpush @!p4 v7, $0xA;
	[hbm4b:s6+s5] =	stream.linear.scatter @!p3 [tilespmem:s20], [sflag:$0x1], $0x80, $0x38;
	[tilespmem:$0x14180] =	vst v63  }
0x2ef: {  	s6 =	sadd.s32 @!p3 $0x280, s1;
	s20 =	simm.s32 @!p3 $0xD400  }
0x2f0: {  	[hbm4b:s6+s5] =	stream.linear.scatter @!p3 [tilespmem:s20], [sflag:$0x1], $0x80, $0x38;
	[tilespmem:$0x14180] =	vst v63  }
0x2f1: {  	s6 =	sadd.s32 @!p3 $0x300, s1;
	s20 =	simm.s32 @!p3 $0xD800  }
0x2f2: {  	[hbm4b:s6+s5] =	stream.linear.scatter @!p3 [tilespmem:s20], [sflag:$0x1], $0x80, $0x38;
	[tilespmem:$0x14180] =	vst v63  }
0x2f3: {  	s6 =	sadd.s32 @!p3 $0x380, s1;
	s20 =	simm.s32 @!p3 $0xDC00  }
0x2f4: {  	[hbm4b:s6+s5] =	stream.linear.scatter @!p3 [tilespmem:s20], [sflag:$0x1], $0x80, $0x38;
	[tilespmem:$0x14180] =	vst v63  }
0x2f5: {  	s6 =	sadd.s32 @!p3 $0x400, s1;
	s20 =	simm.s32 @!p3 $0xE000  }
0x2f6: {  	[hbm4b:s6+s5] =	stream.linear.scatter @!p3 [tilespmem:s20], [sflag:$0x1], $0x80, $0x38;
	[tilespmem:$0x14180] =	vst v63  }
0x2f7: {  	s6 =	sadd.s32 @!p3 $0x480, s1;
	s20 =	simm.s32 @!p3 $0xE400  }
0x2f8: {  	[hbm4b:s6+s5] =	stream.linear.scatter @!p3 [tilespmem:s20], [sflag:$0x1], $0x80, $0x38;
	[tilespmem:$0x14180] =	vst v63  }
0x2f9: {  	s6 =	sadd.s32 @!p3 $0x500, s1;
	s20 =	simm.s32 @!p3 $0xE800  }
0x2fa: {  	[hbm4b:s6+s5] =	stream.linear.scatter @!p3 [tilespmem:s20], [sflag:$0x1], $0x80, $0x38;
	[tilespmem:$0x14180] =	vst v63  }
0x2fb: {  	s1 =	sadd.s32 @!p3 $0x580, s1;
	s6 =	simm.s32 @!p3 $0xEC00  }
0x2fc: {  	[hbm4b:s1+s5] =	stream.linear.scatter @!p3 [tilespmem:s6], [sflag:$0x1], $0x80, $0x38;
	[tilespmem:$0x14180] =	vst v63  }
0x2fd: {  	s1 =	spop @!p4 (v2sf)  }
0x2fe: {  	s5 =	sshrl.u32 @!p4 s1, $0x3  }
0x2ff: {  	s1 =	sshll.u32 @!p4 s1, $0x7;
	s5 =	smul.u32 @!p4 $0x3000, s5  }
0x300: {  	s1 =	sand.u32 @!p4 $0x380, s1  }
0x301: {  	s1 =	sor.u32 @!p4 s1, s5  }
0x302: {  	s1 =	sshrl.u32 @!p4 s1, $0x3  }
0x303: {  	s6 =	simm.s32 @!p4 $0xC000;
	s5 =	simm.s32 @!p4 $0x0;
	s1 =	sadd.s32 @!p4 s3, s1  }
0x304: {  	[hbm4b:s1+s5] =	stream.linear.scatter @!p4 [tilespmem:s6], [sflag:$0x1], $0x80, $0x38;
	[tilespmem:$0x14180] =	vst v63  }
0x305: {  	s20 =	simm.s32 @!p4 $0xC400;
	s6 =	sadd.s32 @!p4 $0x80, s1  }
0x306: {  	[hbm4b:s6+s5] =	stream.linear.scatter @!p4 [tilespmem:s20], [sflag:$0x1], $0x80, $0x38;
	[tilespmem:$0x14180] =	vst v63  }
0x307: {  	s6 =	sadd.s32 @!p4 $0x100, s1;
	s20 =	simm.s32 @!p4 $0xC800  }
0x308: {  	[hbm4b:s6+s5] =	stream.linear.scatter @!p4 [tilespmem:s20], [sflag:$0x1], $0x80, $0x38;
	[tilespmem:$0x14180] =	vst v63  }
0x309: {  	p5 =	seq.s32 @!p4 s29, $0xB;
	s6 =	sadd.s32 @!p4 $0x180, s1;
	s20 =	simm.s32 @!p4 $0xCC00  }
0x30a: {  	[hbm4b:s6+s5] =	stream.linear.scatter @!p4 [tilespmem:s20], [sflag:$0x1], $0x80, $0x38;
	[tilespmem:$0x14180] =	vst v63  }
0x30b: {  	p5 =	por p4, p5;
	s6 =	sadd.s32 @!p4 $0x200, s1;
	s20 =	simm.s32 @!p4 $0xD000  }
0x30c: {  	(v2sf) =	vpush @!p5 v7, $0xB;
	[hbm4b:s6+s5] =	stream.linear.scatter @!p4 [tilespmem:s20], [sflag:$0x1], $0x80, $0x38;
	[tilespmem:$0x14180] =	vst v63  }
0x30d: {  	s6 =	sadd.s32 @!p4 $0x280, s1;
	s20 =	simm.s32 @!p4 $0xD400  }
0x30e: {  	[hbm4b:s6+s5] =	stream.linear.scatter @!p4 [tilespmem:s20], [sflag:$0x1], $0x80, $0x38;
	[tilespmem:$0x14180] =	vst v63  }
0x30f: {  	s6 =	sadd.s32 @!p4 $0x300, s1;
	s20 =	simm.s32 @!p4 $0xD800  }
0x310: {  	[hbm4b:s6+s5] =	stream.linear.scatter @!p4 [tilespmem:s20], [sflag:$0x1], $0x80, $0x38;
	[tilespmem:$0x14180] =	vst v63  }
0x311: {  	s6 =	sadd.s32 @!p4 $0x380, s1;
	s20 =	simm.s32 @!p4 $0xDC00  }
0x312: {  	[hbm4b:s6+s5] =	stream.linear.scatter @!p4 [tilespmem:s20], [sflag:$0x1], $0x80, $0x38;
	[tilespmem:$0x14180] =	vst v63  }
0x313: {  	s6 =	sadd.s32 @!p4 $0x400, s1;
	s20 =	simm.s32 @!p4 $0xE000  }
0x314: {  	[hbm4b:s6+s5] =	stream.linear.scatter @!p4 [tilespmem:s20], [sflag:$0x1], $0x80, $0x38;
	[tilespmem:$0x14180] =	vst v63  }
0x315: {  	s6 =	sadd.s32 @!p4 $0x480, s1;
	s20 =	simm.s32 @!p4 $0xE400  }
0x316: {  	[hbm4b:s6+s5] =	stream.linear.scatter @!p4 [tilespmem:s20], [sflag:$0x1], $0x80, $0x38;
	[tilespmem:$0x14180] =	vst v63  }
0x317: {  	s6 =	sadd.s32 @!p4 $0x500, s1;
	s20 =	simm.s32 @!p4 $0xE800  }
0x318: {  	[hbm4b:s6+s5] =	stream.linear.scatter @!p4 [tilespmem:s20], [sflag:$0x1], $0x80, $0x38;
	[tilespmem:$0x14180] =	vst v63  }
0x319: {  	s1 =	sadd.s32 @!p4 $0x580, s1;
	s6 =	simm.s32 @!p4 $0xEC00  }
0x31a: {  	[hbm4b:s1+s5] =	stream.linear.scatter @!p4 [tilespmem:s6], [sflag:$0x1], $0x80, $0x38;
	[tilespmem:$0x14180] =	vst v63  }
0x31b: {  	s1 =	spop @!p5 (v2sf)  }
0x31c: {  	s5 =	sshrl.u32 @!p5 s1, $0x3  }
0x31d: {  	s1 =	sshll.u32 @!p5 s1, $0x7;
	s5 =	smul.u32 @!p5 $0x3000, s5  }
0x31e: {  	s1 =	sand.u32 @!p5 $0x380, s1  }
0x31f: {  	s1 =	sor.u32 @!p5 s1, s5  }
0x320: {  	s1 =	sshrl.u32 @!p5 s1, $0x3  }
0x321: {  	s6 =	simm.s32 @!p5 $0xC000;
	s5 =	simm.s32 @!p5 $0x0;
	s1 =	sadd.s32 @!p5 s3, s1  }
0x322: {  	[hbm4b:s1+s5] =	stream.linear.scatter @!p5 [tilespmem:s6], [sflag:$0x1], $0x80, $0x38;
	[tilespmem:$0x14180] =	vst v63  }
0x323: {  	s20 =	simm.s32 @!p5 $0xC400;
	s6 =	sadd.s32 @!p5 $0x80, s1  }
0x324: {  	[hbm4b:s6+s5] =	stream.linear.scatter @!p5 [tilespmem:s20], [sflag:$0x1], $0x80, $0x38;
	[tilespmem:$0x14180] =	vst v63  }
0x325: {  	s6 =	sadd.s32 @!p5 $0x100, s1;
	s20 =	simm.s32 @!p5 $0xC800  }
0x326: {  	[hbm4b:s6+s5] =	stream.linear.scatter @!p5 [tilespmem:s20], [sflag:$0x1], $0x80, $0x38;
	[tilespmem:$0x14180] =	vst v63  }
0x327: {  	p6 =	slt.u32 @!p5 s29, $0xD;
	s6 =	sadd.s32 @!p5 $0x180, s1;
	s20 =	simm.s32 @!p5 $0xCC00  }
0x328: {  	[hbm4b:s6+s5] =	stream.linear.scatter @!p5 [tilespmem:s20], [sflag:$0x1], $0x80, $0x38;
	[tilespmem:$0x14180] =	vst v63  }
0x329: {  	p6 =	por p5, p6;
	s6 =	sadd.s32 @!p5 $0x200, s1;
	s20 =	simm.s32 @!p5 $0xD000  }
0x32a: {  	(v2sf) =	vpush @!p6 v7, $0xC;
	[hbm4b:s6+s5] =	stream.linear.scatter @!p5 [tilespmem:s20], [sflag:$0x1], $0x80, $0x38;
	[tilespmem:$0x14180] =	vst v63  }
0x32b: {  	s6 =	sadd.s32 @!p5 $0x280, s1;
	s20 =	simm.s32 @!p5 $0xD400  }
0x32c: {  	[hbm4b:s6+s5] =	stream.linear.scatter @!p5 [tilespmem:s20], [sflag:$0x1], $0x80, $0x38;
	[tilespmem:$0x14180] =	vst v63  }
0x32d: {  	s6 =	sadd.s32 @!p5 $0x300, s1;
	s20 =	simm.s32 @!p5 $0xD800  }
0x32e: {  	[hbm4b:s6+s5] =	stream.linear.scatter @!p5 [tilespmem:s20], [sflag:$0x1], $0x80, $0x38;
	[tilespmem:$0x14180] =	vst v63  }
0x32f: {  	s6 =	sadd.s32 @!p5 $0x380, s1;
	s20 =	simm.s32 @!p5 $0xDC00  }
0x330: {  	[hbm4b:s6+s5] =	stream.linear.scatter @!p5 [tilespmem:s20], [sflag:$0x1], $0x80, $0x38;
	[tilespmem:$0x14180] =	vst v63  }
0x331: {  	s6 =	sadd.s32 @!p5 $0x400, s1;
	s20 =	simm.s32 @!p5 $0xE000  }
0x332: {  	[hbm4b:s6+s5] =	stream.linear.scatter @!p5 [tilespmem:s20], [sflag:$0x1], $0x80, $0x38;
	[tilespmem:$0x14180] =	vst v63  }
0x333: {  	s6 =	sadd.s32 @!p5 $0x480, s1;
	s20 =	simm.s32 @!p5 $0xE400  }
0x334: {  	[hbm4b:s6+s5] =	stream.linear.scatter @!p5 [tilespmem:s20], [sflag:$0x1], $0x80, $0x38;
	[tilespmem:$0x14180] =	vst v63  }
0x335: {  	s6 =	sadd.s32 @!p5 $0x500, s1;
	s20 =	simm.s32 @!p5 $0xE800  }
0x336: {  	[hbm4b:s6+s5] =	stream.linear.scatter @!p5 [tilespmem:s20], [sflag:$0x1], $0x80, $0x38;
	[tilespmem:$0x14180] =	vst v63  }
0x337: {  	s1 =	sadd.s32 @!p5 $0x580, s1;
	s6 =	simm.s32 @!p5 $0xEC00  }
0x338: {  	[hbm4b:s1+s5] =	stream.linear.scatter @!p5 [tilespmem:s6], [sflag:$0x1], $0x80, $0x38;
	[tilespmem:$0x14180] =	vst v63  }
0x339: {  	s1 =	spop @!p6 (v2sf)  }
0x33a: {  	s5 =	sshrl.u32 @!p6 s1, $0x3  }
0x33b: {  	s1 =	sshll.u32 @!p6 s1, $0x7;
	s5 =	smul.u32 @!p6 $0x3000, s5  }
0x33c: {  	s1 =	sand.u32 @!p6 $0x380, s1  }
0x33d: {  	s1 =	sor.u32 @!p6 s1, s5  }
0x33e: {  	s1 =	sshrl.u32 @!p6 s1, $0x3  }
0x33f: {  	s6 =	simm.s32 @!p6 $0xC000;
	s5 =	simm.s32 @!p6 $0x0;
	s1 =	sadd.s32 @!p6 s3, s1  }
0x340: {  	[hbm4b:s1+s5] =	stream.linear.scatter @!p6 [tilespmem:s6], [sflag:$0x1], $0x80, $0x38;
	[tilespmem:$0x14180] =	vst v63  }
0x341: {  	s20 =	simm.s32 @!p6 $0xC400;
	s6 =	sadd.s32 @!p6 $0x80, s1  }
0x342: {  	[hbm4b:s6+s5] =	stream.linear.scatter @!p6 [tilespmem:s20], [sflag:$0x1], $0x80, $0x38;
	[tilespmem:$0x14180] =	vst v63  }
0x343: {  	s6 =	sadd.s32 @!p6 $0x100, s1;
	s20 =	simm.s32 @!p6 $0xC800  }
0x344: {  	[hbm4b:s6+s5] =	stream.linear.scatter @!p6 [tilespmem:s20], [sflag:$0x1], $0x80, $0x38;
	[tilespmem:$0x14180] =	vst v63  }
0x345: {  	s6 =	sadd.s32 @!p6 $0x180, s1;
	s20 =	simm.s32 @!p6 $0xCC00  }
0x346: {  	[hbm4b:s6+s5] =	stream.linear.scatter @!p6 [tilespmem:s20], [sflag:$0x1], $0x80, $0x38;
	[tilespmem:$0x14180] =	vst v63  }
0x347: {  	s6 =	sadd.s32 @!p6 $0x200, s1;
	s20 =	simm.s32 @!p6 $0xD000  }
0x348: {  	[hbm4b:s6+s5] =	stream.linear.scatter @!p6 [tilespmem:s20], [sflag:$0x1], $0x80, $0x38;
	[tilespmem:$0x14180] =	vst v63  }
0x349: {  	s6 =	sadd.s32 @!p6 $0x280, s1;
	s20 =	simm.s32 @!p6 $0xD400  }
0x34a: {  	[hbm4b:s6+s5] =	stream.linear.scatter @!p6 [tilespmem:s20], [sflag:$0x1], $0x80, $0x38;
	[tilespmem:$0x14180] =	vst v63  }
0x34b: {  	s6 =	sadd.s32 @!p6 $0x300, s1;
	s20 =	simm.s32 @!p6 $0xD800  }
0x34c: {  	[hbm4b:s6+s5] =	stream.linear.scatter @!p6 [tilespmem:s20], [sflag:$0x1], $0x80, $0x38;
	[tilespmem:$0x14180] =	vst v63  }
0x34d: {  	s6 =	sadd.s32 @!p6 $0x380, s1;
	s20 =	simm.s32 @!p6 $0xDC00  }
0x34e: {  	[hbm4b:s6+s5] =	stream.linear.scatter @!p6 [tilespmem:s20], [sflag:$0x1], $0x80, $0x38;
	[tilespmem:$0x14180] =	vst v63  }
0x34f: {  	p0 =	seq.s32 @!p6 s29, $0xD;
	s6 =	sadd.s32 @!p6 $0x400, s1;
	s20 =	simm.s32 @!p6 $0xE000  }
0x350: {  	[hbm4b:s6+s5] =	stream.linear.scatter @!p6 [tilespmem:s20], [sflag:$0x1], $0x80, $0x38;
	[tilespmem:$0x14180] =	vst v63  }
0x351: {  	p0 =	por p6, p0;
	s6 =	sadd.s32 @!p6 $0x480, s1;
	s20 =	simm.s32 @!p6 $0xE400  }
0x352: {  	[hbm4b:s6+s5] =	stream.linear.scatter @!p6 [tilespmem:s20], [sflag:$0x1], $0x80, $0x38;
	[tilespmem:$0x14180] =	vst v63  }
.Ltmp13:
0x353: {  	_ = 	snop;
	(pc) =	sbr.rel @!p0 .LBB2_21-.Ltmp13, $4  }
0x354: {  	s6 =	sadd.s32 @!p6 $0x500, s1;
	s20 =	simm.s32 @!p6 $0xE800  }
0x355: {  	[hbm4b:s6+s5] =	stream.linear.scatter @!p6 [tilespmem:s20], [sflag:$0x1], $0x80, $0x38;
	[tilespmem:$0x14180] =	vst v63  }
0x356: {  	s1 =	sadd.s32 @!p6 $0x580, s1;
	s6 =	simm.s32 @!p6 $0xEC00  }
0x357: {  	[hbm4b:s1+s5] =	stream.linear.scatter @!p6 [tilespmem:s6], [sflag:$0x1], $0x80, $0x38;
	[tilespmem:$0x14180] =	vst v63  }
0x358: {  	p0 =	por $0x0, $0x0  }
0x359: {  	s6 =	sld [smem:$0x7F4];
	s1 =	simm.s32 @!p0 $0x0  }
0x35a: {  	s20 =	sld [smem:$0x7F4];
	s1 =	simm.s32 @p0 $0x1  }
0x35b: {  	[smem:$0x7EF] =	sst s1  }
0x35c: {  	s29 =	sld [smem:$0x7EF];
	_ =	sdelay $0x1  }
0x35d: {  	p0 =	seq.s32 s6, $0x1  }
0x35e: {  	p2 =	por @!p0 $0x0, $0x0;
	p0 =	seq.s32 s20, $0x1;
	p1 =	seq.s32 s29, $0x1  }
0x35f: {  	p1 =	por @!p0 p2, p2  }
0x360: {  	s1 =	simm.s32 @!p1 $0x0  }
0x361: {  	s1 =	simm.s32 @p1 $0x1  }
0x362: {  	[smem:$0x7EF] =	sst s1  }
0x363: {  	s6 =	sld [smem:$0x7EF];
	_ =	sdelay $0x2  }
0x364: {  	p1 =	seq.s32 s6, $0x1  }
0x365: {  	s1 =	simm.s32 @!p1 $0x0  }
0x366: {  	s5 =	sld [smem:$0x7F5];
	s1 =	simm.s32 @p1 $0x1  }
0x367: {  	[smem:$0x7EE] =	sst s1  }
0x368: {  	s1 =	sld [smem:$0x7EE];
	_ =	sdelay $0x1  }
0x369: {  	p0 =	seq.s32 s5, $0x1  }
0x36a: {  	p2 =	por @!p0 $0x0, $0x0;
	p1 =	seq.s32 s1, $0x1  }
0x36b: {  	p1 =	por @!p0 p2, p2  }
0x36c: {  	s20 =	sld [smem:$0x7F6];
	s1 =	simm.s32 @!p1 $0x0  }
0x36d: {  	s5 =	sld [smem:$0x7F6];
	s1 =	simm.s32 @p1 $0x1  }
0x36e: {  	[smem:$0x7EE] =	sst s1  }
0x36f: {  	s29 =	sld [smem:$0x7EE];
	_ =	sdelay $0x1  }
0x370: {  	s6 =	sld [smem:$0x7F5];
	p2 =	seq.s32 s5, $0x1;
	p1 =	seq.s32 s20, $0x1  }
0x371: {  	s20 =	sld [smem:$0x7F6];
	p0 =	por @!p1 $0x0, $0x0;
	p1 =	seq.s32 s29, $0x1  }
0x372: {  	s5 =	sld [smem:$0x7EF];
	p1 =	por @!p2 p0, p0  }
0x373: {  	s29 =	sld [smem:$0x7F5];
	p2 =	seq.s32 s6, $0x1;
	s1 =	simm.s32 @!p1 $0x0  }
0x374: {  	s1 =	simm.s32 @p1 $0x1;
	p1 =	por @!p2 $0x1, $0x1;
	p2 =	seq.s32 s20, $0x1  }
0x375: {  	s6 =	sld [smem:$0x7EE];
	p2 =	por @!p2 $0x1, $0x1  }
0x376: {  	[smem:$0x7F0] =	sst s1;
	s1 =	simm.s32 @!p2 $0x0  }
0x377: {  	s20 =	sld [smem:$0x7F6];
	s1 =	simm.s32 @p2 $0x1  }
0x378: {  	[smem:$0x7E1] =	sst s1  }
0x379: {  	p0 =	seq.s32 s5, $0x1;
	p2 =	seq.s32 s29, $0x1;
	s29 =	sld [smem:$0x7E1]  }
0x37a: {  	s5 =	sld [smem:$0x7F7];
	p0 =	por @!p2 p1, p1  }
0x37b: {  	p2 =	seq.s32 s20, $0x1;
	s20 =	sld [smem:$0x7F6];
	s1 =	simm.s32 @!p0 $0x0  }
0x37c: {  	s1 =	simm.s32 @p0 $0x1;
	p0 =	seq.s32 s6, $0x1;
	p1 =	seq.s32 s29, $0x1  }
0x37d: {  	s6 =	sld [smem:$0x7F0];
	p0 =	por @!p2 p1, p1  }
0x37e: {  	[smem:$0x7EF] =	sst s1;
	s1 =	simm.s32 @!p0 $0x0  }
0x37f: {  	s29 =	sld [smem:$0x7EF];
	s1 =	simm.s32 @p0 $0x1;
	p0 =	seq.s32 s5, $0x1  }
0x380: {  	s5 =	sld [smem:$0x7E1];
	p0 =	por @!p0 $0x0, $0x0  }
0x381: {  	[smem:$0x7EE] =	sst s1;
	s1 =	simm.s32 @!p0 $0x0  }
0x382: {  	s1 =	simm.s32 @p0 $0x1;
	p0 =	seq.s32 s6, $0x1;
	s6 =	sld [smem:$0x7F7]  }
0x383: {  	[smem:$0x7E2] =	sst s1;
	s1 =	simm.s32 @!p0 $0x0  }
0x384: {  	p1 =	seq.s32 s20, $0x1;
	s1 =	simm.s32 @p0 $0x1;
	s20 =	sld [smem:$0x7E2]  }
0x385: {  	p2 =	seq.s32 s29, $0x1;
	p0 =	seq.s32 s5, $0x1;
	[smem:$0x7ED] =	sst s1  }
0x386: {  	p2 =	por @!p1 p0, p0;
	s29 =	sld [smem:$0x7ED]  }
0x387: {  	s1 =	simm.s32 @!p2 $0x0  }
0x388: {  	s5 =	sld [smem:$0x7EE];
	s1 =	simm.s32 @p2 $0x1  }
0x389: {  	p2 =	seq.s32 s6, $0x1;
	p1 =	seq.s32 s20, $0x1;
	p0 =	seq.s32 s29, $0x1  }
0x38a: {  	[smem:$0x7EF] =	sst s1;
	p0 =	por @!p2 p1, p1  }
0x38b: {  	s6 =	sld [smem:$0x7EF];
	s1 =	simm.s32 @!p0 $0x0  }
0x38c: {  	p1 =	seq.s32 s5, $0x1;
	s1 =	simm.s32 @p0 $0x1;
	p0 =	por @!p2 $0x1, $0x1  }
0x38d: {  	p1 =	por @!p2 p0, p0  }
0x38e: {  	[smem:$0x7ED] =	sst s1;
	s1 =	simm.s32 @!p1 $0x0  }
0x38f: {  	p0 =	por @!p2 $0x1, $0x1;
	s1 =	simm.s32 @p1 $0x1;
	p1 =	seq.s32 s6, $0x1  }
0x390: {  	p1 =	por @!p2 p0, p0;
	p0 =	por @!p2 $0x1, $0x1  }
0x391: {  	[smem:$0x7EE] =	sst s1;
	s1 =	simm.s32 @!p0 $0x0  }
0x392: {  	s20 =	sld [smem:$0x7F0];
	s1 =	simm.s32 @p0 $0x1  }
0x393: {  	[smem:$0x7E3] =	sst s1  }
0x394: {  	s29 =	sld [smem:$0x7E3];
	_ =	sdelay $0x1  }
0x395: {  	s5 =	sld [smem:$0x7F8];
	p0 =	por p2, p2;
	s1 =	simm.s32 @!p1 $0x0  }
0x396: {  	s1 =	simm.s32 @p1 $0x1;
	p1 =	seq.s32 s20, $0x1;
	p2 =	seq.s32 s29, $0x1  }
0x397: {  	p1 =	por @!p0 p2, p2  }
0x398: {  	[smem:$0x7EF] =	sst s1;
	p0 =	seq.s32 s5, $0x1;
	s1 =	simm.s32 @!p1 $0x0  }
0x399: {  	s6 =	sld [smem:$0x7ED];
	s1 =	simm.s32 @p1 $0x1;
	p1 =	por @!p0 $0x1, $0x1  }
0x39a: {  	[smem:$0x7F0] =	sst s1;
	s1 =	simm.s32 @!p1 $0x0  }
0x39b: {  	s20 =	sld [smem:$0x7F8];
	p0 =	por @!p0 $0x0, $0x0;
	s1 =	simm.s32 @p1 $0x1  }
0x39c: {  	[smem:$0x7E5] =	sst s1;
	s1 =	simm.s32 @!p0 $0x0  }
0x39d: {  	s5 =	sld [smem:$0x7F8];
	s1 =	simm.s32 @p0 $0x1  }
0x39e: {  	[smem:$0x7E4] =	sst s1  }
0x39f: {  	s29 =	sld [smem:$0x7E4]  }
0x3a0: {  	p1 =	seq.s32 s20, $0x1;
	s20 =	sld [smem:$0x7ED]  }
0x3a1: {  	p0 =	seq.s32 s6, $0x1;
	s6 =	sld [smem:$0x7E5]  }
0x3a2: {  	p2 =	seq.s32 s29, $0x1;
	s29 =	sld [smem:$0x7EE]  }
0x3a3: {  	p0 =	por @!p1 p2, p2;
	p1 =	seq.s32 s5, $0x1;
	s5 =	sld [smem:$0x7F8]  }
0x3a4: {  	p2 =	seq.s32 s20, $0x1;
	s20 =	sld [smem:$0x7F8];
	s1 =	simm.s32 @!p0 $0x0  }
0x3a5: {  	s1 =	simm.s32 @p0 $0x1;
	p0 =	seq.s32 s6, $0x1;
	s6 =	sld [smem:$0x7E5]  }
0x3a6: {  	[smem:$0x7F1] =	sst s1  }
0x3a7: {  	p2 =	por @!p1 p0, p0;
	p0 =	seq.s32 s29, $0x1;
	s29 =	sld [smem:$0x7E5]  }
0x3a8: {  	p1 =	seq.s32 s5, $0x1;
	s5 =	sld [smem:$0x7EF];
	s1 =	simm.s32 @!p2 $0x0  }
0x3a9: {  	s1 =	simm.s32 @p2 $0x1;
	p2 =	seq.s32 s6, $0x1;
	s6 =	sld [smem:$0x7F9]  }
0x3aa: {  	[smem:$0x7ED] =	sst s1;
	p0 =	por @!p1 p2, p2;
	p1 =	seq.s32 s29, $0x1  }
0x3ab: {  	p2 =	seq.s32 s5, $0x1;
	s29 =	sld [smem:$0x7F0];
	s1 =	simm.s32 @!p0 $0x0  }
0x3ac: {  	s5 =	sld [smem:$0x7F8];
	s1 =	simm.s32 @p0 $0x1;
	p0 =	seq.s32 s20, $0x1  }
0x3ad: {  	s20 =	sld [smem:$0x7F1];
	p2 =	por @!p0 p1, p1  }
0x3ae: {  	[smem:$0x7EE] =	sst s1;
	p0 =	seq.s32 s6, $0x1;
	s1 =	simm.s32 @!p2 $0x0  }
0x3af: {  	s6 =	sld [smem:$0x7E5];
	p0 =	por @!p0 $0x0, $0x0;
	s1 =	simm.s32 @p2 $0x1  }
0x3b0: {  	p1 =	seq.s32 s29, $0x1;
	[smem:$0x7EF] =	sst s1;
	s1 =	simm.s32 @!p0 $0x0  }
0x3b1: {  	s29 =	sld [smem:$0x7F9];
	s1 =	simm.s32 @p0 $0x1;
	p0 =	seq.s32 s20, $0x1  }
0x3b2: {  	[smem:$0x7E6] =	sst s1;
	s1 =	simm.s32 @!p0 $0x0  }
0x3b3: {  	s1 =	simm.s32 @p0 $0x1;
	p0 =	seq.s32 s5, $0x1;
	s5 =	sld [smem:$0x7E6]  }
0x3b4: {  	[smem:$0x7EC] =	sst s1  }
0x3b5: {  	p2 =	seq.s32 s6, $0x1;
	s20 =	sld [smem:$0x7EC]  }
0x3b6: {  	p1 =	por @!p0 p2, p2  }
0x3b7: {  	s6 =	sld [smem:$0x7ED];
	p0 =	seq.s32 s29, $0x1;
	s1 =	simm.s32 @!p1 $0x0  }
0x3b8: {  	s1 =	simm.s32 @p1 $0x1;
	p2 =	seq.s32 s5, $0x1;
	p1 =	seq.s32 s20, $0x1  }
0x3b9: {  	[smem:$0x7F0] =	sst s1;
	p1 =	por @!p0 p2, p2  }
0x3ba: {  	s20 =	sld [smem:$0x7EE];
	s1 =	simm.s32 @!p1 $0x0  }
0x3bb: {  	p2 =	por @!p0 $0x1, $0x1;
	s1 =	simm.s32 @p1 $0x1;
	p1 =	seq.s32 s6, $0x1  }
0x3bc: {  	p1 =	por @!p0 p2, p2  }
0x3bd: {  	[smem:$0x7EC] =	sst s1;
	s1 =	simm.s32 @!p1 $0x0  }
0x3be: {  	s29 =	sld [smem:$0x7EF];
	s1 =	simm.s32 @p1 $0x1;
	p1 =	seq.s32 s20, $0x1  }
0x3bf: {  	p1 =	por @!p0 p2, p2  }
0x3c0: {  	[smem:$0x7ED] =	sst s1;
	s1 =	simm.s32 @!p1 $0x0  }
0x3c1: {  	s5 =	sld [smem:$0x7F0];
	s1 =	simm.s32 @p1 $0x1;
	p1 =	seq.s32 s29, $0x1  }
0x3c2: {  	p1 =	por @!p0 p2, p2  }
0x3c3: {  	[smem:$0x7EE] =	sst s1;
	s1 =	simm.s32 @!p1 $0x0  }
0x3c4: {  	s6 =	sld [smem:$0x7F1];
	s1 =	simm.s32 @p1 $0x1;
	p1 =	seq.s32 s5, $0x1  }
0x3c5: {  	p1 =	por @!p0 p2, p2  }
0x3c6: {  	[smem:$0x7EF] =	sst s1;
	s1 =	simm.s32 @!p1 $0x0  }
0x3c7: {  	s29 =	sld [smem:$0x7EC];
	s1 =	simm.s32 @p1 $0x1;
	p1 =	seq.s32 s6, $0x1  }
0x3c8: {  	p1 =	por @!p0 p2, p2  }
0x3c9: {  	[smem:$0x7F0] =	sst s1;
	s1 =	simm.s32 @!p1 $0x0  }
0x3ca: {  	s1 =	simm.s32 @p1 $0x1;
	p1 =	seq.s32 s29, $0x1  }
0x3cb: {  	[smem:$0x7F1] =	sst s1;
	s1 =	simm.s32 @!p1 $0x0  }
0x3cc: {  	s20 =	sld [smem:$0x7FA];
	s1 =	simm.s32 @p1 $0x1  }
0x3cd: {  	[smem:$0x7F2] =	sst s1  }
0x3ce: {  	s1 =	sld [smem:$0x7F2];
	_ =	sdelay $0x1  }
0x3cf: {  	p0 =	seq.s32 s20, $0x1  }
0x3d0: {  	s5 =	sld [smem:$0x7EC];
	p2 =	por @!p0 $0x0, $0x0;
	p1 =	seq.s32 s1, $0x1  }
0x3d1: {  	p1 =	por @!p0 p2, p2  }
0x3d2: {  	s6 =	sld [smem:$0x7ED];
	s1 =	simm.s32 @!p1 $0x0  }
0x3d3: {  	p2 =	seq.s32 s5, $0x1;
	s1 =	simm.s32 @p1 $0x1;
	p1 =	por @!p0 $0x1, $0x1  }
0x3d4: {  	s20 =	sld [smem:$0x7EE];
	p2 =	por @!p0 p1, p1  }
0x3d5: {  	[smem:$0x7F2] =	sst s1;
	p1 =	seq.s32 s6, $0x1;
	s1 =	simm.s32 @!p2 $0x0  }
0x3d6: {  	s1 =	simm.s32 @p2 $0x1;
	p2 =	por p0, p0;
	p0 =	por @!p0 $0x1, $0x1  }
0x3d7: {  	s29 =	sld [smem:$0x7EF];
	p1 =	por @!p2 p0, p0  }
0x3d8: {  	[smem:$0x7EC] =	sst s1;
	s1 =	simm.s32 @!p1 $0x0  }
0x3d9: {  	p0 =	por @!p2 $0x1, $0x1;
	s1 =	simm.s32 @p1 $0x1;
	p1 =	seq.s32 s20, $0x1  }
0x3da: {  	s5 =	sld [smem:$0x7F0];
	p1 =	por @!p2 p0, p0  }
0x3db: {  	[smem:$0x7ED] =	sst s1;
	s1 =	simm.s32 @!p1 $0x0  }
0x3dc: {  	p0 =	por @!p2 $0x1, $0x1;
	s1 =	simm.s32 @p1 $0x1;
	p1 =	seq.s32 s29, $0x1  }
0x3dd: {  	s6 =	sld [smem:$0x7FB];
	p1 =	por @!p2 p0, p0  }
0x3de: {  	[smem:$0x7EE] =	sst s1;
	s1 =	simm.s32 @!p1 $0x0  }
0x3df: {  	p0 =	por @!p2 $0x1, $0x1;
	s1 =	simm.s32 @p1 $0x1;
	p1 =	seq.s32 s5, $0x1  }
0x3e0: {  	p1 =	por @!p2 p0, p0  }
0x3e1: {  	[smem:$0x7EF] =	sst s1;
	s1 =	simm.s32 @!p1 $0x0  }
0x3e2: {  	s20 =	sld [smem:$0x7F2];
	s1 =	simm.s32 @p1 $0x1;
	p1 =	seq.s32 s6, $0x1  }
0x3e3: {  	s29 =	sld [smem:$0x7F1];
	p0 =	por @!p1 $0x0, $0x0  }
0x3e4: {  	[smem:$0x7F0] =	sst s1;
	s1 =	simm.s32 @!p0 $0x0  }
0x3e5: {  	s5 =	sld [smem:$0x7FB];
	p1 =	seq.s32 s20, $0x1;
	s1 =	simm.s32 @p0 $0x1  }
0x3e6: {  	[smem:$0x7E7] =	sst s1;
	s1 =	simm.s32 @!p1 $0x0  }
0x3e7: {  	s1 =	simm.s32 @p1 $0x1;
	s20 =	sld [smem:$0x7E7]  }
0x3e8: {  	p0 =	por @!p2 $0x1, $0x1;
	p1 =	seq.s32 s29, $0x1;
	[smem:$0x7EB] =	sst s1  }
0x3e9: {  	p1 =	por @!p2 p0, p0;
	s6 =	sld [smem:$0x7EB]  }
0x3ea: {  	s1 =	simm.s32 @!p1 $0x0  }
0x3eb: {  	s29 =	sld [smem:$0x7EC];
	s1 =	simm.s32 @p1 $0x1  }
0x3ec: {  	p1 =	seq.s32 s5, $0x1;
	p2 =	seq.s32 s20, $0x1;
	p0 =	seq.s32 s6, $0x1  }
0x3ed: {  	s5 =	sld [smem:$0x7ED];
	p0 =	por @!p1 p2, p2  }
0x3ee: {  	[smem:$0x7F1] =	sst s1;
	s1 =	simm.s32 @!p0 $0x0  }
0x3ef: {  	p2 =	por @!p1 $0x1, $0x1;
	s1 =	simm.s32 @p0 $0x1;
	p0 =	seq.s32 s29, $0x1  }
0x3f0: {  	p0 =	por @!p1 p2, p2  }
0x3f1: {  	[smem:$0x7EB] =	sst s1;
	s1 =	simm.s32 @!p0 $0x0  }
0x3f2: {  	s6 =	sld [smem:$0x7EE];
	s1 =	simm.s32 @p0 $0x1;
	p0 =	seq.s32 s5, $0x1  }
0x3f3: {  	p0 =	por @!p1 p2, p2  }
0x3f4: {  	[smem:$0x7EC] =	sst s1;
	s1 =	simm.s32 @!p0 $0x0  }
0x3f5: {  	s20 =	sld [smem:$0x7EF];
	s1 =	simm.s32 @p0 $0x1;
	p0 =	seq.s32 s6, $0x1  }
0x3f6: {  	p0 =	por @!p1 p2, p2  }
0x3f7: {  	[smem:$0x7ED] =	sst s1;
	s1 =	simm.s32 @!p0 $0x0  }
0x3f8: {  	s29 =	sld [smem:$0x7F0];
	s1 =	simm.s32 @p0 $0x1;
	p0 =	seq.s32 s20, $0x1  }
0x3f9: {  	p0 =	por @!p1 p2, p2  }
0x3fa: {  	[smem:$0x7EE] =	sst s1;
	s1 =	simm.s32 @!p0 $0x0  }
0x3fb: {  	s5 =	sld [smem:$0x7F1];
	s1 =	simm.s32 @p0 $0x1;
	p0 =	seq.s32 s29, $0x1  }
0x3fc: {  	p0 =	por @!p1 p2, p2  }
0x3fd: {  	[smem:$0x7EF] =	sst s1;
	s1 =	simm.s32 @!p0 $0x0  }
0x3fe: {  	s6 =	sld [smem:$0x7F2];
	s1 =	simm.s32 @p0 $0x1;
	p0 =	seq.s32 s5, $0x1  }
0x3ff: {  	s20 =	sld [smem:$0x7FC];
	p0 =	por @!p1 p2, p2  }
0x400: {  	[smem:$0x7F0] =	sst s1;
	s1 =	simm.s32 @!p0 $0x0  }
0x401: {  	s29 =	sld [smem:$0x7EB];
	s1 =	simm.s32 @p0 $0x1;
	p0 =	seq.s32 s6, $0x1  }
0x402: {  	s5 =	sld [smem:$0x7EB];
	p0 =	por @!p1 p2, p2  }
0x403: {  	[smem:$0x7F1] =	sst s1;
	p2 =	seq.s32 s20, $0x1;
	s1 =	simm.s32 @!p0 $0x0  }
0x404: {  	p1 =	seq.s32 s29, $0x1;
	s1 =	simm.s32 @p0 $0x1;
	p0 =	por @!p2 $0x0, $0x0  }
0x405: {  	s6 =	sld [smem:$0x7EC];
	p1 =	por @!p2 p0, p0  }
0x406: {  	[smem:$0x7F2] =	sst s1;
	s1 =	simm.s32 @!p1 $0x0  }
0x407: {  	p0 =	seq.s32 s5, $0x1;
	s1 =	simm.s32 @p1 $0x1;
	p1 =	por @!p2 $0x1, $0x1  }
0x408: {  	p0 =	por @!p2 p1, p1  }
0x409: {  	[smem:$0x7E9] =	sst s1;
	s1 =	simm.s32 @!p0 $0x0  }
0x40a: {  	s20 =	sld [smem:$0x7ED];
	s1 =	simm.s32 @p0 $0x1;
	p0 =	seq.s32 s6, $0x1  }
0x40b: {  	p0 =	por @!p2 p1, p1  }
0x40c: {  	[smem:$0x7EB] =	sst s1;
	s1 =	simm.s32 @!p0 $0x0  }
0x40d: {  	s29 =	sld [smem:$0x7EE];
	s1 =	simm.s32 @p0 $0x1;
	p0 =	seq.s32 s20, $0x1  }
0x40e: {  	p0 =	por @!p2 p1, p1  }
0x40f: {  	[smem:$0x7EC] =	sst s1;
	s1 =	simm.s32 @!p0 $0x0  }
0x410: {  	s5 =	sld [smem:$0x7EF];
	s1 =	simm.s32 @p0 $0x1;
	p0 =	seq.s32 s29, $0x1  }
0x411: {  	p0 =	por @!p2 p1, p1  }
0x412: {  	[smem:$0x7ED] =	sst s1;
	s1 =	simm.s32 @!p0 $0x0  }
0x413: {  	s6 =	sld [smem:$0x7F0];
	s1 =	simm.s32 @p0 $0x1;
	p0 =	seq.s32 s5, $0x1  }
0x414: {  	p0 =	por @!p2 p1, p1  }
0x415: {  	[smem:$0x7EE] =	sst s1;
	s1 =	simm.s32 @!p0 $0x0  }
0x416: {  	s20 =	sld [smem:$0x7F1];
	s1 =	simm.s32 @p0 $0x1;
	p0 =	seq.s32 s6, $0x1  }
0x417: {  	p0 =	por @!p2 p1, p1  }
0x418: {  	[smem:$0x7EF] =	sst s1;
	s1 =	simm.s32 @!p0 $0x0  }
0x419: {  	s29 =	sld [smem:$0x7E9];
	s1 =	simm.s32 @p0 $0x1;
	p0 =	seq.s32 s20, $0x1  }
0x41a: {  	s5 =	sld [smem:$0x7F2];
	p0 =	por @!p2 p1, p1;
	p1 =	por @!p2 $0x1, $0x1  }
0x41b: {  	[smem:$0x7F0] =	sst s1;
	s1 =	simm.s32 @!p1 $0x0  }
0x41c: {  	s20 =	sld [smem:$0x7FC];
	s1 =	simm.s32 @p1 $0x1  }
0x41d: {  	[smem:$0x7E8] =	sst s1;
	s1 =	simm.s32 @!p0 $0x0  }
0x41e: {  	s1 =	simm.s32 @p0 $0x1;
	p0 =	seq.s32 s29, $0x1;
	s6 =	sld [smem:$0x7E8]  }
0x41f: {  	[smem:$0x7F1] =	sst s1;
	s1 =	simm.s32 @!p0 $0x0  }
0x420: {  	s1 =	simm.s32 @p0 $0x1  }
0x421: {  	p2 =	seq.s32 s20, $0x1;
	[smem:$0x7EA] =	sst s1  }
0x422: {  	p0 =	seq.s32 s5, $0x1;
	p1 =	seq.s32 s6, $0x1;
	s29 =	sld [smem:$0x7EA]  }
0x423: {  	p0 =	por @!p2 p1, p1  }
0x424: {  	s5 =	sld [smem:$0x7EB];
	s1 =	simm.s32 @!p0 $0x0  }
0x425: {  	s1 =	simm.s32 @p0 $0x1;
	p0 =	por @!p3 $0x0, $0x0;
	p1 =	seq.s32 s29, $0x1  }
0x426: {  	s6 =	sld [smem:$0x7EC];
	p1 =	por @!p3 p0, p0  }
0x427: {  	[smem:$0x7F2] =	sst s1;
	s1 =	simm.s32 @!p1 $0x0  }
0x428: {  	p0 =	seq.s32 s5, $0x1;
	s1 =	simm.s32 @p1 $0x1;
	p1 =	por @!p3 $0x1, $0x1  }
0x429: {  	s20 =	sld [smem:$0x7ED];
	p0 =	por @!p3 p1, p1  }
0x42a: {  	[smem:$0x7EA] =	sst s1;
	s1 =	simm.s32 @!p0 $0x0  }
0x42b: {  	s1 =	simm.s32 @p0 $0x1;
	p0 =	seq.s32 s6, $0x1  }
0x42c: {  	s29 =	sld [smem:$0x7EE];
	p0 =	por @!p3 p1, p1  }
0x42d: {  	p2 =	seq.s32 s20, $0x1;
	[smem:$0x7EB] =	sst s1;
	s1 =	simm.s32 @!p0 $0x0  }
0x42e: {  	p2 =	por @!p3 p1, p1;
	s1 =	simm.s32 @p0 $0x1  }
0x42f: {  	[smem:$0x7EC] =	sst s1;
	s1 =	simm.s32 @!p2 $0x0  }
0x430: {  	s5 =	sld [smem:$0x7EF];
	s1 =	simm.s32 @p2 $0x1;
	p2 =	seq.s32 s29, $0x1  }
0x431: {  	p2 =	por @!p3 p1, p1  }
0x432: {  	[smem:$0x7ED] =	sst s1;
	s1 =	simm.s32 @!p2 $0x0  }
0x433: {  	s6 =	sld [smem:$0x7F0];
	s1 =	simm.s32 @p2 $0x1;
	p2 =	seq.s32 s5, $0x1  }
0x434: {  	p2 =	por @!p3 p1, p1  }
0x435: {  	[smem:$0x7EE] =	sst s1;
	s1 =	simm.s32 @!p2 $0x0  }
0x436: {  	s20 =	sld [smem:$0x7F1];
	s1 =	simm.s32 @p2 $0x1;
	p2 =	seq.s32 s6, $0x1  }
0x437: {  	s29 =	sld [smem:$0x7F2];
	p2 =	por @!p3 p1, p1  }
0x438: {  	[smem:$0x7EF] =	sst s1;
	s1 =	simm.s32 @!p2 $0x0  }
0x439: {  	s1 =	simm.s32 @p2 $0x1;
	p2 =	seq.s32 s20, $0x1  }
0x43a: {  	s5 =	sld [smem:$0x7E9];
	p2 =	por @!p3 p1, p1  }
0x43b: {  	p0 =	seq.s32 s29, $0x1;
	[smem:$0x7F0] =	sst s1;
	s1 =	simm.s32 @!p2 $0x0  }
0x43c: {  	p0 =	por @!p3 p1, p1;
	s6 =	sld [smem:$0x7EA];
	s1 =	simm.s32 @p2 $0x1  }
0x43d: {  	[smem:$0x7F1] =	sst s1;
	s1 =	simm.s32 @!p0 $0x0  }
0x43e: {  	p1 =	por @!p3 $0x1, $0x1;
	s1 =	simm.s32 @p0 $0x1;
	p0 =	seq.s32 s5, $0x1  }
0x43f: {  	s29 =	sld [smem:$0x7EB];
	p0 =	por @!p3 p1, p1  }
0x440: {  	[smem:$0x7F2] =	sst s1;
	p1 =	seq.s32 s6, $0x1;
	s1 =	simm.s32 @!p0 $0x0  }
0x441: {  	p3 =	por @!p4 $0x0, $0x0;
	s1 =	simm.s32 @p0 $0x1;
	p0 =	por p1, p1  }
0x442: {  	s5 =	sld [smem:$0x7EC];
	p0 =	por @!p4 p3, p3  }
0x443: {  	p2 =	por @!p4 $0x1, $0x1;
	[smem:$0x7E9] =	sst s1;
	s1 =	simm.s32 @!p0 $0x0  }
0x444: {  	s6 =	sld [smem:$0x7ED];
	p1 =	por @!p4 p2, p2;
	s1 =	simm.s32 @p0 $0x1  }
0x445: {  	p0 =	seq.s32 s29, $0x1;
	[smem:$0x7F3] =	sst s1;
	s1 =	simm.s32 @!p1 $0x0  }
0x446: {  	s20 =	sld [smem:$0x7E9];
	p0 =	por @!p4 p2, p2;
	s1 =	simm.s32 @p1 $0x1  }
0x447: {  	[smem:$0x7EA] =	sst s1;
	s1 =	simm.s32 @!p0 $0x0  }
0x448: {  	s1 =	simm.s32 @p0 $0x1;
	p0 =	seq.s32 s5, $0x1  }
0x449: {  	p1 =	seq.s32 s20, $0x1;
	s20 =	sld [smem:$0x7EE];
	p0 =	por @!p4 p2, p2  }
0x44a: {  	p3 =	seq.s32 s6, $0x1;
	[smem:$0x7EB] =	sst s1;
	s1 =	simm.s32 @!p0 $0x0  }
0x44b: {  	p3 =	por @!p4 p2, p2;
	s1 =	simm.s32 @p0 $0x1  }
0x44c: {  	[smem:$0x7EC] =	sst s1;
	s1 =	simm.s32 @!p3 $0x0  }
0x44d: {  	s29 =	sld [smem:$0x7EF];
	s1 =	simm.s32 @p3 $0x1;
	p3 =	seq.s32 s20, $0x1  }
0x44e: {  	p3 =	por @!p4 p2, p2  }
0x44f: {  	[smem:$0x7ED] =	sst s1;
	s1 =	simm.s32 @!p3 $0x0  }
0x450: {  	s5 =	sld [smem:$0x7F0];
	s1 =	simm.s32 @p3 $0x1;
	p3 =	seq.s32 s29, $0x1  }
0x451: {  	p3 =	por @!p4 p2, p2  }
0x452: {  	[smem:$0x7EE] =	sst s1;
	s1 =	simm.s32 @!p3 $0x0  }
0x453: {  	s6 =	sld [smem:$0x7F1];
	s1 =	simm.s32 @p3 $0x1;
	p3 =	seq.s32 s5, $0x1  }
0x454: {  	s20 =	sld [smem:$0x7F2];
	p3 =	por @!p4 p2, p2  }
0x455: {  	[smem:$0x7EF] =	sst s1;
	s1 =	simm.s32 @!p3 $0x0  }
0x456: {  	s1 =	simm.s32 @p3 $0x1;
	p3 =	seq.s32 s6, $0x1  }
0x457: {  	s5 =	sld [smem:$0x7EA];
	p3 =	por @!p4 p2, p2  }
0x458: {  	p0 =	seq.s32 s20, $0x1;
	[smem:$0x7F0] =	sst s1;
	s1 =	simm.s32 @!p3 $0x0  }
0x459: {  	p0 =	por @!p4 p2, p2;
	s6 =	sld [smem:$0x7EB];
	s1 =	simm.s32 @p3 $0x1  }
0x45a: {  	[smem:$0x7F1] =	sst s1;
	s1 =	simm.s32 @!p0 $0x0  }
0x45b: {  	p3 =	por @!p5 $0x1, $0x1;
	s1 =	simm.s32 @p0 $0x1;
	p0 =	seq.s32 s5, $0x1  }
0x45c: {  	s29 =	sld [smem:$0x7F3];
	p0 =	por @!p5 p3, p3  }
0x45d: {  	p1 =	por @!p4 p2, p2;
	[smem:$0x7F2] =	sst s1;
	s1 =	simm.s32 @!p0 $0x0  }
0x45e: {  	s20 =	sld [smem:$0x7EC];
	s1 =	simm.s32 @p0 $0x1;
	p0 =	seq.s32 s6, $0x1  }
0x45f: {  	p2 =	seq.s32 s29, $0x1;
	s29 =	sld [smem:$0x7ED];
	p0 =	por @!p5 p3, p3  }
0x460: {  	[smem:$0x7EA] =	sst s1;
	s1 =	simm.s32 @!p0 $0x0  }
0x461: {  	p4 =	por @!p5 $0x0, $0x0;
	s1 =	simm.s32 @p0 $0x1;
	p0 =	seq.s32 s20, $0x1  }
0x462: {  	p2 =	por @!p5 p4, p4;
	s5 =	sld [smem:$0x7EE];
	p0 =	por @!p5 p3, p3  }
0x463: {  	p4 =	seq.s32 s29, $0x1;
	[smem:$0x7EB] =	sst s1;
	s1 =	simm.s32 @!p0 $0x0  }
0x464: {  	p4 =	por @!p5 p3, p3;
	s1 =	simm.s32 @p0 $0x1  }
0x465: {  	[smem:$0x7EC] =	sst s1;
	s1 =	simm.s32 @!p4 $0x0  }
0x466: {  	s6 =	sld [smem:$0x7EF];
	s1 =	simm.s32 @p4 $0x1;
	p4 =	seq.s32 s5, $0x1  }
0x467: {  	p4 =	por @!p5 p3, p3  }
0x468: {  	[smem:$0x7ED] =	sst s1;
	s1 =	simm.s32 @!p4 $0x0  }
0x469: {  	s20 =	sld [smem:$0x7F0];
	s1 =	simm.s32 @p4 $0x1;
	p4 =	seq.s32 s6, $0x1  }
0x46a: {  	p4 =	por @!p5 p3, p3  }
0x46b: {  	[smem:$0x7EE] =	sst s1;
	s1 =	simm.s32 @!p4 $0x0  }
0x46c: {  	s29 =	sld [smem:$0x7F1];
	s1 =	simm.s32 @p4 $0x1;
	p4 =	seq.s32 s20, $0x1  }
0x46d: {  	s5 =	sld [smem:$0x7F2];
	p4 =	por @!p5 p3, p3  }
0x46e: {  	[smem:$0x7EF] =	sst s1;
	s1 =	simm.s32 @!p4 $0x0  }
0x46f: {  	s1 =	simm.s32 @p4 $0x1;
	p4 =	seq.s32 s29, $0x1  }
0x470: {  	s6 =	sld [smem:$0x7F3];
	p4 =	por @!p5 p3, p3  }
0x471: {  	p0 =	seq.s32 s5, $0x1;
	[smem:$0x7F0] =	sst s1;
	s1 =	simm.s32 @!p4 $0x0  }
0x472: {  	p0 =	por @!p5 p3, p3;
	s1 =	simm.s32 @p4 $0x1  }
0x473: {  	[smem:$0x7F1] =	sst s1;
	s1 =	simm.s32 @!p0 $0x0  }
0x474: {  	s20 =	sld [smem:$0x7EA];
	s1 =	simm.s32 @p0 $0x1;
	p0 =	seq.s32 s6, $0x1  }
0x475: {  	s29 =	sld [smem:$0x7EB];
	p0 =	por @!p5 p3, p3  }
0x476: {  	[smem:$0x7F2] =	sst s1;
	s1 =	simm.s32 @!p0 $0x0  }
0x477: {  	p4 =	por @!p6 $0x1, $0x1;
	s1 =	simm.s32 @p0 $0x1;
	p0 =	seq.s32 s20, $0x1  }
0x478: {  	p0 =	por @!p6 p4, p4  }
0x479: {  	[smem:$0x7F3] =	sst s1;
	s1 =	simm.s32 @!p0 $0x0  }
0x47a: {  	s5 =	sld [smem:$0x7EC];
	s1 =	simm.s32 @p0 $0x1;
	p0 =	seq.s32 s29, $0x1  }
0x47b: {  	p0 =	por @!p6 p4, p4  }
0x47c: {  	[smem:$0x7EA] =	sst s1;
	s1 =	simm.s32 @!p0 $0x0  }
0x47d: {  	s6 =	sld [smem:$0x7ED];
	s1 =	simm.s32 @p0 $0x1;
	p0 =	seq.s32 s5, $0x1  }
0x47e: {  	p0 =	por @!p6 p4, p4  }
0x47f: {  	[smem:$0x7EB] =	sst s1;
	s1 =	simm.s32 @!p0 $0x0  }
0x480: {  	s20 =	sld [smem:$0x7EE];
	s1 =	simm.s32 @p0 $0x1;
	p0 =	seq.s32 s6, $0x1  }
0x481: {  	p0 =	por @!p6 p4, p4  }
0x482: {  	[smem:$0x7EC] =	sst s1;
	s1 =	simm.s32 @!p0 $0x0  }
0x483: {  	s29 =	sld [smem:$0x7EF];
	s1 =	simm.s32 @p0 $0x1;
	p0 =	seq.s32 s20, $0x1  }
0x484: {  	p0 =	por @!p6 p4, p4  }
0x485: {  	[smem:$0x7ED] =	sst s1;
	s1 =	simm.s32 @!p0 $0x0  }
0x486: {  	s5 =	sld [smem:$0x7F0];
	s1 =	simm.s32 @p0 $0x1;
	p0 =	seq.s32 s29, $0x1  }
0x487: {  	p0 =	por @!p6 p4, p4  }
0x488: {  	[smem:$0x7EE] =	sst s1;
	s1 =	simm.s32 @!p0 $0x0  }
0x489: {  	s6 =	sld [smem:$0x7F1];
	s1 =	simm.s32 @p0 $0x1;
	p0 =	seq.s32 s5, $0x1  }
0x48a: {  	p0 =	por @!p6 p4, p4  }
0x48b: {  	[smem:$0x7EF] =	sst s1;
	s1 =	simm.s32 @!p0 $0x0  }
0x48c: {  	s20 =	sld [smem:$0x7F2];
	s1 =	simm.s32 @p0 $0x1;
	p0 =	seq.s32 s6, $0x1  }
0x48d: {  	p0 =	por @!p6 p4, p4  }
0x48e: {  	[smem:$0x7F0] =	sst s1;
	s1 =	simm.s32 @!p0 $0x0  }
0x48f: {  	s29 =	sld [smem:$0x7F3];
	s1 =	simm.s32 @p0 $0x1;
	p0 =	seq.s32 s20, $0x1  }
0x490: {  	p0 =	por @!p6 p4, p4  }
0x491: {  	p1 =	por @!p5 p3, p3;
	[smem:$0x7F1] =	sst s1;
	s1 =	simm.s32 @!p0 $0x0  }
.Ltmp14:
0x492: {  	s1 =	simm.s32 @p0 $0x1;
	p0 =	seq.s32 s29, $0x1;
	(pc) =	sbr.rel .LBB2_22-.Ltmp14, $4  }
0x493: {  	p1 =	por @!p6 p4, p4;
	p3 =	por p2, p2;
	p0 =	por @!p6 p4, p4  }
0x494: {  	p5 =	por @!p6 $0x0, $0x0;
	[smem:$0x7F2] =	sst s1;
	s1 =	simm.s32 @!p0 $0x0  }
0x495: {  	p3 =	por @!p6 p4, p4;
	p4 =	por p2, p2;
	s1 =	simm.s32 @p0 $0x1  }
0x496: {  	p2 =	por @!p6 p5, p5;
	p4 =	por @!p6 p5, p5;
	[smem:$0x7F3] =	sst s1  }
.LBB2_24:
0x497: {  	p0 =	sle.s32 s22, $0x0  }
0x498: {  	s5 =	simm.s32 @!p0 $0x1  }
0x499: {  	_ =	swait.ge @!p0 [sflag:s5], $0x600  }
0x49a: {  	s1 =	simm.s32 $0x1;
	[sflag:s5] =	ssyncset.done @!p0 $0x0;
	s6 =	rddreg [dreg:$0x9]  }
.LBB2_25:
0x49b: {  	[sflag:s5] =	ssyncadd.s32 @!p0 $0xFFFFFA00;
	s5 =	smov.u32 s1;
	s1 =	sadd.s32 $0x1, s1  }
0x49c: {  	p1 =	sne.s32 s1, $0x40  }
.Ltmp15:
0x49d: {  	(pc) =	sbr.rel @p1 .LBB2_25-.Ltmp15, $4  }
0x49e: {  	p0 =	sge.s32 s5, s22  }
0x49f: {  	s5 =	simm.s32 @!p0 $0x1  }
0x4a0: {  	_ =	swait.ge @!p0 [sflag:s5], $0x600  }
0x4a1: {  	[sflag:s5] =	ssyncset.done @!p0 $0x0  }
0x4a2: {  	s6 =	sadd.s32 $0x1, s6;
	s1 =	rddreg [dreg:$0x8]  }
0x4a3: {  	p1 =	sne.s32 s6, s1  }
.Ltmp16:
0x4a4: {  	_ = 	snop;
	(pc) =	sbr.rel @p1 .LBB2_1-.Ltmp16, $2  }
0x4a5: {  	_ =	sdelay $0x2  }
0x4a6: {  	[sflag:s5] =	ssyncadd.s32 @!p0 $0xFFFFFA00  }
0x4a7: {  	_ =	sfence.sel $0x180000  }
0x4a8: {  	[bflag:$0x0] =	sbarrier.arrive $0xFFFF  }
0x4a9: {  	_ =	strace $0x90000047  }
0x4aa: {  	s0 =	stileid.u32;
	[bflag:$0x2] =	sbarrier.arrive $0xFFFF  }
0x4ab: {  	p0 =	sne.s32 s0, $0x0;
	s0 =	rddreg [dreg:$0x4]  }
0x4ac: {  	s0 =	sadd.s32 @!p0 $0x100000, s0  }
0x4ad: {  	[sflag:s0] =	ssyncadd.tile.s32 @!p0 $0x1;
	_ =	shalt  }
.Lfunc_end2:
_tile_overlayer_lowered:
.L_overlay_start_2:
0x4ae: {  	(tag) =	ssettag $0x2  }
0x4af: {  	s0 =	rddreg [dreg:$0x0];
	s2 =	stileid.u32  }
0x4b0: {  	s1 =	rddreg [dreg:$0x1];
	p0 =	sne.s32 s2, $0x0  }
0x4b1: {  	s3 =	rddreg [dreg:$0x2];
	[bflag:$0x3] =	sbarrier.arrive $0xFFFF;
	s2 =	simm.s32 @!p0 $0x1C02  }
0x4b2: {  	[timem:s3], [sflag:s2] =	dma.local @!p0 [hbm:s0], s1  }
0x4b3: {  	s0 =	simm.s32 @!p0 $0x2  }
0x4b4: {  	_ =	swait.ge @!p0 [sflag:s0], s1  }
0x4b5: {  	s1 =	ssub.s32 @!p0 $0x0, s1;
	[sflag:s0] =	ssyncset.done @!p0 $0x0  }
0x4b6: {  	[sflag:s0] =	ssyncadd.s32 @!p0 s1  }
0x4b7: {  	[bflag:$0x3] =	sbarrier.arrive $0xFFFF  }
0x4b8: {  	_ =	shalt  }

</sc_bundles>
